<compile_context>
chip_gen: v7x
topology: tpu7x:2x2x1
jax: 0.10.2.dev20260603
libtpu: 0.0.44.dev20260713+nightly
codegen_flags: <defaults>
</compile_context>

<pallas_src>
import functools

import jax
import jax.numpy as jnp
from jax import lax
from jax.experimental import pallas as pl
from jax.experimental.pallas import tpu as pltpu
from jax.experimental.pallas import tpu_sc as plsc

N = 10000
E = 320000
D = 128
NP = 10240
NC = 2
NS = 16
NW = NC * NS
EPW = E // NW
C = 80
NCH = EPW // C
EPP = NCH * C
NBC = 25
NBLK = NCH // NBC
STRIPE = NP // NS


@functools.lru_cache(maxsize=None)
def _sc_agg(W, with_deg):
    mesh = plsc.VectorSubcoreMesh(core_axis_name="c", subcore_axis_name="s",
                                  num_cores=NC, num_subcores=NS)
    NBUF = 16 if W <= 32 else (3 if with_deg else 4)
    out_type = [jax.ShapeDtypeStruct((NC, NP, W), jnp.float32)]
    scratch = [
        pltpu.VMEM((NBC, C), jnp.int32),
        pltpu.VMEM((NBC, C), jnp.int32),
        pltpu.VMEM((NBUF, C, W), jnp.float32),
        pltpu.VMEM_SHARED((NP, W), jnp.float32),
        pltpu.SemaphoreType.DMA,
        pltpu.SemaphoreType.DMA,
    ]
    if with_deg:
        out_type.append(jax.ShapeDtypeStruct((NC, NP), jnp.float32))
        scratch += [
            pltpu.VMEM((C,), jnp.float32),
            pltpu.VMEM_SHARED((NP,), jnp.float32),
            pltpu.SemaphoreType.DMA,
        ]

    def body(*refs):
        if with_deg:
            (table, src_r, dst_r, zrows,
             acc_out, deg_out, src_v, dst_v, rows_v, acc_sh, gsem, ssem,
             ones_v, deg_sh, dsem) = refs
        else:
            (table, src_r, dst_r, zrows,
             acc_out, src_v, dst_v, rows_v, acc_sh, gsem, ssem) = refs
        cid = lax.axis_index("c")
        sid = lax.axis_index("s")
        wid = sid * NC + cid
        base = sid * STRIPE
        for k in range(STRIPE // C):
            pltpu.sync_copy(zrows, acc_sh.at[pl.ds(base + k * C, C)])
        if with_deg:
            for j in range(C // 16):
                ones_v[pl.ds(j * 16, 16)] = jnp.zeros((16,), jnp.float32)
            for k in range(STRIPE // C):
                pltpu.sync_copy(ones_v, deg_sh.at[pl.ds(base + k * C, C)])
            for j in range(C // 16):
                ones_v[pl.ds(j * 16, 16)] = jnp.ones((16,), jnp.float32)
        plsc.subcore_barrier()

        def blk_body(blk, carry):
            pltpu.sync_copy(src_r.at[wid, blk], src_v)
            pltpu.sync_copy(dst_r.at[wid, blk], dst_v)
            for j in range(NBUF - 1):
                pltpu.async_copy(table.at[src_v.at[j]], rows_v.at[j], gsem)

            def step(i, carry2):
                b = lax.rem(i, NBUF)
                pltpu.make_async_copy(table.at[src_v.at[i]], rows_v.at[b],
                                      gsem).wait()
                pltpu.async_copy(rows_v.at[b], acc_sh.at[dst_v.at[i]],
                                 ssem, add=True)
                if with_deg:
                    pltpu.async_copy(ones_v, deg_sh.at[dst_v.at[i]],
                                     dsem, add=True)
                @pl.when(i > 0)
                def _():
                    pb = lax.rem(i + NBUF - 1, NBUF)
                    pltpu.make_async_copy(rows_v.at[pb],
                                          acc_sh.at[dst_v.at[i - 1]],
                                          ssem).wait()

                @pl.when(i + NBUF - 1 < NBC)
                def _():
                    pb = lax.rem(i + NBUF - 1, NBUF)
                    pltpu.async_copy(table.at[src_v.at[i + NBUF - 1]],
                                     rows_v.at[pb], gsem)
                return carry2

            lax.fori_loop(0, NBC, step, 0)
            lb = (NBC - 1) % NBUF
            pltpu.make_async_copy(rows_v.at[lb],
                                  acc_sh.at[dst_v.at[NBC - 1]],
                                  ssem).wait()
            if with_deg:
                def ddrain(k, carry3):
                    pltpu.make_async_copy(ones_v, deg_sh.at[dst_v.at[k]],
                                          dsem).wait()
                    return carry3

                lax.fori_loop(0, NBC, ddrain, 0)
            return carry

        lax.fori_loop(0, NBLK, blk_body, 0)
        plsc.subcore_barrier()
        pltpu.sync_copy(acc_sh.at[pl.ds(base, STRIPE)],
                        acc_out.at[cid, pl.ds(base, STRIPE)])
        if with_deg:
            pltpu.sync_copy(deg_sh.at[pl.ds(base, STRIPE)],
                            deg_out.at[cid, pl.ds(base, STRIPE)])

    params = None
    if W != D:
        params = pltpu.CompilerParams(use_tc_tiling_on_sc=False)
    return pl.kernel(body, out_type=out_type, mesh=mesh,
                     scratch_types=scratch, compiler_params=params)


R = 2048
_FIXED = lambda b: (0, 0)
_ROWB = lambda b: (b, 0)
_ACCB = lambda b: (0, b, 0)


def _tc_mid_call(proj):

    def kern(*refs):
        if proj:
            (acc_r, deg_r, h_r, wl_r, wr_r, b_r, g_r, be_r, w3_r,
             o_r, p_r) = refs
        else:
            acc_r, deg_r, h_r, wl_r, wr_r, b_r, g_r, be_r, o_r = refs
        a = acc_r[0] + acc_r[1]
        d = deg_r[0] + deg_r[1]
        mean = a * (1.0 / jnp.maximum(d, 1.0))
        z = lax.dot_general(mean, wl_r[...], (((1,), (1,)), ((), ())),
                            preferred_element_type=jnp.float32)
        z = z + lax.dot_general(h_r[...], wr_r[...], (((1,), (1,)), ((), ())),
                                preferred_element_type=jnp.float32)
        z = z + b_r[...]
        h = jnp.maximum(z, 0.0)
        mu = jnp.mean(h, axis=1, keepdims=True)
        var = jnp.mean((h - mu) ** 2, axis=1, keepdims=True)
        out = (h - mu) * lax.rsqrt(var + 1e-5) * g_r[...] + be_r[...]
        o_r[...] = out
        if proj:
            p_r[...] = lax.dot_general(out, w3_r[...], (((1,), (1,)), ((), ())),
                                       preferred_element_type=jnp.float32)

    in_specs = [
        pl.BlockSpec((NC, R, D), _ACCB),
        pl.BlockSpec((NC, R, 1), _ACCB),
        pl.BlockSpec((R, D), _ROWB),
        pl.BlockSpec((D, D), _FIXED),
        pl.BlockSpec((D, D), _FIXED),
        pl.BlockSpec((1, D), _FIXED),
        pl.BlockSpec((1, D), _FIXED),
        pl.BlockSpec((1, D), _FIXED),
    ]
    out_shape = [jax.ShapeDtypeStruct((NP, D), jnp.float32)]
    out_specs = [pl.BlockSpec((R, D), _ROWB)]
    if proj:
        in_specs.append(pl.BlockSpec((16, D), _FIXED))
        out_shape.append(jax.ShapeDtypeStruct((NP, 16), jnp.float32))
        out_specs.append(pl.BlockSpec((R, 16), _ROWB))
    return pl.pallas_call(kern, grid=(NP // R,), in_specs=in_specs,
                          out_specs=out_specs, out_shape=out_shape)


def _tc_last_call():

    def kern(acc_r, deg_r, h_r, wr_r, b_r, o_r):
        a = acc_r[0] + acc_r[1]
        d = deg_r[0] + deg_r[1]
        z = a * (1.0 / jnp.maximum(d, 1.0))
        z = z + lax.dot_general(h_r[...], wr_r[...], (((1,), (1,)), ((), ())),
                                preferred_element_type=jnp.float32)
        o_r[...] = z + b_r[...]

    in_specs = [
        pl.BlockSpec((NC, R, 16), _ACCB),
        pl.BlockSpec((NC, R, 1), _ACCB),
        pl.BlockSpec((R, D), _ROWB),
        pl.BlockSpec((16, D), _FIXED),
        pl.BlockSpec((1, 16), _FIXED),
    ]
    return pl.pallas_call(
        kern, grid=(NP // R,), in_specs=in_specs,
        out_specs=[pl.BlockSpec((R, 16), _ROWB)],
        out_shape=[jax.ShapeDtypeStruct((NP, 16), jnp.float32)])


_layer1 = _tc_mid_call(False)
_layer2 = _tc_mid_call(True)
_layer3 = _tc_last_call()


def kernel(x, edge_index, W1l, b1, W1r, g1, be1, W2l, b2, W2r, g2, be2,
           W3l, b3, W3r):
    f32 = jnp.float32
    src = edge_index[0].astype(jnp.int32).reshape(NW, NBLK, NBC, C)
    dst = edge_index[1].astype(jnp.int32).reshape(NW, NBLK, NBC, C)
    x_pad = jnp.pad(x, ((0, NP - N), (0, 0)))
    z128 = jnp.zeros((C, D), f32)
    z16 = jnp.zeros((C, 16), f32)
    w3l_pad = jnp.pad(W3l, ((0, 16 - 3), (0, 0)))
    w3r_pad = jnp.pad(W3r, ((0, 16 - 3), (0, 0)))
    b3r = jnp.pad(b3, (0, 16 - 3)).reshape(1, 16)

    acc1, deg2 = _sc_agg(D, True)(x_pad, src, dst, z128)
    deg = deg2.reshape(NC, NP, 1)
    (h1,) = _layer1(acc1, deg, x_pad, W1l, W1r, b1.reshape(1, D),
                    g1.reshape(1, D), be1.reshape(1, D))
    (acc2,) = _sc_agg(D, False)(h1, src, dst, z128)
    h2, p3 = _layer2(acc2, deg, h1, W2l, W2r, b2.reshape(1, D),
                     g2.reshape(1, D), be2.reshape(1, D), w3l_pad)
    (acc3,) = _sc_agg(16, False)(p3, src, dst, z16)
    (outp,) = _layer3(acc3, deg, h2, w3r_pad, b3r)
    return outp[:N, :3]

# --- scband reference (transcript-rebuilt; emitter-appended) ---
"""Pipeline reference for scband-sphere-repulsion-gnn-85487029059654 (READ-ONLY COPY).

The authoritative reference and input builder live on the scoring server;
editing this copy changes nothing except your own understanding.
"""

import jax, jax.numpy as jnp
import numpy as np

N = 10000
E = 320000
D = 128
H = 128
O = 3


def _glorot(key, shape):
    fan_in, fan_out = shape[1], shape[0]
    lim = (6.0 / (fan_in + fan_out)) ** 0.5
    return jax.random.uniform(key, shape, jnp.float32, -lim, lim)


def setup_inputs(seed: int = 0) -> dict:
    key = jax.random.key(seed)
    ks = jax.random.split(key, 16)
    x = jax.random.normal(ks[0], (N, D), dtype=jnp.float32)
    edge_index = jax.random.randint(ks[1], (2, E), 0, N, dtype=jnp.int64)
    W1l = _glorot(ks[2], (H, D)); b1 = jnp.zeros((H,), jnp.float32); W1r = _glorot(ks[3], (H, D))
    W2l = _glorot(ks[4], (H, H)); b2 = jnp.zeros((H,), jnp.float32); W2r = _glorot(ks[5], (H, H))
    W3l = _glorot(ks[6], (O, H)); b3 = jnp.zeros((O,), jnp.float32); W3r = _glorot(ks[7], (O, H))
    g1 = jnp.ones((H,), jnp.float32); be1 = jnp.zeros((H,), jnp.float32)
    g2 = jnp.ones((H,), jnp.float32); be2 = jnp.zeros((H,), jnp.float32)
    return {"x": x, "edge_index": edge_index,
            "W1l": W1l, "b1": b1, "W1r": W1r,
            "g1": g1, "be1": be1,
            "W2l": W2l, "b2": b2, "W2r": W2r,
            "g2": g2, "be2": be2,
            "W3l": W3l, "b3": b3, "W3r": W3r}


def _sage_conv(x, edge_index, Wl, b, Wr):
    # PyG SAGEConv (mean aggregation): out = lin_l(mean_{j in N(i)} x_j) + lin_r(x_i)
    src = edge_index[0]
    dst = edge_index[1]
    msgs = jnp.take(x, src, axis=0)
    agg = jax.ops.segment_sum(msgs, dst, num_segments=x.shape[0])
    deg = jax.ops.segment_sum(jnp.ones((edge_index.shape[1],), jnp.float32), dst, num_segments=x.shape[0])
    mean = agg / jnp.maximum(deg, 1.0)[:, None]
    return mean @ Wl.T + b + x @ Wr.T


def _layer_norm(h, g, b, eps=1e-5):
    mu = jnp.mean(h, axis=-1, keepdims=True)
    var = jnp.var(h, axis=-1, keepdims=True)
    return (h - mu) / jnp.sqrt(var + eps) * g + b


def reference(x, edge_index, W1l, b1, W1r, g1, be1, W2l, b2, W2r, g2, be2, W3l, b3, W3r):
    h = jax.nn.relu(_sage_conv(x, edge_index, W1l, b1, W1r))
    h = _layer_norm(h, g1, be1)
    h = jax.nn.relu(_sage_conv(h, edge_index, W2l, b2, W2r))
    h = _layer_norm(h, g2, be2)
    displacement = _sage_conv(h, edge_index, W3l, b3, W3r)
    return displacement

if __name__ == "__main__":
    import jax
    _d = setup_inputs()
    print(jax.jit(kernel)(*tuple(_d.values())))

</pallas_src>

<mosaic_0001>
#map = affine_map<(d0, d1) -> (0, 0)>
#map1 = affine_map<(d0, d1) -> (0, 0, 0, 0)>
#map2 = affine_map<(d0, d1) -> (0, 0, 0)>
module attributes {stable_mosaic.version = 14 : i64} {
  func.func @body(%arg0: i32, %arg1: i32, %arg2: memref<10240x16xf32, #tpu.memory_space<hbm>>, %arg3: memref<32x5x25x80xi32, #tpu.memory_space<hbm>>, %arg4: memref<32x5x25x80xi32, #tpu.memory_space<hbm>>, %arg5: memref<80x16xf32, #tpu.memory_space<hbm>>, %arg6: memref<2x10240x16xf32, #tpu.memory_space<hbm>>, %arg7: memref<25x80xi32, #tpu.memory_space<vmem>>, %arg8: memref<25x80xi32, #tpu.memory_space<vmem>>, %arg9: memref<16x80x16xf32, #tpu.memory_space<vmem>>, %arg10: memref<10240x16xf32, #tpu.memory_space<vmem_shared>>, %arg11: memref<!tpu.dma_semaphore, #tpu.memory_space<semaphore_mem>>, %arg12: memref<!tpu.dma_semaphore, #tpu.memory_space<semaphore_mem>>) attributes {dimension_semantics = [#tpu.dimension_semantics<core_parallel>, #tpu.dimension_semantics<subcore_parallel>], iteration_bounds = array<i64: 2, 16>, scalar_prefetch = 0 : i64, scratch_operands = 6 : i64, tpu.core_type = #tpu.core_type<sc_vector_subcore>, window_params = [{transform_indices = #map}, {transform_indices = #map1}, {transform_indices = #map1}, {transform_indices = #map}, {transform_indices = #map2}]} {
    %mul3A = arith.constant 2 : i32
    %mul3A_0 = arith.muli %arg1, %mul3A : i32
    %add3A = arith.addi %mul3A_0, %arg0 : i32
    %mul3A_1 = arith.constant 640 : i32
    %mul3A_2 = arith.muli %arg1, %mul3A_1 : i32
    %add3A_3 = arith.constant 0 : i32
    %add3A_4 = arith.addi %mul3A_2, %add3A_3 : i32
    "tpu.region"() ({
      %run_scoped3A = tpu.sem_alloc : memref<!tpu.dma_semaphore, #tpu.memory_space<semaphore_mem>>
      %dma_start3A = arith.constant 0 : i32
      %dma_start3A_25 = tpu.memref_slice %arg10[%add3A_4, %dma_start3A] : memref<10240x16xf32, #tpu.memory_space<vmem_shared>> -> memref<80x16xf32, #tpu.memory_space<vmem_shared>>
      tpu.enqueue_dma source(%arg5 : memref<80x16xf32, #tpu.memory_space<hbm>>) target(%dma_start3A_25 : memref<80x16xf32, #tpu.memory_space<vmem_shared>>) target_semaphore(%run_scoped3A : memref<!tpu.dma_semaphore, #tpu.memory_space<semaphore_mem>>)
      %dma_wait3A = arith.constant 0 : i32
      %dma_wait3A_26 = tpu.memref_slice %arg10[%add3A_4, %dma_wait3A] : memref<10240x16xf32, #tpu.memory_space<vmem_shared>> -> memref<80x16xf32, #tpu.memory_space<vmem_shared>>
      tpu.wait_dma2 semaphore(%run_scoped3A : memref<!tpu.dma_semaphore, #tpu.memory_space<semaphore_mem>>) src(%arg5 : memref<80x16xf32, #tpu.memory_space<hbm>>) dst(%dma_wait3A_26 : memref<80x16xf32, #tpu.memory_space<vmem_shared>>)
      tpu.yield
    }) : () -> ()
    %add3A_5 = arith.constant 80 : i32
    %add3A_6 = arith.addi %mul3A_2, %add3A_5 : i32
    "tpu.region"() ({
      %run_scoped3A = tpu.sem_alloc : memref<!tpu.dma_semaphore, #tpu.memory_space<semaphore_mem>>
      %dma_start3A = arith.constant 0 : i32
      %dma_start3A_25 = tpu.memref_slice %arg10[%add3A_6, %dma_start3A] : memref<10240x16xf32, #tpu.memory_space<vmem_shared>> -> memref<80x16xf32, #tpu.memory_space<vmem_shared>>
      tpu.enqueue_dma source(%arg5 : memref<80x16xf32, #tpu.memory_space<hbm>>) target(%dma_start3A_25 : memref<80x16xf32, #tpu.memory_space<vmem_shared>>) target_semaphore(%run_scoped3A : memref<!tpu.dma_semaphore, #tpu.memory_space<semaphore_mem>>)
      %dma_wait3A = arith.constant 0 : i32
      %dma_wait3A_26 = tpu.memref_slice %arg10[%add3A_6, %dma_wait3A] : memref<10240x16xf32, #tpu.memory_space<vmem_shared>> -> memref<80x16xf32, #tpu.memory_space<vmem_shared>>
      tpu.wait_dma2 semaphore(%run_scoped3A : memref<!tpu.dma_semaphore, #tpu.memory_space<semaphore_mem>>) src(%arg5 : memref<80x16xf32, #tpu.memory_space<hbm>>) dst(%dma_wait3A_26 : memref<80x16xf32, #tpu.memory_space<vmem_shared>>)
      tpu.yield
    }) : () -> ()
    %add3A_7 = arith.constant 160 : i32
    %add3A_8 = arith.addi %mul3A_2, %add3A_7 : i32
    "tpu.region"() ({
      %run_scoped3A = tpu.sem_alloc : memref<!tpu.dma_semaphore, #tpu.memory_space<semaphore_mem>>
      %dma_start3A = arith.constant 0 : i32
      %dma_start3A_25 = tpu.memref_slice %arg10[%add3A_8, %dma_start3A] : memref<10240x16xf32, #tpu.memory_space<vmem_shared>> -> memref<80x16xf32, #tpu.memory_space<vmem_shared>>
      tpu.enqueue_dma source(%arg5 : memref<80x16xf32, #tpu.memory_space<hbm>>) target(%dma_start3A_25 : memref<80x16xf32, #tpu.memory_space<vmem_shared>>) target_semaphore(%run_scoped3A : memref<!tpu.dma_semaphore, #tpu.memory_space<semaphore_mem>>)
      %dma_wait3A = arith.constant 0 : i32
      %dma_wait3A_26 = tpu.memref_slice %arg10[%add3A_8, %dma_wait3A] : memref<10240x16xf32, #tpu.memory_space<vmem_shared>> -> memref<80x16xf32, #tpu.memory_space<vmem_shared>>
      tpu.wait_dma2 semaphore(%run_scoped3A : memref<!tpu.dma_semaphore, #tpu.memory_space<semaphore_mem>>) src(%arg5 : memref<80x16xf32, #tpu.memory_space<hbm>>) dst(%dma_wait3A_26 : memref<80x16xf32, #tpu.memory_space<vmem_shared>>)
      tpu.yield
    }) : () -> ()
    %add3A_9 = arith.constant 240 : i32
    %add3A_10 = arith.addi %mul3A_2, %add3A_9 : i32
    "tpu.region"() ({
      %run_scoped3A = tpu.sem_alloc : memref<!tpu.dma_semaphore, #tpu.memory_space<semaphore_mem>>
      %dma_start3A = arith.constant 0 : i32
      %dma_start3A_25 = tpu.memref_slice %arg10[%add3A_10, %dma_start3A] : memref<10240x16xf32, #tpu.memory_space<vmem_shared>> -> memref<80x16xf32, #tpu.memory_space<vmem_shared>>
      tpu.enqueue_dma source(%arg5 : memref<80x16xf32, #tpu.memory_space<hbm>>) target(%dma_start3A_25 : memref<80x16xf32, #tpu.memory_space<vmem_shared>>) target_semaphore(%run_scoped3A : memref<!tpu.dma_semaphore, #tpu.memory_space<semaphore_mem>>)
      %dma_wait3A = arith.constant 0 : i32
      %dma_wait3A_26 = tpu.memref_slice %arg10[%add3A_10, %dma_wait3A] : memref<10240x16xf32, #tpu.memory_space<vmem_shared>> -> memref<80x16xf32, #tpu.memory_space<vmem_shared>>
      tpu.wait_dma2 semaphore(%run_scoped3A : memref<!tpu.dma_semaphore, #tpu.memory_space<semaphore_mem>>) src(%arg5 : memref<80x16xf32, #tpu.memory_space<hbm>>) dst(%dma_wait3A_26 : memref<80x16xf32, #tpu.memory_space<vmem_shared>>)
      tpu.yield
    }) : () -> ()
    %add3A_11 = arith.constant 320 : i32
    %add3A_12 = arith.addi %mul3A_2, %add3A_11 : i32
    "tpu.region"() ({
      %run_scoped3A = tpu.sem_alloc : memref<!tpu.dma_semaphore, #tpu.memory_space<semaphore_mem>>
      %dma_start3A = arith.constant 0 : i32
      %dma_start3A_25 = tpu.memref_slice %arg10[%add3A_12, %dma_start3A] : memref<10240x16xf32, #tpu.memory_space<vmem_shared>> -> memref<80x16xf32, #tpu.memory_space<vmem_shared>>
      tpu.enqueue_dma source(%arg5 : memref<80x16xf32, #tpu.memory_space<hbm>>) target(%dma_start3A_25 : memref<80x16xf32, #tpu.memory_space<vmem_shared>>) target_semaphore(%run_scoped3A : memref<!tpu.dma_semaphore, #tpu.memory_space<semaphore_mem>>)
      %dma_wait3A = arith.constant 0 : i32
      %dma_wait3A_26 = tpu.memref_slice %arg10[%add3A_12, %dma_wait3A] : memref<10240x16xf32, #tpu.memory_space<vmem_shared>> -> memref<80x16xf32, #tpu.memory_space<vmem_shared>>
      tpu.wait_dma2 semaphore(%run_scoped3A : memref<!tpu.dma_semaphore, #tpu.memory_space<semaphore_mem>>) src(%arg5 : memref<80x16xf32, #tpu.memory_space<hbm>>) dst(%dma_wait3A_26 : memref<80x16xf32, #tpu.memory_space<vmem_shared>>)
      tpu.yield
    }) : () -> ()
    %add3A_13 = arith.constant 400 : i32
    %add3A_14 = arith.addi %mul3A_2, %add3A_13 : i32
    "tpu.region"() ({
      %run_scoped3A = tpu.sem_alloc : memref<!tpu.dma_semaphore, #tpu.memory_space<semaphore_mem>>
      %dma_start3A = arith.constant 0 : i32
      %dma_start3A_25 = tpu.memref_slice %arg10[%add3A_14, %dma_start3A] : memref<10240x16xf32, #tpu.memory_space<vmem_shared>> -> memref<80x16xf32, #tpu.memory_space<vmem_shared>>
      tpu.enqueue_dma source(%arg5 : memref<80x16xf32, #tpu.memory_space<hbm>>) target(%dma_start3A_25 : memref<80x16xf32, #tpu.memory_space<vmem_shared>>) target_semaphore(%run_scoped3A : memref<!tpu.dma_semaphore, #tpu.memory_space<semaphore_mem>>)
      %dma_wait3A = arith.constant 0 : i32
      %dma_wait3A_26 = tpu.memref_slice %arg10[%add3A_14, %dma_wait3A] : memref<10240x16xf32, #tpu.memory_space<vmem_shared>> -> memref<80x16xf32, #tpu.memory_space<vmem_shared>>
      tpu.wait_dma2 semaphore(%run_scoped3A : memref<!tpu.dma_semaphore, #tpu.memory_space<semaphore_mem>>) src(%arg5 : memref<80x16xf32, #tpu.memory_space<hbm>>) dst(%dma_wait3A_26 : memref<80x16xf32, #tpu.memory_space<vmem_shared>>)
      tpu.yield
    }) : () -> ()
    %add3A_15 = arith.constant 480 : i32
    %add3A_16 = arith.addi %mul3A_2, %add3A_15 : i32
    "tpu.region"() ({
      %run_scoped3A = tpu.sem_alloc : memref<!tpu.dma_semaphore, #tpu.memory_space<semaphore_mem>>
      %dma_start3A = arith.constant 0 : i32
      %dma_start3A_25 = tpu.memref_slice %arg10[%add3A_16, %dma_start3A] : memref<10240x16xf32, #tpu.memory_space<vmem_shared>> -> memref<80x16xf32, #tpu.memory_space<vmem_shared>>
      tpu.enqueue_dma source(%arg5 : memref<80x16xf32, #tpu.memory_space<hbm>>) target(%dma_start3A_25 : memref<80x16xf32, #tpu.memory_space<vmem_shared>>) target_semaphore(%run_scoped3A : memref<!tpu.dma_semaphore, #tpu.memory_space<semaphore_mem>>)
      %dma_wait3A = arith.constant 0 : i32
      %dma_wait3A_26 = tpu.memref_slice %arg10[%add3A_16, %dma_wait3A] : memref<10240x16xf32, #tpu.memory_space<vmem_shared>> -> memref<80x16xf32, #tpu.memory_space<vmem_shared>>
      tpu.wait_dma2 semaphore(%run_scoped3A : memref<!tpu.dma_semaphore, #tpu.memory_space<semaphore_mem>>) src(%arg5 : memref<80x16xf32, #tpu.memory_space<hbm>>) dst(%dma_wait3A_26 : memref<80x16xf32, #tpu.memory_space<vmem_shared>>)
      tpu.yield
    }) : () -> ()
    %add3A_17 = arith.constant 560 : i32
    %add3A_18 = arith.addi %mul3A_2, %add3A_17 : i32
    "tpu.region"() ({
      %run_scoped3A = tpu.sem_alloc : memref<!tpu.dma_semaphore, #tpu.memory_space<semaphore_mem>>
      %dma_start3A = arith.constant 0 : i32
      %dma_start3A_25 = tpu.memref_slice %arg10[%add3A_18, %dma_start3A] : memref<10240x16xf32, #tpu.memory_space<vmem_shared>> -> memref<80x16xf32, #tpu.memory_space<vmem_shared>>
      tpu.enqueue_dma source(%arg5 : memref<80x16xf32, #tpu.memory_space<hbm>>) target(%dma_start3A_25 : memref<80x16xf32, #tpu.memory_space<vmem_shared>>) target_semaphore(%run_scoped3A : memref<!tpu.dma_semaphore, #tpu.memory_space<semaphore_mem>>)
      %dma_wait3A = arith.constant 0 : i32
      %dma_wait3A_26 = tpu.memref_slice %arg10[%add3A_18, %dma_wait3A] : memref<10240x16xf32, #tpu.memory_space<vmem_shared>> -> memref<80x16xf32, #tpu.memory_space<vmem_shared>>
      tpu.wait_dma2 semaphore(%run_scoped3A : memref<!tpu.dma_semaphore, #tpu.memory_space<semaphore_mem>>) src(%arg5 : memref<80x16xf32, #tpu.memory_space<hbm>>) dst(%dma_wait3A_26 : memref<80x16xf32, #tpu.memory_space<vmem_shared>>)
      tpu.yield
    }) : () -> ()
    %barrier3A = arith.constant 0 : index
    tpu.barrier barrier_id(%barrier3A)
    %scan3A = arith.constant 0 : i32
    %scan3A_19 = arith.constant 0 : i32
    %scan3A_20 = arith.constant 5 : i32
    %scan3A_21 = arith.addi %scan3A_19, %scan3A_20 : i32
    %scan3A_22 = arith.constant 1 : i32
    scf.for %scan3A_25 = %scan3A_19 to %scan3A_21 step %scan3A_22  : i32 {
      "tpu.region"() ({
        %run_scoped3A = tpu.sem_alloc : memref<!tpu.dma_semaphore, #tpu.memory_space<semaphore_mem>>
        %dma_start3A_222 = arith.constant 0 : i32
        %dma_start3A_223 = arith.constant 0 : i32
        %dma_start3A_224 = tpu.memref_slice %arg3[%add3A, %scan3A_25, %dma_start3A_222, %dma_start3A_223] : memref<32x5x25x80xi32, #tpu.memory_space<hbm>> -> memref<1x1x25x80xi32, #tpu.memory_space<hbm>>
        %dma_start3A_225 = tpu.memref_squeeze %dma_start3A_224 : memref<1x1x25x80xi32, #tpu.memory_space<hbm>> -> memref<25x80xi32, #tpu.memory_space<hbm>>
        %dma_start3A_226 = arith.constant 0 : i32
        %dma_start3A_227 = arith.constant 0 : i32
        %dma_start3A_228 = tpu.memref_slice %arg3[%add3A, %scan3A_25, %dma_start3A_226, %dma_start3A_227] : memref<32x5x25x80xi32, #tpu.memory_space<hbm>> -> memref<1x1x25x80xi32, #tpu.memory_space<hbm>>
        %dma_start3A_229 = tpu.memref_squeeze %dma_start3A_228 : memref<1x1x25x80xi32, #tpu.memory_space<hbm>> -> memref<25x80xi32, #tpu.memory_space<hbm>>
        tpu.enqueue_dma source(%dma_start3A_229 : memref<25x80xi32, #tpu.memory_space<hbm>>) target(%arg7 : memref<25x80xi32, #tpu.memory_space<vmem>>) target_semaphore(%run_scoped3A : memref<!tpu.dma_semaphore, #tpu.memory_space<semaphore_mem>>)
        %dma_wait3A_230 = arith.constant 0 : i32
        %dma_wait3A_231 = arith.constant 0 : i32
        %dma_wait3A_232 = tpu.memref_slice %arg3[%add3A, %scan3A_25, %dma_wait3A_230, %dma_wait3A_231] : memref<32x5x25x80xi32, #tpu.memory_space<hbm>> -> memref<1x1x25x80xi32, #tpu.memory_space<hbm>>
        %dma_wait3A_233 = tpu.memref_squeeze %dma_wait3A_232 : memref<1x1x25x80xi32, #tpu.memory_space<hbm>> -> memref<25x80xi32, #tpu.memory_space<hbm>>
        %dma_wait3A_234 = arith.constant 0 : i32
        %dma_wait3A_235 = arith.constant 0 : i32
        %dma_wait3A_236 = tpu.memref_slice %arg3[%add3A, %scan3A_25, %dma_wait3A_234, %dma_wait3A_235] : memref<32x5x25x80xi32, #tpu.memory_space<hbm>> -> memref<1x1x25x80xi32, #tpu.memory_space<hbm>>
        %dma_wait3A_237 = tpu.memref_squeeze %dma_wait3A_236 : memref<1x1x25x80xi32, #tpu.memory_space<hbm>> -> memref<25x80xi32, #tpu.memory_space<hbm>>
        tpu.wait_dma2 semaphore(%run_scoped3A : memref<!tpu.dma_semaphore, #tpu.memory_space<semaphore_mem>>) src(%dma_wait3A_237 : memref<25x80xi32, #tpu.memory_space<hbm>>) dst(%arg7 : memref<25x80xi32, #tpu.memory_space<vmem>>)
        tpu.yield
      }) : () -> ()
      "tpu.region"() ({
        %run_scoped3A = tpu.sem_alloc : memref<!tpu.dma_semaphore, #tpu.memory_space<semaphore_mem>>
        %dma_start3A_222 = arith.constant 0 : i32
        %dma_start3A_223 = arith.constant 0 : i32
        %dma_start3A_224 = tpu.memref_slice %arg4[%add3A, %scan3A_25, %dma_start3A_222, %dma_start3A_223] : memref<32x5x25x80xi32, #tpu.memory_space<hbm>> -> memref<1x1x25x80xi32, #tpu.memory_space<hbm>>
        %dma_start3A_225 = tpu.memref_squeeze %dma_start3A_224 : memref<1x1x25x80xi32, #tpu.memory_space<hbm>> -> memref<25x80xi32, #tpu.memory_space<hbm>>
        %dma_start3A_226 = arith.constant 0 : i32
        %dma_start3A_227 = arith.constant 0 : i32
        %dma_start3A_228 = tpu.memref_slice %arg4[%add3A, %scan3A_25, %dma_start3A_226, %dma_start3A_227] : memref<32x5x25x80xi32, #tpu.memory_space<hbm>> -> memref<1x1x25x80xi32, #tpu.memory_space<hbm>>
        %dma_start3A_229 = tpu.memref_squeeze %dma_start3A_228 : memref<1x1x25x80xi32, #tpu.memory_space<hbm>> -> memref<25x80xi32, #tpu.memory_space<hbm>>
        tpu.enqueue_dma source(%dma_start3A_229 : memref<25x80xi32, #tpu.memory_space<hbm>>) target(%arg8 : memref<25x80xi32, #tpu.memory_space<vmem>>) target_semaphore(%run_scoped3A : memref<!tpu.dma_semaphore, #tpu.memory_space<semaphore_mem>>)
        %dma_wait3A_230 = arith.constant 0 : i32
        %dma_wait3A_231 = arith.constant 0 : i32
        %dma_wait3A_232 = tpu.memref_slice %arg4[%add3A, %scan3A_25, %dma_wait3A_230, %dma_wait3A_231] : memref<32x5x25x80xi32, #tpu.memory_space<hbm>> -> memref<1x1x25x80xi32, #tpu.memory_space<hbm>>
        %dma_wait3A_233 = tpu.memref_squeeze %dma_wait3A_232 : memref<1x1x25x80xi32, #tpu.memory_space<hbm>> -> memref<25x80xi32, #tpu.memory_space<hbm>>
        %dma_wait3A_234 = arith.constant 0 : i32
        %dma_wait3A_235 = arith.constant 0 : i32
        %dma_wait3A_236 = tpu.memref_slice %arg4[%add3A, %scan3A_25, %dma_wait3A_234, %dma_wait3A_235] : memref<32x5x25x80xi32, #tpu.memory_space<hbm>> -> memref<1x1x25x80xi32, #tpu.memory_space<hbm>>
        %dma_wait3A_237 = tpu.memref_squeeze %dma_wait3A_236 : memref<1x1x25x80xi32, #tpu.memory_space<hbm>> -> memref<25x80xi32, #tpu.memory_space<hbm>>
        tpu.wait_dma2 semaphore(%run_scoped3A : memref<!tpu.dma_semaphore, #tpu.memory_space<semaphore_mem>>) src(%dma_wait3A_237 : memref<25x80xi32, #tpu.memory_space<hbm>>) dst(%arg8 : memref<25x80xi32, #tpu.memory_space<vmem>>)
        tpu.yield
      }) : () -> ()
      %dma_start3A = arith.constant 0 : i32
      %dma_start3A_26 = arith.constant 0 : i32
      %dma_start3A_27 = arith.constant 0 : i32
      %dma_start3A_28 = arith.constant 0 : i32
      %dma_start3A_29 = tpu.memref_slice %arg9[%dma_start3A_26, %dma_start3A_27, %dma_start3A_28] : memref<16x80x16xf32, #tpu.memory_space<vmem>> -> memref<1x80x16xf32, #tpu.memory_space<vmem>>
      %dma_start3A_30 = tpu.memref_squeeze %dma_start3A_29 : memref<1x80x16xf32, #tpu.memory_space<vmem>> -> memref<80x16xf32, #tpu.memory_space<vmem>>
      %dma_start3A_31 = arith.constant 0 : i32
      %dma_start3A_32 = tpu.memref_slice %arg7[%dma_start3A, %dma_start3A_31] : memref<25x80xi32, #tpu.memory_space<vmem>> -> memref<1x80xi32, #tpu.memory_space<vmem>>
      %dma_start3A_33 = tpu.memref_squeeze %dma_start3A_32 : memref<1x80xi32, #tpu.memory_space<vmem>> -> memref<80xi32, #tpu.memory_space<vmem>>
      %dma_start3A_34 = arith.constant 0 : i32
      %dma_start3A_35 = arith.constant 0 : i32
      %dma_start3A_36 = tpu.memref_slice %arg2[%dma_start3A_34, %dma_start3A_35] : memref<10240x16xf32, #tpu.memory_space<hbm>> -> memref<10240x16xf32, #tpu.memory_space<hbm>>
      tpu.enqueue_indirect_dma source(%dma_start3A_36 : memref<10240x16xf32, #tpu.memory_space<hbm>>) target(%dma_start3A_30 : memref<80x16xf32, #tpu.memory_space<vmem>>) offsets(%dma_start3A_33 : memref<80xi32, #tpu.memory_space<vmem>>) semaphore(%arg11 : memref<!tpu.dma_semaphore, #tpu.memory_space<semaphore_mem>>)
      %dma_start3A_37 = arith.constant 1 : i32
      %dma_start3A_38 = arith.constant 1 : i32
      %dma_start3A_39 = arith.constant 0 : i32
      %dma_start3A_40 = arith.constant 0 : i32
      %dma_start3A_41 = tpu.memref_slice %arg9[%dma_start3A_38, %dma_start3A_39, %dma_start3A_40] : memref<16x80x16xf32, #tpu.memory_space<vmem>> -> memref<1x80x16xf32, #tpu.memory_space<vmem>>
      %dma_start3A_42 = tpu.memref_squeeze %dma_start3A_41 : memref<1x80x16xf32, #tpu.memory_space<vmem>> -> memref<80x16xf32, #tpu.memory_space<vmem>>
      %dma_start3A_43 = arith.constant 0 : i32
      %dma_start3A_44 = tpu.memref_slice %arg7[%dma_start3A_37, %dma_start3A_43] : memref<25x80xi32, #tpu.memory_space<vmem>> -> memref<1x80xi32, #tpu.memory_space<vmem>>
      %dma_start3A_45 = tpu.memref_squeeze %dma_start3A_44 : memref<1x80xi32, #tpu.memory_space<vmem>> -> memref<80xi32, #tpu.memory_space<vmem>>
      %dma_start3A_46 = arith.constant 0 : i32
      %dma_start3A_47 = arith.constant 0 : i32
      %dma_start3A_48 = tpu.memref_slice %arg2[%dma_start3A_46, %dma_start3A_47] : memref<10240x16xf32, #tpu.memory_space<hbm>> -> memref<10240x16xf32, #tpu.memory_space<hbm>>
      tpu.enqueue_indirect_dma source(%dma_start3A_48 : memref<10240x16xf32, #tpu.memory_space<hbm>>) target(%dma_start3A_42 : memref<80x16xf32, #tpu.memory_space<vmem>>) offsets(%dma_start3A_45 : memref<80xi32, #tpu.memory_space<vmem>>) semaphore(%arg11 : memref<!tpu.dma_semaphore, #tpu.memory_space<semaphore_mem>>)
      %dma_start3A_49 = arith.constant 2 : i32
      %dma_start3A_50 = arith.constant 2 : i32
      %dma_start3A_51 = arith.constant 0 : i32
      %dma_start3A_52 = arith.constant 0 : i32
      %dma_start3A_53 = tpu.memref_slice %arg9[%dma_start3A_50, %dma_start3A_51, %dma_start3A_52] : memref<16x80x16xf32, #tpu.memory_space<vmem>> -> memref<1x80x16xf32, #tpu.memory_space<vmem>>
      %dma_start3A_54 = tpu.memref_squeeze %dma_start3A_53 : memref<1x80x16xf32, #tpu.memory_space<vmem>> -> memref<80x16xf32, #tpu.memory_space<vmem>>
      %dma_start3A_55 = arith.constant 0 : i32
      %dma_start3A_56 = tpu.memref_slice %arg7[%dma_start3A_49, %dma_start3A_55] : memref<25x80xi32, #tpu.memory_space<vmem>> -> memref<1x80xi32, #tpu.memory_space<vmem>>
      %dma_start3A_57 = tpu.memref_squeeze %dma_start3A_56 : memref<1x80xi32, #tpu.memory_space<vmem>> -> memref<80xi32, #tpu.memory_space<vmem>>
      %dma_start3A_58 = arith.constant 0 : i32
      %dma_start3A_59 = arith.constant 0 : i32
      %dma_start3A_60 = tpu.memref_slice %arg2[%dma_start3A_58, %dma_start3A_59] : memref<10240x16xf32, #tpu.memory_space<hbm>> -> memref<10240x16xf32, #tpu.memory_space<hbm>>
      tpu.enqueue_indirect_dma source(%dma_start3A_60 : memref<10240x16xf32, #tpu.memory_space<hbm>>) target(%dma_start3A_54 : memref<80x16xf32, #tpu.memory_space<vmem>>) offsets(%dma_start3A_57 : memref<80xi32, #tpu.memory_space<vmem>>) semaphore(%arg11 : memref<!tpu.dma_semaphore, #tpu.memory_space<semaphore_mem>>)
      %dma_start3A_61 = arith.constant 3 : i32
      %dma_start3A_62 = arith.constant 3 : i32
      %dma_start3A_63 = arith.constant 0 : i32
      %dma_start3A_64 = arith.constant 0 : i32
      %dma_start3A_65 = tpu.memref_slice %arg9[%dma_start3A_62, %dma_start3A_63, %dma_start3A_64] : memref<16x80x16xf32, #tpu.memory_space<vmem>> -> memref<1x80x16xf32, #tpu.memory_space<vmem>>
      %dma_start3A_66 = tpu.memref_squeeze %dma_start3A_65 : memref<1x80x16xf32, #tpu.memory_space<vmem>> -> memref<80x16xf32, #tpu.memory_space<vmem>>
      %dma_start3A_67 = arith.constant 0 : i32
      %dma_start3A_68 = tpu.memref_slice %arg7[%dma_start3A_61, %dma_start3A_67] : memref<25x80xi32, #tpu.memory_space<vmem>> -> memref<1x80xi32, #tpu.memory_space<vmem>>
      %dma_start3A_69 = tpu.memref_squeeze %dma_start3A_68 : memref<1x80xi32, #tpu.memory_space<vmem>> -> memref<80xi32, #tpu.memory_space<vmem>>
      %dma_start3A_70 = arith.constant 0 : i32
      %dma_start3A_71 = arith.constant 0 : i32
      %dma_start3A_72 = tpu.memref_slice %arg2[%dma_start3A_70, %dma_start3A_71] : memref<10240x16xf32, #tpu.memory_space<hbm>> -> memref<10240x16xf32, #tpu.memory_space<hbm>>
      tpu.enqueue_indirect_dma source(%dma_start3A_72 : memref<10240x16xf32, #tpu.memory_space<hbm>>) target(%dma_start3A_66 : memref<80x16xf32, #tpu.memory_space<vmem>>) offsets(%dma_start3A_69 : memref<80xi32, #tpu.memory_space<vmem>>) semaphore(%arg11 : memref<!tpu.dma_semaphore, #tpu.memory_space<semaphore_mem>>)
      %dma_start3A_73 = arith.constant 4 : i32
      %dma_start3A_74 = arith.constant 4 : i32
      %dma_start3A_75 = arith.constant 0 : i32
      %dma_start3A_76 = arith.constant 0 : i32
      %dma_start3A_77 = tpu.memref_slice %arg9[%dma_start3A_74, %dma_start3A_75, %dma_start3A_76] : memref<16x80x16xf32, #tpu.memory_space<vmem>> -> memref<1x80x16xf32, #tpu.memory_space<vmem>>
      %dma_start3A_78 = tpu.memref_squeeze %dma_start3A_77 : memref<1x80x16xf32, #tpu.memory_space<vmem>> -> memref<80x16xf32, #tpu.memory_space<vmem>>
      %dma_start3A_79 = arith.constant 0 : i32
      %dma_start3A_80 = tpu.memref_slice %arg7[%dma_start3A_73, %dma_start3A_79] : memref<25x80xi32, #tpu.memory_space<vmem>> -> memref<1x80xi32, #tpu.memory_space<vmem>>
      %dma_start3A_81 = tpu.memref_squeeze %dma_start3A_80 : memref<1x80xi32, #tpu.memory_space<vmem>> -> memref<80xi32, #tpu.memory_space<vmem>>
      %dma_start3A_82 = arith.constant 0 : i32
      %dma_start3A_83 = arith.constant 0 : i32
      %dma_start3A_84 = tpu.memref_slice %arg2[%dma_start3A_82, %dma_start3A_83] : memref<10240x16xf32, #tpu.memory_space<hbm>> -> memref<10240x16xf32, #tpu.memory_space<hbm>>
      tpu.enqueue_indirect_dma source(%dma_start3A_84 : memref<10240x16xf32, #tpu.memory_space<hbm>>) target(%dma_start3A_78 : memref<80x16xf32, #tpu.memory_space<vmem>>) offsets(%dma_start3A_81 : memref<80xi32, #tpu.memory_space<vmem>>) semaphore(%arg11 : memref<!tpu.dma_semaphore, #tpu.memory_space<semaphore_mem>>)
      %dma_start3A_85 = arith.constant 5 : i32
      %dma_start3A_86 = arith.constant 5 : i32
      %dma_start3A_87 = arith.constant 0 : i32
      %dma_start3A_88 = arith.constant 0 : i32
      %dma_start3A_89 = tpu.memref_slice %arg9[%dma_start3A_86, %dma_start3A_87, %dma_start3A_88] : memref<16x80x16xf32, #tpu.memory_space<vmem>> -> memref<1x80x16xf32, #tpu.memory_space<vmem>>
      %dma_start3A_90 = tpu.memref_squeeze %dma_start3A_89 : memref<1x80x16xf32, #tpu.memory_space<vmem>> -> memref<80x16xf32, #tpu.memory_space<vmem>>
      %dma_start3A_91 = arith.constant 0 : i32
      %dma_start3A_92 = tpu.memref_slice %arg7[%dma_start3A_85, %dma_start3A_91] : memref<25x80xi32, #tpu.memory_space<vmem>> -> memref<1x80xi32, #tpu.memory_space<vmem>>
      %dma_start3A_93 = tpu.memref_squeeze %dma_start3A_92 : memref<1x80xi32, #tpu.memory_space<vmem>> -> memref<80xi32, #tpu.memory_space<vmem>>
      %dma_start3A_94 = arith.constant 0 : i32
      %dma_start3A_95 = arith.constant 0 : i32
      %dma_start3A_96 = tpu.memref_slice %arg2[%dma_start3A_94, %dma_start3A_95] : memref<10240x16xf32, #tpu.memory_space<hbm>> -> memref<10240x16xf32, #tpu.memory_space<hbm>>
      tpu.enqueue_indirect_dma source(%dma_start3A_96 : memref<10240x16xf32, #tpu.memory_space<hbm>>) target(%dma_start3A_90 : memref<80x16xf32, #tpu.memory_space<vmem>>) offsets(%dma_start3A_93 : memref<80xi32, #tpu.memory_space<vmem>>) semaphore(%arg11 : memref<!tpu.dma_semaphore, #tpu.memory_space<semaphore_mem>>)
      %dma_start3A_97 = arith.constant 6 : i32
      %dma_start3A_98 = arith.constant 6 : i32
      %dma_start3A_99 = arith.constant 0 : i32
      %dma_start3A_100 = arith.constant 0 : i32
      %dma_start3A_101 = tpu.memref_slice %arg9[%dma_start3A_98, %dma_start3A_99, %dma_start3A_100] : memref<16x80x16xf32, #tpu.memory_space<vmem>> -> memref<1x80x16xf32, #tpu.memory_space<vmem>>
      %dma_start3A_102 = tpu.memref_squeeze %dma_start3A_101 : memref<1x80x16xf32, #tpu.memory_space<vmem>> -> memref<80x16xf32, #tpu.memory_space<vmem>>
      %dma_start3A_103 = arith.constant 0 : i32
      %dma_start3A_104 = tpu.memref_slice %arg7[%dma_start3A_97, %dma_start3A_103] : memref<25x80xi32, #tpu.memory_space<vmem>> -> memref<1x80xi32, #tpu.memory_space<vmem>>
      %dma_start3A_105 = tpu.memref_squeeze %dma_start3A_104 : memref<1x80xi32, #tpu.memory_space<vmem>> -> memref<80xi32, #tpu.memory_space<vmem>>
      %dma_start3A_106 = arith.constant 0 : i32
      %dma_start3A_107 = arith.constant 0 : i32
      %dma_start3A_108 = tpu.memref_slice %arg2[%dma_start3A_106, %dma_start3A_107] : memref<10240x16xf32, #tpu.memory_space<hbm>> -> memref<10240x16xf32, #tpu.memory_space<hbm>>
      tpu.enqueue_indirect_dma source(%dma_start3A_108 : memref<10240x16xf32, #tpu.memory_space<hbm>>) target(%dma_start3A_102 : memref<80x16xf32, #tpu.memory_space<vmem>>) offsets(%dma_start3A_105 : memref<80xi32, #tpu.memory_space<vmem>>) semaphore(%arg11 : memref<!tpu.dma_semaphore, #tpu.memory_space<semaphore_mem>>)
      %dma_start3A_109 = arith.constant 7 : i32
      %dma_start3A_110 = arith.constant 7 : i32
      %dma_start3A_111 = arith.constant 0 : i32
      %dma_start3A_112 = arith.constant 0 : i32
      %dma_start3A_113 = tpu.memref_slice %arg9[%dma_start3A_110, %dma_start3A_111, %dma_start3A_112] : memref<16x80x16xf32, #tpu.memory_space<vmem>> -> memref<1x80x16xf32, #tpu.memory_space<vmem>>
      %dma_start3A_114 = tpu.memref_squeeze %dma_start3A_113 : memref<1x80x16xf32, #tpu.memory_space<vmem>> -> memref<80x16xf32, #tpu.memory_space<vmem>>
      %dma_start3A_115 = arith.constant 0 : i32
      %dma_start3A_116 = tpu.memref_slice %arg7[%dma_start3A_109, %dma_start3A_115] : memref<25x80xi32, #tpu.memory_space<vmem>> -> memref<1x80xi32, #tpu.memory_space<vmem>>
      %dma_start3A_117 = tpu.memref_squeeze %dma_start3A_116 : memref<1x80xi32, #tpu.memory_space<vmem>> -> memref<80xi32, #tpu.memory_space<vmem>>
      %dma_start3A_118 = arith.constant 0 : i32
      %dma_start3A_119 = arith.constant 0 : i32
      %dma_start3A_120 = tpu.memref_slice %arg2[%dma_start3A_118, %dma_start3A_119] : memref<10240x16xf32, #tpu.memory_space<hbm>> -> memref<10240x16xf32, #tpu.memory_space<hbm>>
      tpu.enqueue_indirect_dma source(%dma_start3A_120 : memref<10240x16xf32, #tpu.memory_space<hbm>>) target(%dma_start3A_114 : memref<80x16xf32, #tpu.memory_space<vmem>>) offsets(%dma_start3A_117 : memref<80xi32, #tpu.memory_space<vmem>>) semaphore(%arg11 : memref<!tpu.dma_semaphore, #tpu.memory_space<semaphore_mem>>)
      %dma_start3A_121 = arith.constant 8 : i32
      %dma_start3A_122 = arith.constant 8 : i32
      %dma_start3A_123 = arith.constant 0 : i32
      %dma_start3A_124 = arith.constant 0 : i32
      %dma_start3A_125 = tpu.memref_slice %arg9[%dma_start3A_122, %dma_start3A_123, %dma_start3A_124] : memref<16x80x16xf32, #tpu.memory_space<vmem>> -> memref<1x80x16xf32, #tpu.memory_space<vmem>>
      %dma_start3A_126 = tpu.memref_squeeze %dma_start3A_125 : memref<1x80x16xf32, #tpu.memory_space<vmem>> -> memref<80x16xf32, #tpu.memory_space<vmem>>
      %dma_start3A_127 = arith.constant 0 : i32
      %dma_start3A_128 = tpu.memref_slice %arg7[%dma_start3A_121, %dma_start3A_127] : memref<25x80xi32, #tpu.memory_space<vmem>> -> memref<1x80xi32, #tpu.memory_space<vmem>>
      %dma_start3A_129 = tpu.memref_squeeze %dma_start3A_128 : memref<1x80xi32, #tpu.memory_space<vmem>> -> memref<80xi32, #tpu.memory_space<vmem>>
      %dma_start3A_130 = arith.constant 0 : i32
      %dma_start3A_131 = arith.constant 0 : i32
      %dma_start3A_132 = tpu.memref_slice %arg2[%dma_start3A_130, %dma_start3A_131] : memref<10240x16xf32, #tpu.memory_space<hbm>> -> memref<10240x16xf32, #tpu.memory_space<hbm>>
      tpu.enqueue_indirect_dma source(%dma_start3A_132 : memref<10240x16xf32, #tpu.memory_space<hbm>>) target(%dma_start3A_126 : memref<80x16xf32, #tpu.memory_space<vmem>>) offsets(%dma_start3A_129 : memref<80xi32, #tpu.memory_space<vmem>>) semaphore(%arg11 : memref<!tpu.dma_semaphore, #tpu.memory_space<semaphore_mem>>)
      %dma_start3A_133 = arith.constant 9 : i32
      %dma_start3A_134 = arith.constant 9 : i32
      %dma_start3A_135 = arith.constant 0 : i32
      %dma_start3A_136 = arith.constant 0 : i32
      %dma_start3A_137 = tpu.memref_slice %arg9[%dma_start3A_134, %dma_start3A_135, %dma_start3A_136] : memref<16x80x16xf32, #tpu.memory_space<vmem>> -> memref<1x80x16xf32, #tpu.memory_space<vmem>>
      %dma_start3A_138 = tpu.memref_squeeze %dma_start3A_137 : memref<1x80x16xf32, #tpu.memory_space<vmem>> -> memref<80x16xf32, #tpu.memory_space<vmem>>
      %dma_start3A_139 = arith.constant 0 : i32
      %dma_start3A_140 = tpu.memref_slice %arg7[%dma_start3A_133, %dma_start3A_139] : memref<25x80xi32, #tpu.memory_space<vmem>> -> memref<1x80xi32, #tpu.memory_space<vmem>>
      %dma_start3A_141 = tpu.memref_squeeze %dma_start3A_140 : memref<1x80xi32, #tpu.memory_space<vmem>> -> memref<80xi32, #tpu.memory_space<vmem>>
      %dma_start3A_142 = arith.constant 0 : i32
      %dma_start3A_143 = arith.constant 0 : i32
      %dma_start3A_144 = tpu.memref_slice %arg2[%dma_start3A_142, %dma_start3A_143] : memref<10240x16xf32, #tpu.memory_space<hbm>> -> memref<10240x16xf32, #tpu.memory_space<hbm>>
      tpu.enqueue_indirect_dma source(%dma_start3A_144 : memref<10240x16xf32, #tpu.memory_space<hbm>>) target(%dma_start3A_138 : memref<80x16xf32, #tpu.memory_space<vmem>>) offsets(%dma_start3A_141 : memref<80xi32, #tpu.memory_space<vmem>>) semaphore(%arg11 : memref<!tpu.dma_semaphore, #tpu.memory_space<semaphore_mem>>)
      %dma_start3A_145 = arith.constant 10 : i32
      %dma_start3A_146 = arith.constant 10 : i32
      %dma_start3A_147 = arith.constant 0 : i32
      %dma_start3A_148 = arith.constant 0 : i32
      %dma_start3A_149 = tpu.memref_slice %arg9[%dma_start3A_146, %dma_start3A_147, %dma_start3A_148] : memref<16x80x16xf32, #tpu.memory_space<vmem>> -> memref<1x80x16xf32, #tpu.memory_space<vmem>>
      %dma_start3A_150 = tpu.memref_squeeze %dma_start3A_149 : memref<1x80x16xf32, #tpu.memory_space<vmem>> -> memref<80x16xf32, #tpu.memory_space<vmem>>
      %dma_start3A_151 = arith.constant 0 : i32
      %dma_start3A_152 = tpu.memref_slice %arg7[%dma_start3A_145, %dma_start3A_151] : memref<25x80xi32, #tpu.memory_space<vmem>> -> memref<1x80xi32, #tpu.memory_space<vmem>>
      %dma_start3A_153 = tpu.memref_squeeze %dma_start3A_152 : memref<1x80xi32, #tpu.memory_space<vmem>> -> memref<80xi32, #tpu.memory_space<vmem>>
      %dma_start3A_154 = arith.constant 0 : i32
      %dma_start3A_155 = arith.constant 0 : i32
      %dma_start3A_156 = tpu.memref_slice %arg2[%dma_start3A_154, %dma_start3A_155] : memref<10240x16xf32, #tpu.memory_space<hbm>> -> memref<10240x16xf32, #tpu.memory_space<hbm>>
      tpu.enqueue_indirect_dma source(%dma_start3A_156 : memref<10240x16xf32, #tpu.memory_space<hbm>>) target(%dma_start3A_150 : memref<80x16xf32, #tpu.memory_space<vmem>>) offsets(%dma_start3A_153 : memref<80xi32, #tpu.memory_space<vmem>>) semaphore(%arg11 : memref<!tpu.dma_semaphore, #tpu.memory_space<semaphore_mem>>)
      %dma_start3A_157 = arith.constant 11 : i32
      %dma_start3A_158 = arith.constant 11 : i32
      %dma_start3A_159 = arith.constant 0 : i32
      %dma_start3A_160 = arith.constant 0 : i32
      %dma_start3A_161 = tpu.memref_slice %arg9[%dma_start3A_158, %dma_start3A_159, %dma_start3A_160] : memref<16x80x16xf32, #tpu.memory_space<vmem>> -> memref<1x80x16xf32, #tpu.memory_space<vmem>>
      %dma_start3A_162 = tpu.memref_squeeze %dma_start3A_161 : memref<1x80x16xf32, #tpu.memory_space<vmem>> -> memref<80x16xf32, #tpu.memory_space<vmem>>
      %dma_start3A_163 = arith.constant 0 : i32
      %dma_start3A_164 = tpu.memref_slice %arg7[%dma_start3A_157, %dma_start3A_163] : memref<25x80xi32, #tpu.memory_space<vmem>> -> memref<1x80xi32, #tpu.memory_space<vmem>>
      %dma_start3A_165 = tpu.memref_squeeze %dma_start3A_164 : memref<1x80xi32, #tpu.memory_space<vmem>> -> memref<80xi32, #tpu.memory_space<vmem>>
      %dma_start3A_166 = arith.constant 0 : i32
      %dma_start3A_167 = arith.constant 0 : i32
      %dma_start3A_168 = tpu.memref_slice %arg2[%dma_start3A_166, %dma_start3A_167] : memref<10240x16xf32, #tpu.memory_space<hbm>> -> memref<10240x16xf32, #tpu.memory_space<hbm>>
      tpu.enqueue_indirect_dma source(%dma_start3A_168 : memref<10240x16xf32, #tpu.memory_space<hbm>>) target(%dma_start3A_162 : memref<80x16xf32, #tpu.memory_space<vmem>>) offsets(%dma_start3A_165 : memref<80xi32, #tpu.memory_space<vmem>>) semaphore(%arg11 : memref<!tpu.dma_semaphore, #tpu.memory_space<semaphore_mem>>)
      %dma_start3A_169 = arith.constant 12 : i32
      %dma_start3A_170 = arith.constant 12 : i32
      %dma_start3A_171 = arith.constant 0 : i32
      %dma_start3A_172 = arith.constant 0 : i32
      %dma_start3A_173 = tpu.memref_slice %arg9[%dma_start3A_170, %dma_start3A_171, %dma_start3A_172] : memref<16x80x16xf32, #tpu.memory_space<vmem>> -> memref<1x80x16xf32, #tpu.memory_space<vmem>>
      %dma_start3A_174 = tpu.memref_squeeze %dma_start3A_173 : memref<1x80x16xf32, #tpu.memory_space<vmem>> -> memref<80x16xf32, #tpu.memory_space<vmem>>
      %dma_start3A_175 = arith.constant 0 : i32
      %dma_start3A_176 = tpu.memref_slice %arg7[%dma_start3A_169, %dma_start3A_175] : memref<25x80xi32, #tpu.memory_space<vmem>> -> memref<1x80xi32, #tpu.memory_space<vmem>>
      %dma_start3A_177 = tpu.memref_squeeze %dma_start3A_176 : memref<1x80xi32, #tpu.memory_space<vmem>> -> memref<80xi32, #tpu.memory_space<vmem>>
      %dma_start3A_178 = arith.constant 0 : i32
      %dma_start3A_179 = arith.constant 0 : i32
      %dma_start3A_180 = tpu.memref_slice %arg2[%dma_start3A_178, %dma_start3A_179] : memref<10240x16xf32, #tpu.memory_space<hbm>> -> memref<10240x16xf32, #tpu.memory_space<hbm>>
      tpu.enqueue_indirect_dma source(%dma_start3A_180 : memref<10240x16xf32, #tpu.memory_space<hbm>>) target(%dma_start3A_174 : memref<80x16xf32, #tpu.memory_space<vmem>>) offsets(%dma_start3A_177 : memref<80xi32, #tpu.memory_space<vmem>>) semaphore(%arg11 : memref<!tpu.dma_semaphore, #tpu.memory_space<semaphore_mem>>)
      %dma_start3A_181 = arith.constant 13 : i32
      %dma_start3A_182 = arith.constant 13 : i32
      %dma_start3A_183 = arith.constant 0 : i32
      %dma_start3A_184 = arith.constant 0 : i32
      %dma_start3A_185 = tpu.memref_slice %arg9[%dma_start3A_182, %dma_start3A_183, %dma_start3A_184] : memref<16x80x16xf32, #tpu.memory_space<vmem>> -> memref<1x80x16xf32, #tpu.memory_space<vmem>>
      %dma_start3A_186 = tpu.memref_squeeze %dma_start3A_185 : memref<1x80x16xf32, #tpu.memory_space<vmem>> -> memref<80x16xf32, #tpu.memory_space<vmem>>
      %dma_start3A_187 = arith.constant 0 : i32
      %dma_start3A_188 = tpu.memref_slice %arg7[%dma_start3A_181, %dma_start3A_187] : memref<25x80xi32, #tpu.memory_space<vmem>> -> memref<1x80xi32, #tpu.memory_space<vmem>>
      %dma_start3A_189 = tpu.memref_squeeze %dma_start3A_188 : memref<1x80xi32, #tpu.memory_space<vmem>> -> memref<80xi32, #tpu.memory_space<vmem>>
      %dma_start3A_190 = arith.constant 0 : i32
      %dma_start3A_191 = arith.constant 0 : i32
      %dma_start3A_192 = tpu.memref_slice %arg2[%dma_start3A_190, %dma_start3A_191] : memref<10240x16xf32, #tpu.memory_space<hbm>> -> memref<10240x16xf32, #tpu.memory_space<hbm>>
      tpu.enqueue_indirect_dma source(%dma_start3A_192 : memref<10240x16xf32, #tpu.memory_space<hbm>>) target(%dma_start3A_186 : memref<80x16xf32, #tpu.memory_space<vmem>>) offsets(%dma_start3A_189 : memref<80xi32, #tpu.memory_space<vmem>>) semaphore(%arg11 : memref<!tpu.dma_semaphore, #tpu.memory_space<semaphore_mem>>)
      %dma_start3A_193 = arith.constant 14 : i32
      %dma_start3A_194 = arith.constant 14 : i32
      %dma_start3A_195 = arith.constant 0 : i32
      %dma_start3A_196 = arith.constant 0 : i32
      %dma_start3A_197 = tpu.memref_slice %arg9[%dma_start3A_194, %dma_start3A_195, %dma_start3A_196] : memref<16x80x16xf32, #tpu.memory_space<vmem>> -> memref<1x80x16xf32, #tpu.memory_space<vmem>>
      %dma_start3A_198 = tpu.memref_squeeze %dma_start3A_197 : memref<1x80x16xf32, #tpu.memory_space<vmem>> -> memref<80x16xf32, #tpu.memory_space<vmem>>
      %dma_start3A_199 = arith.constant 0 : i32
      %dma_start3A_200 = tpu.memref_slice %arg7[%dma_start3A_193, %dma_start3A_199] : memref<25x80xi32, #tpu.memory_space<vmem>> -> memref<1x80xi32, #tpu.memory_space<vmem>>
      %dma_start3A_201 = tpu.memref_squeeze %dma_start3A_200 : memref<1x80xi32, #tpu.memory_space<vmem>> -> memref<80xi32, #tpu.memory_space<vmem>>
      %dma_start3A_202 = arith.constant 0 : i32
      %dma_start3A_203 = arith.constant 0 : i32
      %dma_start3A_204 = tpu.memref_slice %arg2[%dma_start3A_202, %dma_start3A_203] : memref<10240x16xf32, #tpu.memory_space<hbm>> -> memref<10240x16xf32, #tpu.memory_space<hbm>>
      tpu.enqueue_indirect_dma source(%dma_start3A_204 : memref<10240x16xf32, #tpu.memory_space<hbm>>) target(%dma_start3A_198 : memref<80x16xf32, #tpu.memory_space<vmem>>) offsets(%dma_start3A_201 : memref<80xi32, #tpu.memory_space<vmem>>) semaphore(%arg11 : memref<!tpu.dma_semaphore, #tpu.memory_space<semaphore_mem>>)
      %scan3A_205 = arith.constant 0 : i32
      %scan3A_206 = arith.constant 0 : i32
      %scan3A_207 = arith.constant 25 : i32
      %scan3A_208 = arith.addi %scan3A_206, %scan3A_207 : i32
      %scan3A_209 = arith.constant 1 : i32
      scf.for %scan3A_222 = %scan3A_206 to %scan3A_208 step %scan3A_209  : i32 {
        %rem3A = arith.constant 16 : i32
        %rem3A_223 = arith.remsi %scan3A_222, %rem3A : i32
        %dma_wait3A_224 = arith.constant 0 : i32
        %dma_wait3A_225 = arith.constant 0 : i32
        %dma_wait3A_226 = tpu.memref_slice %arg9[%rem3A_223, %dma_wait3A_224, %dma_wait3A_225] : memref<16x80x16xf32, #tpu.memory_space<vmem>> -> memref<1x80x16xf32, #tpu.memory_space<vmem>>
        %dma_wait3A_227 = tpu.memref_squeeze %dma_wait3A_226 : memref<1x80x16xf32, #tpu.memory_space<vmem>> -> memref<80x16xf32, #tpu.memory_space<vmem>>
        %dma_wait3A_228 = arith.constant 0 : i32
        %dma_wait3A_229 = tpu.memref_slice %arg7[%scan3A_222, %dma_wait3A_228] : memref<25x80xi32, #tpu.memory_space<vmem>> -> memref<1x80xi32, #tpu.memory_space<vmem>>
        %dma_wait3A_230 = tpu.memref_squeeze %dma_wait3A_229 : memref<1x80xi32, #tpu.memory_space<vmem>> -> memref<80xi32, #tpu.memory_space<vmem>>
        %dma_wait3A_231 = arith.constant 0 : i32
        %dma_wait3A_232 = arith.constant 0 : i32
        %dma_wait3A_233 = tpu.memref_slice %arg2[%dma_wait3A_231, %dma_wait3A_232] : memref<10240x16xf32, #tpu.memory_space<hbm>> -> memref<10240x16xf32, #tpu.memory_space<hbm>>
        tpu.wait_indirect_dma semaphore(%arg11 : memref<!tpu.dma_semaphore, #tpu.memory_space<semaphore_mem>>) src(%dma_wait3A_233 : memref<10240x16xf32, #tpu.memory_space<hbm>>) dst(%dma_wait3A_227 : memref<80x16xf32, #tpu.memory_space<vmem>>)
        %dma_start3A_234 = arith.constant 0 : i32
        %dma_start3A_235 = arith.constant 0 : i32
        %dma_start3A_236 = tpu.memref_slice %arg9[%rem3A_223, %dma_start3A_234, %dma_start3A_235] : memref<16x80x16xf32, #tpu.memory_space<vmem>> -> memref<1x80x16xf32, #tpu.memory_space<vmem>>
        %dma_start3A_237 = tpu.memref_squeeze %dma_start3A_236 : memref<1x80x16xf32, #tpu.memory_space<vmem>> -> memref<80x16xf32, #tpu.memory_space<vmem>>
        %dma_start3A_238 = arith.constant 0 : i32
        %dma_start3A_239 = tpu.memref_slice %arg8[%scan3A_222, %dma_start3A_238] : memref<25x80xi32, #tpu.memory_space<vmem>> -> memref<1x80xi32, #tpu.memory_space<vmem>>
        %dma_start3A_240 = tpu.memref_squeeze %dma_start3A_239 : memref<1x80xi32, #tpu.memory_space<vmem>> -> memref<80xi32, #tpu.memory_space<vmem>>
        %dma_start3A_241 = arith.constant 0 : i32
        %dma_start3A_242 = arith.constant 0 : i32
        %dma_start3A_243 = tpu.memref_slice %arg10[%dma_start3A_241, %dma_start3A_242] : memref<10240x16xf32, #tpu.memory_space<vmem_shared>> -> memref<10240x16xf32, #tpu.memory_space<vmem_shared>>
        tpu.enqueue_indirect_dma source(%dma_start3A_237 : memref<80x16xf32, #tpu.memory_space<vmem>>) target(%dma_start3A_243 : memref<10240x16xf32, #tpu.memory_space<vmem_shared>>) offsets(%dma_start3A_240 : memref<80xi32, #tpu.memory_space<vmem>>) semaphore(%arg12 : memref<!tpu.dma_semaphore, #tpu.memory_space<semaphore_mem>>) {add = true}
        %gt3A = arith.constant 0 : i32
        %gt3A_244 = arith.cmpi sgt, %scan3A_222, %gt3A : i32
        %convert_element_type3A = arith.extui %gt3A_244 : i1 to i32
        %cond3A = arith.constant 0 : i32
        %cond3A_245 = arith.cmpi ne, %convert_element_type3A, %cond3A : i32
        scf.if %cond3A_245 {
          %add3A_253 = arith.constant 16 : i32
          %add3A_254 = arith.addi %scan3A_222, %add3A_253 : i32
          %sub3A_255 = arith.constant 1 : i32
          %sub3A_256 = arith.subi %add3A_254, %sub3A_255 : i32
          %rem3A_257 = arith.constant 16 : i32
          %rem3A_258 = arith.remsi %sub3A_256, %rem3A_257 : i32
          %sub3A_259 = arith.constant 1 : i32
          %sub3A_260 = arith.subi %scan3A_222, %sub3A_259 : i32
          %dma_wait3A_261 = arith.constant 0 : i32
          %dma_wait3A_262 = arith.constant 0 : i32
          %dma_wait3A_263 = tpu.memref_slice %arg9[%rem3A_258, %dma_wait3A_261, %dma_wait3A_262] : memref<16x80x16xf32, #tpu.memory_space<vmem>> -> memref<1x80x16xf32, #tpu.memory_space<vmem>>
          %dma_wait3A_264 = tpu.memref_squeeze %dma_wait3A_263 : memref<1x80x16xf32, #tpu.memory_space<vmem>> -> memref<80x16xf32, #tpu.memory_space<vmem>>
          %dma_wait3A_265 = arith.constant 0 : i32
          %dma_wait3A_266 = tpu.memref_slice %arg8[%sub3A_260, %dma_wait3A_265] : memref<25x80xi32, #tpu.memory_space<vmem>> -> memref<1x80xi32, #tpu.memory_space<vmem>>
          %dma_wait3A_267 = tpu.memref_squeeze %dma_wait3A_266 : memref<1x80xi32, #tpu.memory_space<vmem>> -> memref<80xi32, #tpu.memory_space<vmem>>
          %dma_wait3A_268 = arith.constant 0 : i32
          %dma_wait3A_269 = arith.constant 0 : i32
          %dma_wait3A_270 = tpu.memref_slice %arg10[%dma_wait3A_268, %dma_wait3A_269] : memref<10240x16xf32, #tpu.memory_space<vmem_shared>> -> memref<10240x16xf32, #tpu.memory_space<vmem_shared>>
          tpu.wait_indirect_dma semaphore(%arg12 : memref<!tpu.dma_semaphore, #tpu.memory_space<semaphore_mem>>) src(%dma_wait3A_264 : memref<80x16xf32, #tpu.memory_space<vmem>>) dst(%dma_wait3A_270 : memref<10240x16xf32, #tpu.memory_space<vmem_shared>>)
        } else {
        }
        %add3A_246 = arith.constant 16 : i32
        %add3A_247 = arith.addi %scan3A_222, %add3A_246 : i32
        %sub3A = arith.constant 1 : i32
        %sub3A_248 = arith.subi %add3A_247, %sub3A : i32
        %lt3A = arith.constant 25 : i32
        %lt3A_249 = arith.cmpi slt, %sub3A_248, %lt3A : i32
        %convert_element_type3A_250 = arith.extui %lt3A_249 : i1 to i32
        %cond3A_251 = arith.constant 0 : i32
        %cond3A_252 = arith.cmpi ne, %convert_element_type3A_250, %cond3A_251 : i32
        scf.if %cond3A_252 {
          %add3A_253 = arith.constant 16 : i32
          %add3A_254 = arith.addi %scan3A_222, %add3A_253 : i32
          %sub3A_255 = arith.constant 1 : i32
          %sub3A_256 = arith.subi %add3A_254, %sub3A_255 : i32
          %rem3A_257 = arith.constant 16 : i32
          %rem3A_258 = arith.remsi %sub3A_256, %rem3A_257 : i32
          %add3A_259 = arith.constant 16 : i32
          %add3A_260 = arith.addi %scan3A_222, %add3A_259 : i32
          %sub3A_261 = arith.constant 1 : i32
          %sub3A_262 = arith.subi %add3A_260, %sub3A_261 : i32
          %dma_start3A_263 = arith.constant 0 : i32
          %dma_start3A_264 = arith.constant 0 : i32
          %dma_start3A_265 = tpu.memref_slice %arg9[%rem3A_258, %dma_start3A_263, %dma_start3A_264] : memref<16x80x16xf32, #tpu.memory_space<vmem>> -> memref<1x80x16xf32, #tpu.memory_space<vmem>>
          %dma_start3A_266 = tpu.memref_squeeze %dma_start3A_265 : memref<1x80x16xf32, #tpu.memory_space<vmem>> -> memref<80x16xf32, #tpu.memory_space<vmem>>
          %dma_start3A_267 = arith.constant 0 : i32
          %dma_start3A_268 = tpu.memref_slice %arg7[%sub3A_262, %dma_start3A_267] : memref<25x80xi32, #tpu.memory_space<vmem>> -> memref<1x80xi32, #tpu.memory_space<vmem>>
          %dma_start3A_269 = tpu.memref_squeeze %dma_start3A_268 : memref<1x80xi32, #tpu.memory_space<vmem>> -> memref<80xi32, #tpu.memory_space<vmem>>
          %dma_start3A_270 = arith.constant 0 : i32
          %dma_start3A_271 = arith.constant 0 : i32
          %dma_start3A_272 = tpu.memref_slice %arg2[%dma_start3A_270, %dma_start3A_271] : memref<10240x16xf32, #tpu.memory_space<hbm>> -> memref<10240x16xf32, #tpu.memory_space<hbm>>
          tpu.enqueue_indirect_dma source(%dma_start3A_272 : memref<10240x16xf32, #tpu.memory_space<hbm>>) target(%dma_start3A_266 : memref<80x16xf32, #tpu.memory_space<vmem>>) offsets(%dma_start3A_269 : memref<80xi32, #tpu.memory_space<vmem>>) semaphore(%arg11 : memref<!tpu.dma_semaphore, #tpu.memory_space<semaphore_mem>>)
        } else {
        }
      }
      %scan3A_210 = arith.constant 25 : i32
      %dma_wait3A = arith.constant 8 : i32
      %dma_wait3A_211 = arith.constant 24 : i32
      %dma_wait3A_212 = arith.constant 0 : i32
      %dma_wait3A_213 = arith.constant 0 : i32
      %dma_wait3A_214 = tpu.memref_slice %arg9[%dma_wait3A, %dma_wait3A_212, %dma_wait3A_213] : memref<16x80x16xf32, #tpu.memory_space<vmem>> -> memref<1x80x16xf32, #tpu.memory_space<vmem>>
      %dma_wait3A_215 = tpu.memref_squeeze %dma_wait3A_214 : memref<1x80x16xf32, #tpu.memory_space<vmem>> -> memref<80x16xf32, #tpu.memory_space<vmem>>
      %dma_wait3A_216 = arith.constant 0 : i32
      %dma_wait3A_217 = tpu.memref_slice %arg8[%dma_wait3A_211, %dma_wait3A_216] : memref<25x80xi32, #tpu.memory_space<vmem>> -> memref<1x80xi32, #tpu.memory_space<vmem>>
      %dma_wait3A_218 = tpu.memref_squeeze %dma_wait3A_217 : memref<1x80xi32, #tpu.memory_space<vmem>> -> memref<80xi32, #tpu.memory_space<vmem>>
      %dma_wait3A_219 = arith.constant 0 : i32
      %dma_wait3A_220 = arith.constant 0 : i32
      %dma_wait3A_221 = tpu.memref_slice %arg10[%dma_wait3A_219, %dma_wait3A_220] : memref<10240x16xf32, #tpu.memory_space<vmem_shared>> -> memref<10240x16xf32, #tpu.memory_space<vmem_shared>>
      tpu.wait_indirect_dma semaphore(%arg12 : memref<!tpu.dma_semaphore, #tpu.memory_space<semaphore_mem>>) src(%dma_wait3A_215 : memref<80x16xf32, #tpu.memory_space<vmem>>) dst(%dma_wait3A_221 : memref<10240x16xf32, #tpu.memory_space<vmem_shared>>)
    }
    %scan3A_23 = arith.constant 5 : i32
    %barrier3A_24 = arith.constant 0 : index
    tpu.barrier barrier_id(%barrier3A_24)
    "tpu.region"() ({
      %run_scoped3A = tpu.sem_alloc : memref<!tpu.dma_semaphore, #tpu.memory_space<semaphore_mem>>
      %dma_start3A = arith.constant 0 : i32
      %dma_start3A_25 = tpu.memref_slice %arg6[%arg0, %mul3A_2, %dma_start3A] : memref<2x10240x16xf32, #tpu.memory_space<hbm>> -> memref<1x640x16xf32, #tpu.memory_space<hbm>>
      %dma_start3A_26 = tpu.memref_squeeze %dma_start3A_25 : memref<1x640x16xf32, #tpu.memory_space<hbm>> -> memref<640x16xf32, #tpu.memory_space<hbm>>
      %dma_start3A_27 = arith.constant 0 : i32
      %dma_start3A_28 = tpu.memref_slice %arg10[%mul3A_2, %dma_start3A_27] : memref<10240x16xf32, #tpu.memory_space<vmem_shared>> -> memref<640x16xf32, #tpu.memory_space<vmem_shared>>
      tpu.enqueue_dma source(%dma_start3A_28 : memref<640x16xf32, #tpu.memory_space<vmem_shared>>) target(%dma_start3A_26 : memref<640x16xf32, #tpu.memory_space<hbm>>) target_semaphore(%run_scoped3A : memref<!tpu.dma_semaphore, #tpu.memory_space<semaphore_mem>>)
      %dma_wait3A = arith.constant 0 : i32
      %dma_wait3A_29 = tpu.memref_slice %arg6[%arg0, %mul3A_2, %dma_wait3A] : memref<2x10240x16xf32, #tpu.memory_space<hbm>> -> memref<1x640x16xf32, #tpu.memory_space<hbm>>
      %dma_wait3A_30 = tpu.memref_squeeze %dma_wait3A_29 : memref<1x640x16xf32, #tpu.memory_space<hbm>> -> memref<640x16xf32, #tpu.memory_space<hbm>>
      %dma_wait3A_31 = arith.constant 0 : i32
      %dma_wait3A_32 = tpu.memref_slice %arg10[%mul3A_2, %dma_wait3A_31] : memref<10240x16xf32, #tpu.memory_space<vmem_shared>> -> memref<640x16xf32, #tpu.memory_space<vmem_shared>>
      tpu.wait_dma2 semaphore(%run_scoped3A : memref<!tpu.dma_semaphore, #tpu.memory_space<semaphore_mem>>) src(%dma_wait3A_32 : memref<640x16xf32, #tpu.memory_space<vmem_shared>>) dst(%dma_wait3A_30 : memref<640x16xf32, #tpu.memory_space<hbm>>)
      tpu.yield
    }) : () -> ()
    return
  }
}

#map = affine_map<(d0, d1) -> (0, 0)>
#map1 = affine_map<(d0, d1) -> (0, 0, 0, 0)>
#map2 = affine_map<(d0, d1) -> (0, 0, 0)>
module attributes {stable_mosaic.version = 14 : i64} {
  func.func @body(%arg0: i32, %arg1: i32, %arg2: memref<10240x128xf32, #tpu.memory_space<hbm>>, %arg3: memref<32x5x25x80xi32, #tpu.memory_space<hbm>>, %arg4: memref<32x5x25x80xi32, #tpu.memory_space<hbm>>, %arg5: memref<80x128xf32, #tpu.memory_space<hbm>>, %arg6: memref<2x10240x128xf32, #tpu.memory_space<hbm>>, %arg7: memref<2x10240xf32, #tpu.memory_space<hbm>>, %arg8: memref<25x80xi32, #tpu.memory_space<vmem>>, %arg9: memref<25x80xi32, #tpu.memory_space<vmem>>, %arg10: memref<3x80x128xf32, #tpu.memory_space<vmem>>, %arg11: memref<10240x128xf32, #tpu.memory_space<vmem_shared>>, %arg12: memref<!tpu.dma_semaphore, #tpu.memory_space<semaphore_mem>>, %arg13: memref<!tpu.dma_semaphore, #tpu.memory_space<semaphore_mem>>, %arg14: memref<80xf32, #tpu.memory_space<vmem>>, %arg15: memref<10240xf32, #tpu.memory_space<vmem_shared>>, %arg16: memref<!tpu.dma_semaphore, #tpu.memory_space<semaphore_mem>>) attributes {dimension_semantics = [#tpu.dimension_semantics<core_parallel>, #tpu.dimension_semantics<subcore_parallel>], iteration_bounds = array<i64: 2, 16>, scalar_prefetch = 0 : i64, scratch_operands = 9 : i64, tpu.core_type = #tpu.core_type<sc_vector_subcore>, window_params = [{transform_indices = #map}, {transform_indices = #map1}, {transform_indices = #map1}, {transform_indices = #map}, {transform_indices = #map2}, {transform_indices = #map}]} {
    %mul3A = arith.constant 2 : i32
    %mul3A_0 = arith.muli %arg1, %mul3A : i32
    %add3A = arith.addi %mul3A_0, %arg0 : i32
    %mul3A_1 = arith.constant 640 : i32
    %mul3A_2 = arith.muli %arg1, %mul3A_1 : i32
    %add3A_3 = arith.constant 0 : i32
    %add3A_4 = arith.addi %mul3A_2, %add3A_3 : i32
    "tpu.region"() ({
      %run_scoped3A = tpu.sem_alloc : memref<!tpu.dma_semaphore, #tpu.memory_space<semaphore_mem>>
      %dma_start3A = arith.constant 0 : i32
      %dma_start3A_99 = tpu.memref_slice %arg11[%add3A_4, %dma_start3A] : memref<10240x128xf32, #tpu.memory_space<vmem_shared>> -> memref<80x128xf32, #tpu.memory_space<vmem_shared>>
      tpu.enqueue_dma source(%arg5 : memref<80x128xf32, #tpu.memory_space<hbm>>) target(%dma_start3A_99 : memref<80x128xf32, #tpu.memory_space<vmem_shared>>) target_semaphore(%run_scoped3A : memref<!tpu.dma_semaphore, #tpu.memory_space<semaphore_mem>>)
      %dma_wait3A = arith.constant 0 : i32
      %dma_wait3A_100 = tpu.memref_slice %arg11[%add3A_4, %dma_wait3A] : memref<10240x128xf32, #tpu.memory_space<vmem_shared>> -> memref<80x128xf32, #tpu.memory_space<vmem_shared>>
      tpu.wait_dma2 semaphore(%run_scoped3A : memref<!tpu.dma_semaphore, #tpu.memory_space<semaphore_mem>>) src(%arg5 : memref<80x128xf32, #tpu.memory_space<hbm>>) dst(%dma_wait3A_100 : memref<80x128xf32, #tpu.memory_space<vmem_shared>>)
      tpu.yield
    }) : () -> ()
    %add3A_5 = arith.constant 80 : i32
    %add3A_6 = arith.addi %mul3A_2, %add3A_5 : i32
    "tpu.region"() ({
      %run_scoped3A = tpu.sem_alloc : memref<!tpu.dma_semaphore, #tpu.memory_space<semaphore_mem>>
      %dma_start3A = arith.constant 0 : i32
      %dma_start3A_99 = tpu.memref_slice %arg11[%add3A_6, %dma_start3A] : memref<10240x128xf32, #tpu.memory_space<vmem_shared>> -> memref<80x128xf32, #tpu.memory_space<vmem_shared>>
      tpu.enqueue_dma source(%arg5 : memref<80x128xf32, #tpu.memory_space<hbm>>) target(%dma_start3A_99 : memref<80x128xf32, #tpu.memory_space<vmem_shared>>) target_semaphore(%run_scoped3A : memref<!tpu.dma_semaphore, #tpu.memory_space<semaphore_mem>>)
      %dma_wait3A = arith.constant 0 : i32
      %dma_wait3A_100 = tpu.memref_slice %arg11[%add3A_6, %dma_wait3A] : memref<10240x128xf32, #tpu.memory_space<vmem_shared>> -> memref<80x128xf32, #tpu.memory_space<vmem_shared>>
      tpu.wait_dma2 semaphore(%run_scoped3A : memref<!tpu.dma_semaphore, #tpu.memory_space<semaphore_mem>>) src(%arg5 : memref<80x128xf32, #tpu.memory_space<hbm>>) dst(%dma_wait3A_100 : memref<80x128xf32, #tpu.memory_space<vmem_shared>>)
      tpu.yield
    }) : () -> ()
    %add3A_7 = arith.constant 160 : i32
    %add3A_8 = arith.addi %mul3A_2, %add3A_7 : i32
    "tpu.region"() ({
      %run_scoped3A = tpu.sem_alloc : memref<!tpu.dma_semaphore, #tpu.memory_space<semaphore_mem>>
      %dma_start3A = arith.constant 0 : i32
      %dma_start3A_99 = tpu.memref_slice %arg11[%add3A_8, %dma_start3A] : memref<10240x128xf32, #tpu.memory_space<vmem_shared>> -> memref<80x128xf32, #tpu.memory_space<vmem_shared>>
      tpu.enqueue_dma source(%arg5 : memref<80x128xf32, #tpu.memory_space<hbm>>) target(%dma_start3A_99 : memref<80x128xf32, #tpu.memory_space<vmem_shared>>) target_semaphore(%run_scoped3A : memref<!tpu.dma_semaphore, #tpu.memory_space<semaphore_mem>>)
      %dma_wait3A = arith.constant 0 : i32
      %dma_wait3A_100 = tpu.memref_slice %arg11[%add3A_8, %dma_wait3A] : memref<10240x128xf32, #tpu.memory_space<vmem_shared>> -> memref<80x128xf32, #tpu.memory_space<vmem_shared>>
      tpu.wait_dma2 semaphore(%run_scoped3A : memref<!tpu.dma_semaphore, #tpu.memory_space<semaphore_mem>>) src(%arg5 : memref<80x128xf32, #tpu.memory_space<hbm>>) dst(%dma_wait3A_100 : memref<80x128xf32, #tpu.memory_space<vmem_shared>>)
      tpu.yield
    }) : () -> ()
    %add3A_9 = arith.constant 240 : i32
    %add3A_10 = arith.addi %mul3A_2, %add3A_9 : i32
    "tpu.region"() ({
      %run_scoped3A = tpu.sem_alloc : memref<!tpu.dma_semaphore, #tpu.memory_space<semaphore_mem>>
      %dma_start3A = arith.constant 0 : i32
      %dma_start3A_99 = tpu.memref_slice %arg11[%add3A_10, %dma_start3A] : memref<10240x128xf32, #tpu.memory_space<vmem_shared>> -> memref<80x128xf32, #tpu.memory_space<vmem_shared>>
      tpu.enqueue_dma source(%arg5 : memref<80x128xf32, #tpu.memory_space<hbm>>) target(%dma_start3A_99 : memref<80x128xf32, #tpu.memory_space<vmem_shared>>) target_semaphore(%run_scoped3A : memref<!tpu.dma_semaphore, #tpu.memory_space<semaphore_mem>>)
      %dma_wait3A = arith.constant 0 : i32
      %dma_wait3A_100 = tpu.memref_slice %arg11[%add3A_10, %dma_wait3A] : memref<10240x128xf32, #tpu.memory_space<vmem_shared>> -> memref<80x128xf32, #tpu.memory_space<vmem_shared>>
      tpu.wait_dma2 semaphore(%run_scoped3A : memref<!tpu.dma_semaphore, #tpu.memory_space<semaphore_mem>>) src(%arg5 : memref<80x128xf32, #tpu.memory_space<hbm>>) dst(%dma_wait3A_100 : memref<80x128xf32, #tpu.memory_space<vmem_shared>>)
      tpu.yield
    }) : () -> ()
    %add3A_11 = arith.constant 320 : i32
    %add3A_12 = arith.addi %mul3A_2, %add3A_11 : i32
    "tpu.region"() ({
      %run_scoped3A = tpu.sem_alloc : memref<!tpu.dma_semaphore, #tpu.memory_space<semaphore_mem>>
      %dma_start3A = arith.constant 0 : i32
      %dma_start3A_99 = tpu.memref_slice %arg11[%add3A_12, %dma_start3A] : memref<10240x128xf32, #tpu.memory_space<vmem_shared>> -> memref<80x128xf32, #tpu.memory_space<vmem_shared>>
      tpu.enqueue_dma source(%arg5 : memref<80x128xf32, #tpu.memory_space<hbm>>) target(%dma_start3A_99 : memref<80x128xf32, #tpu.memory_space<vmem_shared>>) target_semaphore(%run_scoped3A : memref<!tpu.dma_semaphore, #tpu.memory_space<semaphore_mem>>)
      %dma_wait3A = arith.constant 0 : i32
      %dma_wait3A_100 = tpu.memref_slice %arg11[%add3A_12, %dma_wait3A] : memref<10240x128xf32, #tpu.memory_space<vmem_shared>> -> memref<80x128xf32, #tpu.memory_space<vmem_shared>>
      tpu.wait_dma2 semaphore(%run_scoped3A : memref<!tpu.dma_semaphore, #tpu.memory_space<semaphore_mem>>) src(%arg5 : memref<80x128xf32, #tpu.memory_space<hbm>>) dst(%dma_wait3A_100 : memref<80x128xf32, #tpu.memory_space<vmem_shared>>)
      tpu.yield
    }) : () -> ()
    %add3A_13 = arith.constant 400 : i32
    %add3A_14 = arith.addi %mul3A_2, %add3A_13 : i32
    "tpu.region"() ({
      %run_scoped3A = tpu.sem_alloc : memref<!tpu.dma_semaphore, #tpu.memory_space<semaphore_mem>>
      %dma_start3A = arith.constant 0 : i32
      %dma_start3A_99 = tpu.memref_slice %arg11[%add3A_14, %dma_start3A] : memref<10240x128xf32, #tpu.memory_space<vmem_shared>> -> memref<80x128xf32, #tpu.memory_space<vmem_shared>>
      tpu.enqueue_dma source(%arg5 : memref<80x128xf32, #tpu.memory_space<hbm>>) target(%dma_start3A_99 : memref<80x128xf32, #tpu.memory_space<vmem_shared>>) target_semaphore(%run_scoped3A : memref<!tpu.dma_semaphore, #tpu.memory_space<semaphore_mem>>)
      %dma_wait3A = arith.constant 0 : i32
      %dma_wait3A_100 = tpu.memref_slice %arg11[%add3A_14, %dma_wait3A] : memref<10240x128xf32, #tpu.memory_space<vmem_shared>> -> memref<80x128xf32, #tpu.memory_space<vmem_shared>>
      tpu.wait_dma2 semaphore(%run_scoped3A : memref<!tpu.dma_semaphore, #tpu.memory_space<semaphore_mem>>) src(%arg5 : memref<80x128xf32, #tpu.memory_space<hbm>>) dst(%dma_wait3A_100 : memref<80x128xf32, #tpu.memory_space<vmem_shared>>)
      tpu.yield
    }) : () -> ()
    %add3A_15 = arith.constant 480 : i32
    %add3A_16 = arith.addi %mul3A_2, %add3A_15 : i32
    "tpu.region"() ({
      %run_scoped3A = tpu.sem_alloc : memref<!tpu.dma_semaphore, #tpu.memory_space<semaphore_mem>>
      %dma_start3A = arith.constant 0 : i32
      %dma_start3A_99 = tpu.memref_slice %arg11[%add3A_16, %dma_start3A] : memref<10240x128xf32, #tpu.memory_space<vmem_shared>> -> memref<80x128xf32, #tpu.memory_space<vmem_shared>>
      tpu.enqueue_dma source(%arg5 : memref<80x128xf32, #tpu.memory_space<hbm>>) target(%dma_start3A_99 : memref<80x128xf32, #tpu.memory_space<vmem_shared>>) target_semaphore(%run_scoped3A : memref<!tpu.dma_semaphore, #tpu.memory_space<semaphore_mem>>)
      %dma_wait3A = arith.constant 0 : i32
      %dma_wait3A_100 = tpu.memref_slice %arg11[%add3A_16, %dma_wait3A] : memref<10240x128xf32, #tpu.memory_space<vmem_shared>> -> memref<80x128xf32, #tpu.memory_space<vmem_shared>>
      tpu.wait_dma2 semaphore(%run_scoped3A : memref<!tpu.dma_semaphore, #tpu.memory_space<semaphore_mem>>) src(%arg5 : memref<80x128xf32, #tpu.memory_space<hbm>>) dst(%dma_wait3A_100 : memref<80x128xf32, #tpu.memory_space<vmem_shared>>)
      tpu.yield
    }) : () -> ()
    %add3A_17 = arith.constant 560 : i32
    %add3A_18 = arith.addi %mul3A_2, %add3A_17 : i32
    "tpu.region"() ({
      %run_scoped3A = tpu.sem_alloc : memref<!tpu.dma_semaphore, #tpu.memory_space<semaphore_mem>>
      %dma_start3A = arith.constant 0 : i32
      %dma_start3A_99 = tpu.memref_slice %arg11[%add3A_18, %dma_start3A] : memref<10240x128xf32, #tpu.memory_space<vmem_shared>> -> memref<80x128xf32, #tpu.memory_space<vmem_shared>>
      tpu.enqueue_dma source(%arg5 : memref<80x128xf32, #tpu.memory_space<hbm>>) target(%dma_start3A_99 : memref<80x128xf32, #tpu.memory_space<vmem_shared>>) target_semaphore(%run_scoped3A : memref<!tpu.dma_semaphore, #tpu.memory_space<semaphore_mem>>)
      %dma_wait3A = arith.constant 0 : i32
      %dma_wait3A_100 = tpu.memref_slice %arg11[%add3A_18, %dma_wait3A] : memref<10240x128xf32, #tpu.memory_space<vmem_shared>> -> memref<80x128xf32, #tpu.memory_space<vmem_shared>>
      tpu.wait_dma2 semaphore(%run_scoped3A : memref<!tpu.dma_semaphore, #tpu.memory_space<semaphore_mem>>) src(%arg5 : memref<80x128xf32, #tpu.memory_space<hbm>>) dst(%dma_wait3A_100 : memref<80x128xf32, #tpu.memory_space<vmem_shared>>)
      tpu.yield
    }) : () -> ()
    %broadcast_in_dim3A = arith.constant 0.000000e+00 : f32
    %broadcast_in_dim3A_19 = vector.broadcast %broadcast_in_dim3A : f32 to vector<16xf32>
    %swap3A = arith.constant 0 : index
    %swap3A_20 = tpu.vector_load %arg14[%swap3A] {strides = array<i32>} : memref<80xf32, #tpu.memory_space<vmem>>, vector<16xf32>,
    %swap3A_21 = vector.shape_cast %swap3A_20 : vector<16xf32> to vector<16xf32>
    %swap3A_22 = vector.shape_cast %broadcast_in_dim3A_19 : vector<16xf32> to vector<16xf32>
    tpu.vector_store %arg14[%swap3A], %swap3A_22 {strides = array<i32>} : memref<80xf32, #tpu.memory_space<vmem>>, vector<16xf32>,
    %broadcast_in_dim3A_23 = arith.constant 0.000000e+00 : f32
    %broadcast_in_dim3A_24 = vector.broadcast %broadcast_in_dim3A_23 : f32 to vector<16xf32>
    %swap3A_25 = arith.constant 16 : index
    %swap3A_26 = tpu.vector_load %arg14[%swap3A_25] {strides = array<i32>} : memref<80xf32, #tpu.memory_space<vmem>>, vector<16xf32>,
    %swap3A_27 = vector.shape_cast %swap3A_26 : vector<16xf32> to vector<16xf32>
    %swap3A_28 = vector.shape_cast %broadcast_in_dim3A_24 : vector<16xf32> to vector<16xf32>
    tpu.vector_store %arg14[%swap3A_25], %swap3A_28 {strides = array<i32>} : memref<80xf32, #tpu.memory_space<vmem>>, vector<16xf32>,
    %broadcast_in_dim3A_29 = arith.constant 0.000000e+00 : f32
    %broadcast_in_dim3A_30 = vector.broadcast %broadcast_in_dim3A_29 : f32 to vector<16xf32>
    %swap3A_31 = arith.constant 32 : index
    %swap3A_32 = tpu.vector_load %arg14[%swap3A_31] {strides = array<i32>} : memref<80xf32, #tpu.memory_space<vmem>>, vector<16xf32>,
    %swap3A_33 = vector.shape_cast %swap3A_32 : vector<16xf32> to vector<16xf32>
    %swap3A_34 = vector.shape_cast %broadcast_in_dim3A_30 : vector<16xf32> to vector<16xf32>
    tpu.vector_store %arg14[%swap3A_31], %swap3A_34 {strides = array<i32>} : memref<80xf32, #tpu.memory_space<vmem>>, vector<16xf32>,
    %broadcast_in_dim3A_35 = arith.constant 0.000000e+00 : f32
    %broadcast_in_dim3A_36 = vector.broadcast %broadcast_in_dim3A_35 : f32 to vector<16xf32>
    %swap3A_37 = arith.constant 48 : index
    %swap3A_38 = tpu.vector_load %arg14[%swap3A_37] {strides = array<i32>} : memref<80xf32, #tpu.memory_space<vmem>>, vector<16xf32>,
    %swap3A_39 = vector.shape_cast %swap3A_38 : vector<16xf32> to vector<16xf32>
    %swap3A_40 = vector.shape_cast %broadcast_in_dim3A_36 : vector<16xf32> to vector<16xf32>
    tpu.vector_store %arg14[%swap3A_37], %swap3A_40 {strides = array<i32>} : memref<80xf32, #tpu.memory_space<vmem>>, vector<16xf32>,
    %broadcast_in_dim3A_41 = arith.constant 0.000000e+00 : f32
    %broadcast_in_dim3A_42 = vector.broadcast %broadcast_in_dim3A_41 : f32 to vector<16xf32>
    %swap3A_43 = arith.constant 64 : index
    %swap3A_44 = tpu.vector_load %arg14[%swap3A_43] {strides = array<i32>} : memref<80xf32, #tpu.memory_space<vmem>>, vector<16xf32>,
    %swap3A_45 = vector.shape_cast %swap3A_44 : vector<16xf32> to vector<16xf32>
    %swap3A_46 = vector.shape_cast %broadcast_in_dim3A_42 : vector<16xf32> to vector<16xf32>
    tpu.vector_store %arg14[%swap3A_43], %swap3A_46 {strides = array<i32>} : memref<80xf32, #tpu.memory_space<vmem>>, vector<16xf32>,
    %add3A_47 = arith.constant 0 : i32
    %add3A_48 = arith.addi %mul3A_2, %add3A_47 : i32
    "tpu.region"() ({
      %run_scoped3A = tpu.sem_alloc : memref<!tpu.dma_semaphore, #tpu.memory_space<semaphore_mem>>
      %dma_start3A = tpu.memref_slice %arg15[%add3A_48] : memref<10240xf32, #tpu.memory_space<vmem_shared>> -> memref<80xf32, #tpu.memory_space<vmem_shared>>
      %dma_start3A_99 = tpu.memref_slice %arg15[%add3A_48] : memref<10240xf32, #tpu.memory_space<vmem_shared>> -> memref<80xf32, #tpu.memory_space<vmem_shared>>
      tpu.enqueue_dma source(%arg14 : memref<80xf32, #tpu.memory_space<vmem>>) target(%dma_start3A_99 : memref<80xf32, #tpu.memory_space<vmem_shared>>) target_semaphore(%run_scoped3A : memref<!tpu.dma_semaphore, #tpu.memory_space<semaphore_mem>>)
      %dma_wait3A = tpu.memref_slice %arg15[%add3A_48] : memref<10240xf32, #tpu.memory_space<vmem_shared>> -> memref<80xf32, #tpu.memory_space<vmem_shared>>
      %dma_wait3A_100 = tpu.memref_slice %arg15[%add3A_48] : memref<10240xf32, #tpu.memory_space<vmem_shared>> -> memref<80xf32, #tpu.memory_space<vmem_shared>>
      tpu.wait_dma2 semaphore(%run_scoped3A : memref<!tpu.dma_semaphore, #tpu.memory_space<semaphore_mem>>) src(%arg14 : memref<80xf32, #tpu.memory_space<vmem>>) dst(%dma_wait3A_100 : memref<80xf32, #tpu.memory_space<vmem_shared>>)
      tpu.yield
    }) : () -> ()
    %add3A_49 = arith.constant 80 : i32
    %add3A_50 = arith.addi %mul3A_2, %add3A_49 : i32
    "tpu.region"() ({
      %run_scoped3A = tpu.sem_alloc : memref<!tpu.dma_semaphore, #tpu.memory_space<semaphore_mem>>
      %dma_start3A = tpu.memref_slice %arg15[%add3A_50] : memref<10240xf32, #tpu.memory_space<vmem_shared>> -> memref<80xf32, #tpu.memory_space<vmem_shared>>
      %dma_start3A_99 = tpu.memref_slice %arg15[%add3A_50] : memref<10240xf32, #tpu.memory_space<vmem_shared>> -> memref<80xf32, #tpu.memory_space<vmem_shared>>
      tpu.enqueue_dma source(%arg14 : memref<80xf32, #tpu.memory_space<vmem>>) target(%dma_start3A_99 : memref<80xf32, #tpu.memory_space<vmem_shared>>) target_semaphore(%run_scoped3A : memref<!tpu.dma_semaphore, #tpu.memory_space<semaphore_mem>>)
      %dma_wait3A = tpu.memref_slice %arg15[%add3A_50] : memref<10240xf32, #tpu.memory_space<vmem_shared>> -> memref<80xf32, #tpu.memory_space<vmem_shared>>
      %dma_wait3A_100 = tpu.memref_slice %arg15[%add3A_50] : memref<10240xf32, #tpu.memory_space<vmem_shared>> -> memref<80xf32, #tpu.memory_space<vmem_shared>>
      tpu.wait_dma2 semaphore(%run_scoped3A : memref<!tpu.dma_semaphore, #tpu.memory_space<semaphore_mem>>) src(%arg14 : memref<80xf32, #tpu.memory_space<vmem>>) dst(%dma_wait3A_100 : memref<80xf32, #tpu.memory_space<vmem_shared>>)
      tpu.yield
    }) : () -> ()
    %add3A_51 = arith.constant 160 : i32
    %add3A_52 = arith.addi %mul3A_2, %add3A_51 : i32
    "tpu.region"() ({
      %run_scoped3A = tpu.sem_alloc : memref<!tpu.dma_semaphore, #tpu.memory_space<semaphore_mem>>
      %dma_start3A = tpu.memref_slice %arg15[%add3A_52] : memref<10240xf32, #tpu.memory_space<vmem_shared>> -> memref<80xf32, #tpu.memory_space<vmem_shared>>
      %dma_start3A_99 = tpu.memref_slice %arg15[%add3A_52] : memref<10240xf32, #tpu.memory_space<vmem_shared>> -> memref<80xf32, #tpu.memory_space<vmem_shared>>
      tpu.enqueue_dma source(%arg14 : memref<80xf32, #tpu.memory_space<vmem>>) target(%dma_start3A_99 : memref<80xf32, #tpu.memory_space<vmem_shared>>) target_semaphore(%run_scoped3A : memref<!tpu.dma_semaphore, #tpu.memory_space<semaphore_mem>>)
      %dma_wait3A = tpu.memref_slice %arg15[%add3A_52] : memref<10240xf32, #tpu.memory_space<vmem_shared>> -> memref<80xf32, #tpu.memory_space<vmem_shared>>
      %dma_wait3A_100 = tpu.memref_slice %arg15[%add3A_52] : memref<10240xf32, #tpu.memory_space<vmem_shared>> -> memref<80xf32, #tpu.memory_space<vmem_shared>>
      tpu.wait_dma2 semaphore(%run_scoped3A : memref<!tpu.dma_semaphore, #tpu.memory_space<semaphore_mem>>) src(%arg14 : memref<80xf32, #tpu.memory_space<vmem>>) dst(%dma_wait3A_100 : memref<80xf32, #tpu.memory_space<vmem_shared>>)
      tpu.yield
    }) : () -> ()
    %add3A_53 = arith.constant 240 : i32
    %add3A_54 = arith.addi %mul3A_2, %add3A_53 : i32
    "tpu.region"() ({
      %run_scoped3A = tpu.sem_alloc : memref<!tpu.dma_semaphore, #tpu.memory_space<semaphore_mem>>
      %dma_start3A = tpu.memref_slice %arg15[%add3A_54] : memref<10240xf32, #tpu.memory_space<vmem_shared>> -> memref<80xf32, #tpu.memory_space<vmem_shared>>
      %dma_start3A_99 = tpu.memref_slice %arg15[%add3A_54] : memref<10240xf32, #tpu.memory_space<vmem_shared>> -> memref<80xf32, #tpu.memory_space<vmem_shared>>
      tpu.enqueue_dma source(%arg14 : memref<80xf32, #tpu.memory_space<vmem>>) target(%dma_start3A_99 : memref<80xf32, #tpu.memory_space<vmem_shared>>) target_semaphore(%run_scoped3A : memref<!tpu.dma_semaphore, #tpu.memory_space<semaphore_mem>>)
      %dma_wait3A = tpu.memref_slice %arg15[%add3A_54] : memref<10240xf32, #tpu.memory_space<vmem_shared>> -> memref<80xf32, #tpu.memory_space<vmem_shared>>
      %dma_wait3A_100 = tpu.memref_slice %arg15[%add3A_54] : memref<10240xf32, #tpu.memory_space<vmem_shared>> -> memref<80xf32, #tpu.memory_space<vmem_shared>>
      tpu.wait_dma2 semaphore(%run_scoped3A : memref<!tpu.dma_semaphore, #tpu.memory_space<semaphore_mem>>) src(%arg14 : memref<80xf32, #tpu.memory_space<vmem>>) dst(%dma_wait3A_100 : memref<80xf32, #tpu.memory_space<vmem_shared>>)
      tpu.yield
    }) : () -> ()
    %add3A_55 = arith.constant 320 : i32
    %add3A_56 = arith.addi %mul3A_2, %add3A_55 : i32
    "tpu.region"() ({
      %run_scoped3A = tpu.sem_alloc : memref<!tpu.dma_semaphore, #tpu.memory_space<semaphore_mem>>
      %dma_start3A = tpu.memref_slice %arg15[%add3A_56] : memref<10240xf32, #tpu.memory_space<vmem_shared>> -> memref<80xf32, #tpu.memory_space<vmem_shared>>
      %dma_start3A_99 = tpu.memref_slice %arg15[%add3A_56] : memref<10240xf32, #tpu.memory_space<vmem_shared>> -> memref<80xf32, #tpu.memory_space<vmem_shared>>
      tpu.enqueue_dma source(%arg14 : memref<80xf32, #tpu.memory_space<vmem>>) target(%dma_start3A_99 : memref<80xf32, #tpu.memory_space<vmem_shared>>) target_semaphore(%run_scoped3A : memref<!tpu.dma_semaphore, #tpu.memory_space<semaphore_mem>>)
      %dma_wait3A = tpu.memref_slice %arg15[%add3A_56] : memref<10240xf32, #tpu.memory_space<vmem_shared>> -> memref<80xf32, #tpu.memory_space<vmem_shared>>
      %dma_wait3A_100 = tpu.memref_slice %arg15[%add3A_56] : memref<10240xf32, #tpu.memory_space<vmem_shared>> -> memref<80xf32, #tpu.memory_space<vmem_shared>>
      tpu.wait_dma2 semaphore(%run_scoped3A : memref<!tpu.dma_semaphore, #tpu.memory_space<semaphore_mem>>) src(%arg14 : memref<80xf32, #tpu.memory_space<vmem>>) dst(%dma_wait3A_100 : memref<80xf32, #tpu.memory_space<vmem_shared>>)
      tpu.yield
    }) : () -> ()
    %add3A_57 = arith.constant 400 : i32
    %add3A_58 = arith.addi %mul3A_2, %add3A_57 : i32
    "tpu.region"() ({
      %run_scoped3A = tpu.sem_alloc : memref<!tpu.dma_semaphore, #tpu.memory_space<semaphore_mem>>
      %dma_start3A = tpu.memref_slice %arg15[%add3A_58] : memref<10240xf32, #tpu.memory_space<vmem_shared>> -> memref<80xf32, #tpu.memory_space<vmem_shared>>
      %dma_start3A_99 = tpu.memref_slice %arg15[%add3A_58] : memref<10240xf32, #tpu.memory_space<vmem_shared>> -> memref<80xf32, #tpu.memory_space<vmem_shared>>
      tpu.enqueue_dma source(%arg14 : memref<80xf32, #tpu.memory_space<vmem>>) target(%dma_start3A_99 : memref<80xf32, #tpu.memory_space<vmem_shared>>) target_semaphore(%run_scoped3A : memref<!tpu.dma_semaphore, #tpu.memory_space<semaphore_mem>>)
      %dma_wait3A = tpu.memref_slice %arg15[%add3A_58] : memref<10240xf32, #tpu.memory_space<vmem_shared>> -> memref<80xf32, #tpu.memory_space<vmem_shared>>
      %dma_wait3A_100 = tpu.memref_slice %arg15[%add3A_58] : memref<10240xf32, #tpu.memory_space<vmem_shared>> -> memref<80xf32, #tpu.memory_space<vmem_shared>>
      tpu.wait_dma2 semaphore(%run_scoped3A : memref<!tpu.dma_semaphore, #tpu.memory_space<semaphore_mem>>) src(%arg14 : memref<80xf32, #tpu.memory_space<vmem>>) dst(%dma_wait3A_100 : memref<80xf32, #tpu.memory_space<vmem_shared>>)
      tpu.yield
    }) : () -> ()
    %add3A_59 = arith.constant 480 : i32
    %add3A_60 = arith.addi %mul3A_2, %add3A_59 : i32
    "tpu.region"() ({
      %run_scoped3A = tpu.sem_alloc : memref<!tpu.dma_semaphore, #tpu.memory_space<semaphore_mem>>
      %dma_start3A = tpu.memref_slice %arg15[%add3A_60] : memref<10240xf32, #tpu.memory_space<vmem_shared>> -> memref<80xf32, #tpu.memory_space<vmem_shared>>
      %dma_start3A_99 = tpu.memref_slice %arg15[%add3A_60] : memref<10240xf32, #tpu.memory_space<vmem_shared>> -> memref<80xf32, #tpu.memory_space<vmem_shared>>
      tpu.enqueue_dma source(%arg14 : memref<80xf32, #tpu.memory_space<vmem>>) target(%dma_start3A_99 : memref<80xf32, #tpu.memory_space<vmem_shared>>) target_semaphore(%run_scoped3A : memref<!tpu.dma_semaphore, #tpu.memory_space<semaphore_mem>>)
      %dma_wait3A = tpu.memref_slice %arg15[%add3A_60] : memref<10240xf32, #tpu.memory_space<vmem_shared>> -> memref<80xf32, #tpu.memory_space<vmem_shared>>
      %dma_wait3A_100 = tpu.memref_slice %arg15[%add3A_60] : memref<10240xf32, #tpu.memory_space<vmem_shared>> -> memref<80xf32, #tpu.memory_space<vmem_shared>>
      tpu.wait_dma2 semaphore(%run_scoped3A : memref<!tpu.dma_semaphore, #tpu.memory_space<semaphore_mem>>) src(%arg14 : memref<80xf32, #tpu.memory_space<vmem>>) dst(%dma_wait3A_100 : memref<80xf32, #tpu.memory_space<vmem_shared>>)
      tpu.yield
    }) : () -> ()
    %add3A_61 = arith.constant 560 : i32
    %add3A_62 = arith.addi %mul3A_2, %add3A_61 : i32
    "tpu.region"() ({
      %run_scoped3A = tpu.sem_alloc : memref<!tpu.dma_semaphore, #tpu.memory_space<semaphore_mem>>
      %dma_start3A = tpu.memref_slice %arg15[%add3A_62] : memref<10240xf32, #tpu.memory_space<vmem_shared>> -> memref<80xf32, #tpu.memory_space<vmem_shared>>
      %dma_start3A_99 = tpu.memref_slice %arg15[%add3A_62] : memref<10240xf32, #tpu.memory_space<vmem_shared>> -> memref<80xf32, #tpu.memory_space<vmem_shared>>
      tpu.enqueue_dma source(%arg14 : memref<80xf32, #tpu.memory_space<vmem>>) target(%dma_start3A_99 : memref<80xf32, #tpu.memory_space<vmem_shared>>) target_semaphore(%run_scoped3A : memref<!tpu.dma_semaphore, #tpu.memory_space<semaphore_mem>>)
      %dma_wait3A = tpu.memref_slice %arg15[%add3A_62] : memref<10240xf32, #tpu.memory_space<vmem_shared>> -> memref<80xf32, #tpu.memory_space<vmem_shared>>
      %dma_wait3A_100 = tpu.memref_slice %arg15[%add3A_62] : memref<10240xf32, #tpu.memory_space<vmem_shared>> -> memref<80xf32, #tpu.memory_space<vmem_shared>>
      tpu.wait_dma2 semaphore(%run_scoped3A : memref<!tpu.dma_semaphore, #tpu.memory_space<semaphore_mem>>) src(%arg14 : memref<80xf32, #tpu.memory_space<vmem>>) dst(%dma_wait3A_100 : memref<80xf32, #tpu.memory_space<vmem_shared>>)
      tpu.yield
    }) : () -> ()
    %broadcast_in_dim3A_63 = arith.constant 1.000000e+00 : f32
    %broadcast_in_dim3A_64 = vector.broadcast %broadcast_in_dim3A_63 : f32 to vector<16xf32>
    %swap3A_65 = arith.constant 0 : index
    %swap3A_66 = tpu.vector_load %arg14[%swap3A_65] {strides = array<i32>} : memref<80xf32, #tpu.memory_space<vmem>>, vector<16xf32>,
    %swap3A_67 = vector.shape_cast %swap3A_66 : vector<16xf32> to vector<16xf32>
    %swap3A_68 = vector.shape_cast %broadcast_in_dim3A_64 : vector<16xf32> to vector<16xf32>
    tpu.vector_store %arg14[%swap3A_65], %swap3A_68 {strides = array<i32>} : memref<80xf32, #tpu.memory_space<vmem>>, vector<16xf32>,
    %broadcast_in_dim3A_69 = arith.constant 1.000000e+00 : f32
    %broadcast_in_dim3A_70 = vector.broadcast %broadcast_in_dim3A_69 : f32 to vector<16xf32>
    %swap3A_71 = arith.constant 16 : index
    %swap3A_72 = tpu.vector_load %arg14[%swap3A_71] {strides = array<i32>} : memref<80xf32, #tpu.memory_space<vmem>>, vector<16xf32>,
    %swap3A_73 = vector.shape_cast %swap3A_72 : vector<16xf32> to vector<16xf32>
    %swap3A_74 = vector.shape_cast %broadcast_in_dim3A_70 : vector<16xf32> to vector<16xf32>
    tpu.vector_store %arg14[%swap3A_71], %swap3A_74 {strides = array<i32>} : memref<80xf32, #tpu.memory_space<vmem>>, vector<16xf32>,
    %broadcast_in_dim3A_75 = arith.constant 1.000000e+00 : f32
    %broadcast_in_dim3A_76 = vector.broadcast %broadcast_in_dim3A_75 : f32 to vector<16xf32>
    %swap3A_77 = arith.constant 32 : index
    %swap3A_78 = tpu.vector_load %arg14[%swap3A_77] {strides = array<i32>} : memref<80xf32, #tpu.memory_space<vmem>>, vector<16xf32>,
    %swap3A_79 = vector.shape_cast %swap3A_78 : vector<16xf32> to vector<16xf32>
    %swap3A_80 = vector.shape_cast %broadcast_in_dim3A_76 : vector<16xf32> to vector<16xf32>
    tpu.vector_store %arg14[%swap3A_77], %swap3A_80 {strides = array<i32>} : memref<80xf32, #tpu.memory_space<vmem>>, vector<16xf32>,
    %broadcast_in_dim3A_81 = arith.constant 1.000000e+00 : f32
    %broadcast_in_dim3A_82 = vector.broadcast %broadcast_in_dim3A_81 : f32 to vector<16xf32>
    %swap3A_83 = arith.constant 48 : index
    %swap3A_84 = tpu.vector_load %arg14[%swap3A_83] {strides = array<i32>} : memref<80xf32, #tpu.memory_space<vmem>>, vector<16xf32>,
    %swap3A_85 = vector.shape_cast %swap3A_84 : vector<16xf32> to vector<16xf32>
    %swap3A_86 = vector.shape_cast %broadcast_in_dim3A_82 : vector<16xf32> to vector<16xf32>
    tpu.vector_store %arg14[%swap3A_83], %swap3A_86 {strides = array<i32>} : memref<80xf32, #tpu.memory_space<vmem>>, vector<16xf32>,
    %broadcast_in_dim3A_87 = arith.constant 1.000000e+00 : f32
    %broadcast_in_dim3A_88 = vector.broadcast %broadcast_in_dim3A_87 : f32 to vector<16xf32>
    %swap3A_89 = arith.constant 64 : index
    %swap3A_90 = tpu.vector_load %arg14[%swap3A_89] {strides = array<i32>} : memref<80xf32, #tpu.memory_space<vmem>>, vector<16xf32>,
    %swap3A_91 = vector.shape_cast %swap3A_90 : vector<16xf32> to vector<16xf32>
    %swap3A_92 = vector.shape_cast %broadcast_in_dim3A_88 : vector<16xf32> to vector<16xf32>
    tpu.vector_store %arg14[%swap3A_89], %swap3A_92 {strides = array<i32>} : memref<80xf32, #tpu.memory_space<vmem>>, vector<16xf32>,
    %barrier3A = arith.constant 0 : index
    tpu.barrier barrier_id(%barrier3A)
    %scan3A = arith.constant 0 : i32
    %scan3A_93 = arith.constant 0 : i32
    %scan3A_94 = arith.constant 5 : i32
    %scan3A_95 = arith.addi %scan3A_93, %scan3A_94 : i32
    %scan3A_96 = arith.constant 1 : i32
    scf.for %scan3A_99 = %scan3A_93 to %scan3A_95 step %scan3A_96  : i32 {
      "tpu.region"() ({
        %run_scoped3A = tpu.sem_alloc : memref<!tpu.dma_semaphore, #tpu.memory_space<semaphore_mem>>
        %dma_start3A_146 = arith.constant 0 : i32
        %dma_start3A_147 = arith.constant 0 : i32
        %dma_start3A_148 = tpu.memref_slice %arg3[%add3A, %scan3A_99, %dma_start3A_146, %dma_start3A_147] : memref<32x5x25x80xi32, #tpu.memory_space<hbm>> -> memref<1x1x25x80xi32, #tpu.memory_space<hbm>>
        %dma_start3A_149 = tpu.memref_squeeze %dma_start3A_148 : memref<1x1x25x80xi32, #tpu.memory_space<hbm>> -> memref<25x80xi32, #tpu.memory_space<hbm>>
        %dma_start3A_150 = arith.constant 0 : i32
        %dma_start3A_151 = arith.constant 0 : i32
        %dma_start3A_152 = tpu.memref_slice %arg3[%add3A, %scan3A_99, %dma_start3A_150, %dma_start3A_151] : memref<32x5x25x80xi32, #tpu.memory_space<hbm>> -> memref<1x1x25x80xi32, #tpu.memory_space<hbm>>
        %dma_start3A_153 = tpu.memref_squeeze %dma_start3A_152 : memref<1x1x25x80xi32, #tpu.memory_space<hbm>> -> memref<25x80xi32, #tpu.memory_space<hbm>>
        tpu.enqueue_dma source(%dma_start3A_153 : memref<25x80xi32, #tpu.memory_space<hbm>>) target(%arg8 : memref<25x80xi32, #tpu.memory_space<vmem>>) target_semaphore(%run_scoped3A : memref<!tpu.dma_semaphore, #tpu.memory_space<semaphore_mem>>)
        %dma_wait3A_154 = arith.constant 0 : i32
        %dma_wait3A_155 = arith.constant 0 : i32
        %dma_wait3A_156 = tpu.memref_slice %arg3[%add3A, %scan3A_99, %dma_wait3A_154, %dma_wait3A_155] : memref<32x5x25x80xi32, #tpu.memory_space<hbm>> -> memref<1x1x25x80xi32, #tpu.memory_space<hbm>>
        %dma_wait3A_157 = tpu.memref_squeeze %dma_wait3A_156 : memref<1x1x25x80xi32, #tpu.memory_space<hbm>> -> memref<25x80xi32, #tpu.memory_space<hbm>>
        %dma_wait3A_158 = arith.constant 0 : i32
        %dma_wait3A_159 = arith.constant 0 : i32
        %dma_wait3A_160 = tpu.memref_slice %arg3[%add3A, %scan3A_99, %dma_wait3A_158, %dma_wait3A_159] : memref<32x5x25x80xi32, #tpu.memory_space<hbm>> -> memref<1x1x25x80xi32, #tpu.memory_space<hbm>>
        %dma_wait3A_161 = tpu.memref_squeeze %dma_wait3A_160 : memref<1x1x25x80xi32, #tpu.memory_space<hbm>> -> memref<25x80xi32, #tpu.memory_space<hbm>>
        tpu.wait_dma2 semaphore(%run_scoped3A : memref<!tpu.dma_semaphore, #tpu.memory_space<semaphore_mem>>) src(%dma_wait3A_161 : memref<25x80xi32, #tpu.memory_space<hbm>>) dst(%arg8 : memref<25x80xi32, #tpu.memory_space<vmem>>)
        tpu.yield
      }) : () -> ()
      "tpu.region"() ({
        %run_scoped3A = tpu.sem_alloc : memref<!tpu.dma_semaphore, #tpu.memory_space<semaphore_mem>>
        %dma_start3A_146 = arith.constant 0 : i32
        %dma_start3A_147 = arith.constant 0 : i32
        %dma_start3A_148 = tpu.memref_slice %arg4[%add3A, %scan3A_99, %dma_start3A_146, %dma_start3A_147] : memref<32x5x25x80xi32, #tpu.memory_space<hbm>> -> memref<1x1x25x80xi32, #tpu.memory_space<hbm>>
        %dma_start3A_149 = tpu.memref_squeeze %dma_start3A_148 : memref<1x1x25x80xi32, #tpu.memory_space<hbm>> -> memref<25x80xi32, #tpu.memory_space<hbm>>
        %dma_start3A_150 = arith.constant 0 : i32
        %dma_start3A_151 = arith.constant 0 : i32
        %dma_start3A_152 = tpu.memref_slice %arg4[%add3A, %scan3A_99, %dma_start3A_150, %dma_start3A_151] : memref<32x5x25x80xi32, #tpu.memory_space<hbm>> -> memref<1x1x25x80xi32, #tpu.memory_space<hbm>>
        %dma_start3A_153 = tpu.memref_squeeze %dma_start3A_152 : memref<1x1x25x80xi32, #tpu.memory_space<hbm>> -> memref<25x80xi32, #tpu.memory_space<hbm>>
        tpu.enqueue_dma source(%dma_start3A_153 : memref<25x80xi32, #tpu.memory_space<hbm>>) target(%arg9 : memref<25x80xi32, #tpu.memory_space<vmem>>) target_semaphore(%run_scoped3A : memref<!tpu.dma_semaphore, #tpu.memory_space<semaphore_mem>>)
        %dma_wait3A_154 = arith.constant 0 : i32
        %dma_wait3A_155 = arith.constant 0 : i32
        %dma_wait3A_156 = tpu.memref_slice %arg4[%add3A, %scan3A_99, %dma_wait3A_154, %dma_wait3A_155] : memref<32x5x25x80xi32, #tpu.memory_space<hbm>> -> memref<1x1x25x80xi32, #tpu.memory_space<hbm>>
        %dma_wait3A_157 = tpu.memref_squeeze %dma_wait3A_156 : memref<1x1x25x80xi32, #tpu.memory_space<hbm>> -> memref<25x80xi32, #tpu.memory_space<hbm>>
        %dma_wait3A_158 = arith.constant 0 : i32
        %dma_wait3A_159 = arith.constant 0 : i32
        %dma_wait3A_160 = tpu.memref_slice %arg4[%add3A, %scan3A_99, %dma_wait3A_158, %dma_wait3A_159] : memref<32x5x25x80xi32, #tpu.memory_space<hbm>> -> memref<1x1x25x80xi32, #tpu.memory_space<hbm>>
        %dma_wait3A_161 = tpu.memref_squeeze %dma_wait3A_160 : memref<1x1x25x80xi32, #tpu.memory_space<hbm>> -> memref<25x80xi32, #tpu.memory_space<hbm>>
        tpu.wait_dma2 semaphore(%run_scoped3A : memref<!tpu.dma_semaphore, #tpu.memory_space<semaphore_mem>>) src(%dma_wait3A_161 : memref<25x80xi32, #tpu.memory_space<hbm>>) dst(%arg9 : memref<25x80xi32, #tpu.memory_space<vmem>>)
        tpu.yield
      }) : () -> ()
      %dma_start3A = arith.constant 0 : i32
      %dma_start3A_100 = arith.constant 0 : i32
      %dma_start3A_101 = arith.constant 0 : i32
      %dma_start3A_102 = arith.constant 0 : i32
      %dma_start3A_103 = tpu.memref_slice %arg10[%dma_start3A_100, %dma_start3A_101, %dma_start3A_102] : memref<3x80x128xf32, #tpu.memory_space<vmem>> -> memref<1x80x128xf32, #tpu.memory_space<vmem>>
      %dma_start3A_104 = tpu.memref_squeeze %dma_start3A_103 : memref<1x80x128xf32, #tpu.memory_space<vmem>> -> memref<80x128xf32, #tpu.memory_space<vmem>>
      %dma_start3A_105 = arith.constant 0 : i32
      %dma_start3A_106 = tpu.memref_slice %arg8[%dma_start3A, %dma_start3A_105] : memref<25x80xi32, #tpu.memory_space<vmem>> -> memref<1x80xi32, #tpu.memory_space<vmem>>
      %dma_start3A_107 = tpu.memref_squeeze %dma_start3A_106 : memref<1x80xi32, #tpu.memory_space<vmem>> -> memref<80xi32, #tpu.memory_space<vmem>>
      %dma_start3A_108 = arith.constant 0 : i32
      %dma_start3A_109 = arith.constant 0 : i32
      %dma_start3A_110 = tpu.memref_slice %arg2[%dma_start3A_108, %dma_start3A_109] : memref<10240x128xf32, #tpu.memory_space<hbm>> -> memref<10240x128xf32, #tpu.memory_space<hbm>>
      tpu.enqueue_indirect_dma source(%dma_start3A_110 : memref<10240x128xf32, #tpu.memory_space<hbm>>) target(%dma_start3A_104 : memref<80x128xf32, #tpu.memory_space<vmem>>) offsets(%dma_start3A_107 : memref<80xi32, #tpu.memory_space<vmem>>) semaphore(%arg12 : memref<!tpu.dma_semaphore, #tpu.memory_space<semaphore_mem>>)
      %dma_start3A_111 = arith.constant 1 : i32
      %dma_start3A_112 = arith.constant 1 : i32
      %dma_start3A_113 = arith.constant 0 : i32
      %dma_start3A_114 = arith.constant 0 : i32
      %dma_start3A_115 = tpu.memref_slice %arg10[%dma_start3A_112, %dma_start3A_113, %dma_start3A_114] : memref<3x80x128xf32, #tpu.memory_space<vmem>> -> memref<1x80x128xf32, #tpu.memory_space<vmem>>
      %dma_start3A_116 = tpu.memref_squeeze %dma_start3A_115 : memref<1x80x128xf32, #tpu.memory_space<vmem>> -> memref<80x128xf32, #tpu.memory_space<vmem>>
      %dma_start3A_117 = arith.constant 0 : i32
      %dma_start3A_118 = tpu.memref_slice %arg8[%dma_start3A_111, %dma_start3A_117] : memref<25x80xi32, #tpu.memory_space<vmem>> -> memref<1x80xi32, #tpu.memory_space<vmem>>
      %dma_start3A_119 = tpu.memref_squeeze %dma_start3A_118 : memref<1x80xi32, #tpu.memory_space<vmem>> -> memref<80xi32, #tpu.memory_space<vmem>>
      %dma_start3A_120 = arith.constant 0 : i32
      %dma_start3A_121 = arith.constant 0 : i32
      %dma_start3A_122 = tpu.memref_slice %arg2[%dma_start3A_120, %dma_start3A_121] : memref<10240x128xf32, #tpu.memory_space<hbm>> -> memref<10240x128xf32, #tpu.memory_space<hbm>>
      tpu.enqueue_indirect_dma source(%dma_start3A_122 : memref<10240x128xf32, #tpu.memory_space<hbm>>) target(%dma_start3A_116 : memref<80x128xf32, #tpu.memory_space<vmem>>) offsets(%dma_start3A_119 : memref<80xi32, #tpu.memory_space<vmem>>) semaphore(%arg12 : memref<!tpu.dma_semaphore, #tpu.memory_space<semaphore_mem>>)
      %scan3A_123 = arith.constant 0 : i32
      %scan3A_124 = arith.constant 0 : i32
      %scan3A_125 = arith.constant 25 : i32
      %scan3A_126 = arith.addi %scan3A_124, %scan3A_125 : i32
      %scan3A_127 = arith.constant 1 : i32
      scf.for %scan3A_146 = %scan3A_124 to %scan3A_126 step %scan3A_127  : i32 {
        %rem3A = arith.constant 3 : i32
        %rem3A_147 = arith.remsi %scan3A_146, %rem3A : i32
        %dma_wait3A_148 = arith.constant 0 : i32
        %dma_wait3A_149 = arith.constant 0 : i32
        %dma_wait3A_150 = tpu.memref_slice %arg10[%rem3A_147, %dma_wait3A_148, %dma_wait3A_149] : memref<3x80x128xf32, #tpu.memory_space<vmem>> -> memref<1x80x128xf32, #tpu.memory_space<vmem>>
        %dma_wait3A_151 = tpu.memref_squeeze %dma_wait3A_150 : memref<1x80x128xf32, #tpu.memory_space<vmem>> -> memref<80x128xf32, #tpu.memory_space<vmem>>
        %dma_wait3A_152 = arith.constant 0 : i32
        %dma_wait3A_153 = tpu.memref_slice %arg8[%scan3A_146, %dma_wait3A_152] : memref<25x80xi32, #tpu.memory_space<vmem>> -> memref<1x80xi32, #tpu.memory_space<vmem>>
        %dma_wait3A_154 = tpu.memref_squeeze %dma_wait3A_153 : memref<1x80xi32, #tpu.memory_space<vmem>> -> memref<80xi32, #tpu.memory_space<vmem>>
        %dma_wait3A_155 = arith.constant 0 : i32
        %dma_wait3A_156 = arith.constant 0 : i32
        %dma_wait3A_157 = tpu.memref_slice %arg2[%dma_wait3A_155, %dma_wait3A_156] : memref<10240x128xf32, #tpu.memory_space<hbm>> -> memref<10240x128xf32, #tpu.memory_space<hbm>>
        tpu.wait_indirect_dma semaphore(%arg12 : memref<!tpu.dma_semaphore, #tpu.memory_space<semaphore_mem>>) src(%dma_wait3A_157 : memref<10240x128xf32, #tpu.memory_space<hbm>>) dst(%dma_wait3A_151 : memref<80x128xf32, #tpu.memory_space<vmem>>)
        %dma_start3A_158 = arith.constant 0 : i32
        %dma_start3A_159 = arith.constant 0 : i32
        %dma_start3A_160 = tpu.memref_slice %arg10[%rem3A_147, %dma_start3A_158, %dma_start3A_159] : memref<3x80x128xf32, #tpu.memory_space<vmem>> -> memref<1x80x128xf32, #tpu.memory_space<vmem>>
        %dma_start3A_161 = tpu.memref_squeeze %dma_start3A_160 : memref<1x80x128xf32, #tpu.memory_space<vmem>> -> memref<80x128xf32, #tpu.memory_space<vmem>>
        %dma_start3A_162 = arith.constant 0 : i32
        %dma_start3A_163 = tpu.memref_slice %arg9[%scan3A_146, %dma_start3A_162] : memref<25x80xi32, #tpu.memory_space<vmem>> -> memref<1x80xi32, #tpu.memory_space<vmem>>
        %dma_start3A_164 = tpu.memref_squeeze %dma_start3A_163 : memref<1x80xi32, #tpu.memory_space<vmem>> -> memref<80xi32, #tpu.memory_space<vmem>>
        %dma_start3A_165 = arith.constant 0 : i32
        %dma_start3A_166 = arith.constant 0 : i32
        %dma_start3A_167 = tpu.memref_slice %arg11[%dma_start3A_165, %dma_start3A_166] : memref<10240x128xf32, #tpu.memory_space<vmem_shared>> -> memref<10240x128xf32, #tpu.memory_space<vmem_shared>>
        tpu.enqueue_indirect_dma source(%dma_start3A_161 : memref<80x128xf32, #tpu.memory_space<vmem>>) target(%dma_start3A_167 : memref<10240x128xf32, #tpu.memory_space<vmem_shared>>) offsets(%dma_start3A_164 : memref<80xi32, #tpu.memory_space<vmem>>) semaphore(%arg13 : memref<!tpu.dma_semaphore, #tpu.memory_space<semaphore_mem>>) {add = true}
        %dma_start3A_168 = arith.constant 0 : i32
        %dma_start3A_169 = tpu.memref_slice %arg9[%scan3A_146, %dma_start3A_168] : memref<25x80xi32, #tpu.memory_space<vmem>> -> memref<1x80xi32, #tpu.memory_space<vmem>>
        %dma_start3A_170 = tpu.memref_squeeze %dma_start3A_169 : memref<1x80xi32, #tpu.memory_space<vmem>> -> memref<80xi32, #tpu.memory_space<vmem>>
        %dma_start3A_171 = arith.constant 0 : i32
        %dma_start3A_172 = tpu.memref_slice %arg15[%dma_start3A_171] : memref<10240xf32, #tpu.memory_space<vmem_shared>> -> memref<10240xf32, #tpu.memory_space<vmem_shared>>
        tpu.enqueue_indirect_dma source(%arg14 : memref<80xf32, #tpu.memory_space<vmem>>) target(%dma_start3A_172 : memref<10240xf32, #tpu.memory_space<vmem_shared>>) offsets(%dma_start3A_170 : memref<80xi32, #tpu.memory_space<vmem>>) semaphore(%arg16 : memref<!tpu.dma_semaphore, #tpu.memory_space<semaphore_mem>>) {add = true}
        %gt3A = arith.constant 0 : i32
        %gt3A_173 = arith.cmpi sgt, %scan3A_146, %gt3A : i32
        %convert_element_type3A = arith.extui %gt3A_173 : i1 to i32
        %cond3A = arith.constant 0 : i32
        %cond3A_174 = arith.cmpi ne, %convert_element_type3A, %cond3A : i32
        scf.if %cond3A_174 {
          %add3A_182 = arith.constant 3 : i32
          %add3A_183 = arith.addi %scan3A_146, %add3A_182 : i32
          %sub3A_184 = arith.constant 1 : i32
          %sub3A_185 = arith.subi %add3A_183, %sub3A_184 : i32
          %rem3A_186 = arith.constant 3 : i32
          %rem3A_187 = arith.remsi %sub3A_185, %rem3A_186 : i32
          %sub3A_188 = arith.constant 1 : i32
          %sub3A_189 = arith.subi %scan3A_146, %sub3A_188 : i32
          %dma_wait3A_190 = arith.constant 0 : i32
          %dma_wait3A_191 = arith.constant 0 : i32
          %dma_wait3A_192 = tpu.memref_slice %arg10[%rem3A_187, %dma_wait3A_190, %dma_wait3A_191] : memref<3x80x128xf32, #tpu.memory_space<vmem>> -> memref<1x80x128xf32, #tpu.memory_space<vmem>>
          %dma_wait3A_193 = tpu.memref_squeeze %dma_wait3A_192 : memref<1x80x128xf32, #tpu.memory_space<vmem>> -> memref<80x128xf32, #tpu.memory_space<vmem>>
          %dma_wait3A_194 = arith.constant 0 : i32
          %dma_wait3A_195 = tpu.memref_slice %arg9[%sub3A_189, %dma_wait3A_194] : memref<25x80xi32, #tpu.memory_space<vmem>> -> memref<1x80xi32, #tpu.memory_space<vmem>>
          %dma_wait3A_196 = tpu.memref_squeeze %dma_wait3A_195 : memref<1x80xi32, #tpu.memory_space<vmem>> -> memref<80xi32, #tpu.memory_space<vmem>>
          %dma_wait3A_197 = arith.constant 0 : i32
          %dma_wait3A_198 = arith.constant 0 : i32
          %dma_wait3A_199 = tpu.memref_slice %arg11[%dma_wait3A_197, %dma_wait3A_198] : memref<10240x128xf32, #tpu.memory_space<vmem_shared>> -> memref<10240x128xf32, #tpu.memory_space<vmem_shared>>
          tpu.wait_indirect_dma semaphore(%arg13 : memref<!tpu.dma_semaphore, #tpu.memory_space<semaphore_mem>>) src(%dma_wait3A_193 : memref<80x128xf32, #tpu.memory_space<vmem>>) dst(%dma_wait3A_199 : memref<10240x128xf32, #tpu.memory_space<vmem_shared>>)
        } else {
        }
        %add3A_175 = arith.constant 3 : i32
        %add3A_176 = arith.addi %scan3A_146, %add3A_175 : i32
        %sub3A = arith.constant 1 : i32
        %sub3A_177 = arith.subi %add3A_176, %sub3A : i32
        %lt3A = arith.constant 25 : i32
        %lt3A_178 = arith.cmpi slt, %sub3A_177, %lt3A : i32
        %convert_element_type3A_179 = arith.extui %lt3A_178 : i1 to i32
        %cond3A_180 = arith.constant 0 : i32
        %cond3A_181 = arith.cmpi ne, %convert_element_type3A_179, %cond3A_180 : i32
        scf.if %cond3A_181 {
          %add3A_182 = arith.constant 3 : i32
          %add3A_183 = arith.addi %scan3A_146, %add3A_182 : i32
          %sub3A_184 = arith.constant 1 : i32
          %sub3A_185 = arith.subi %add3A_183, %sub3A_184 : i32
          %rem3A_186 = arith.constant 3 : i32
          %rem3A_187 = arith.remsi %sub3A_185, %rem3A_186 : i32
          %add3A_188 = arith.constant 3 : i32
          %add3A_189 = arith.addi %scan3A_146, %add3A_188 : i32
          %sub3A_190 = arith.constant 1 : i32
          %sub3A_191 = arith.subi %add3A_189, %sub3A_190 : i32
          %dma_start3A_192 = arith.constant 0 : i32
          %dma_start3A_193 = arith.constant 0 : i32
          %dma_start3A_194 = tpu.memref_slice %arg10[%rem3A_187, %dma_start3A_192, %dma_start3A_193] : memref<3x80x128xf32, #tpu.memory_space<vmem>> -> memref<1x80x128xf32, #tpu.memory_space<vmem>>
          %dma_start3A_195 = tpu.memref_squeeze %dma_start3A_194 : memref<1x80x128xf32, #tpu.memory_space<vmem>> -> memref<80x128xf32, #tpu.memory_space<vmem>>
          %dma_start3A_196 = arith.constant 0 : i32
          %dma_start3A_197 = tpu.memref_slice %arg8[%sub3A_191, %dma_start3A_196] : memref<25x80xi32, #tpu.memory_space<vmem>> -> memref<1x80xi32, #tpu.memory_space<vmem>>
          %dma_start3A_198 = tpu.memref_squeeze %dma_start3A_197 : memref<1x80xi32, #tpu.memory_space<vmem>> -> memref<80xi32, #tpu.memory_space<vmem>>
          %dma_start3A_199 = arith.constant 0 : i32
          %dma_start3A_200 = arith.constant 0 : i32
          %dma_start3A_201 = tpu.memref_slice %arg2[%dma_start3A_199, %dma_start3A_200] : memref<10240x128xf32, #tpu.memory_space<hbm>> -> memref<10240x128xf32, #tpu.memory_space<hbm>>
          tpu.enqueue_indirect_dma source(%dma_start3A_201 : memref<10240x128xf32, #tpu.memory_space<hbm>>) target(%dma_start3A_195 : memref<80x128xf32, #tpu.memory_space<vmem>>) offsets(%dma_start3A_198 : memref<80xi32, #tpu.memory_space<vmem>>) semaphore(%arg12 : memref<!tpu.dma_semaphore, #tpu.memory_space<semaphore_mem>>)
        } else {
        }
      }
      %scan3A_128 = arith.constant 25 : i32
      %dma_wait3A = arith.constant 0 : i32
      %dma_wait3A_129 = arith.constant 24 : i32
      %dma_wait3A_130 = arith.constant 0 : i32
      %dma_wait3A_131 = arith.constant 0 : i32
      %dma_wait3A_132 = tpu.memref_slice %arg10[%dma_wait3A, %dma_wait3A_130, %dma_wait3A_131] : memref<3x80x128xf32, #tpu.memory_space<vmem>> -> memref<1x80x128xf32, #tpu.memory_space<vmem>>
      %dma_wait3A_133 = tpu.memref_squeeze %dma_wait3A_132 : memref<1x80x128xf32, #tpu.memory_space<vmem>> -> memref<80x128xf32, #tpu.memory_space<vmem>>
      %dma_wait3A_134 = arith.constant 0 : i32
      %dma_wait3A_135 = tpu.memref_slice %arg9[%dma_wait3A_129, %dma_wait3A_134] : memref<25x80xi32, #tpu.memory_space<vmem>> -> memref<1x80xi32, #tpu.memory_space<vmem>>
      %dma_wait3A_136 = tpu.memref_squeeze %dma_wait3A_135 : memref<1x80xi32, #tpu.memory_space<vmem>> -> memref<80xi32, #tpu.memory_space<vmem>>
      %dma_wait3A_137 = arith.constant 0 : i32
      %dma_wait3A_138 = arith.constant 0 : i32
      %dma_wait3A_139 = tpu.memref_slice %arg11[%dma_wait3A_137, %dma_wait3A_138] : memref<10240x128xf32, #tpu.memory_space<vmem_shared>> -> memref<10240x128xf32, #tpu.memory_space<vmem_shared>>
      tpu.wait_indirect_dma semaphore(%arg13 : memref<!tpu.dma_semaphore, #tpu.memory_space<semaphore_mem>>) src(%dma_wait3A_133 : memref<80x128xf32, #tpu.memory_space<vmem>>) dst(%dma_wait3A_139 : memref<10240x128xf32, #tpu.memory_space<vmem_shared>>)
      %scan3A_140 = arith.constant 0 : i32
      %scan3A_141 = arith.constant 0 : i32
      %scan3A_142 = arith.constant 25 : i32
      %scan3A_143 = arith.addi %scan3A_141, %scan3A_142 : i32
      %scan3A_144 = arith.constant 1 : i32
      scf.for %scan3A_146 = %scan3A_141 to %scan3A_143 step %scan3A_144  : i32 {
        %dma_wait3A_147 = arith.constant 0 : i32
        %dma_wait3A_148 = tpu.memref_slice %arg9[%scan3A_146, %dma_wait3A_147] : memref<25x80xi32, #tpu.memory_space<vmem>> -> memref<1x80xi32, #tpu.memory_space<vmem>>
        %dma_wait3A_149 = tpu.memref_squeeze %dma_wait3A_148 : memref<1x80xi32, #tpu.memory_space<vmem>> -> memref<80xi32, #tpu.memory_space<vmem>>
        %dma_wait3A_150 = arith.constant 0 : i32
        %dma_wait3A_151 = tpu.memref_slice %arg15[%dma_wait3A_150] : memref<10240xf32, #tpu.memory_space<vmem_shared>> -> memref<10240xf32, #tpu.memory_space<vmem_shared>>
        tpu.wait_indirect_dma semaphore(%arg16 : memref<!tpu.dma_semaphore, #tpu.memory_space<semaphore_mem>>) src(%arg14 : memref<80xf32, #tpu.memory_space<vmem>>) dst(%dma_wait3A_151 : memref<10240xf32, #tpu.memory_space<vmem_shared>>)
      }
      %scan3A_145 = arith.constant 25 : i32
    }
    %scan3A_97 = arith.constant 5 : i32
    %barrier3A_98 = arith.constant 0 : index
    tpu.barrier barrier_id(%barrier3A_98)
    "tpu.region"() ({
      %run_scoped3A = tpu.sem_alloc : memref<!tpu.dma_semaphore, #tpu.memory_space<semaphore_mem>>
      %dma_start3A = arith.constant 0 : i32
      %dma_start3A_99 = tpu.memref_slice %arg6[%arg0, %mul3A_2, %dma_start3A] : memref<2x10240x128xf32, #tpu.memory_space<hbm>> -> memref<1x640x128xf32, #tpu.memory_space<hbm>>
      %dma_start3A_100 = tpu.memref_squeeze %dma_start3A_99 : memref<1x640x128xf32, #tpu.memory_space<hbm>> -> memref<640x128xf32, #tpu.memory_space<hbm>>
      %dma_start3A_101 = arith.constant 0 : i32
      %dma_start3A_102 = tpu.memref_slice %arg11[%mul3A_2, %dma_start3A_101] : memref<10240x128xf32, #tpu.memory_space<vmem_shared>> -> memref<640x128xf32, #tpu.memory_space<vmem_shared>>
      tpu.enqueue_dma source(%dma_start3A_102 : memref<640x128xf32, #tpu.memory_space<vmem_shared>>) target(%dma_start3A_100 : memref<640x128xf32, #tpu.memory_space<hbm>>) target_semaphore(%run_scoped3A : memref<!tpu.dma_semaphore, #tpu.memory_space<semaphore_mem>>)
      %dma_wait3A = arith.constant 0 : i32
      %dma_wait3A_103 = tpu.memref_slice %arg6[%arg0, %mul3A_2, %dma_wait3A] : memref<2x10240x128xf32, #tpu.memory_space<hbm>> -> memref<1x640x128xf32, #tpu.memory_space<hbm>>
      %dma_wait3A_104 = tpu.memref_squeeze %dma_wait3A_103 : memref<1x640x128xf32, #tpu.memory_space<hbm>> -> memref<640x128xf32, #tpu.memory_space<hbm>>
      %dma_wait3A_105 = arith.constant 0 : i32
      %dma_wait3A_106 = tpu.memref_slice %arg11[%mul3A_2, %dma_wait3A_105] : memref<10240x128xf32, #tpu.memory_space<vmem_shared>> -> memref<640x128xf32, #tpu.memory_space<vmem_shared>>
      tpu.wait_dma2 semaphore(%run_scoped3A : memref<!tpu.dma_semaphore, #tpu.memory_space<semaphore_mem>>) src(%dma_wait3A_106 : memref<640x128xf32, #tpu.memory_space<vmem_shared>>) dst(%dma_wait3A_104 : memref<640x128xf32, #tpu.memory_space<hbm>>)
      tpu.yield
    }) : () -> ()
    "tpu.region"() ({
      %run_scoped3A = tpu.sem_alloc : memref<!tpu.dma_semaphore, #tpu.memory_space<semaphore_mem>>
      %dma_start3A = tpu.memref_slice %arg7[%arg0, %mul3A_2] : memref<2x10240xf32, #tpu.memory_space<hbm>> -> memref<1x640xf32, #tpu.memory_space<hbm>>
      %dma_start3A_99 = tpu.memref_squeeze %dma_start3A : memref<1x640xf32, #tpu.memory_space<hbm>> -> memref<640xf32, #tpu.memory_space<hbm>>
      %dma_start3A_100 = tpu.memref_slice %arg15[%mul3A_2] : memref<10240xf32, #tpu.memory_space<vmem_shared>> -> memref<640xf32, #tpu.memory_space<vmem_shared>>
      tpu.enqueue_dma source(%dma_start3A_100 : memref<640xf32, #tpu.memory_space<vmem_shared>>) target(%dma_start3A_99 : memref<640xf32, #tpu.memory_space<hbm>>) target_semaphore(%run_scoped3A : memref<!tpu.dma_semaphore, #tpu.memory_space<semaphore_mem>>)
      %dma_wait3A = tpu.memref_slice %arg7[%arg0, %mul3A_2] : memref<2x10240xf32, #tpu.memory_space<hbm>> -> memref<1x640xf32, #tpu.memory_space<hbm>>
      %dma_wait3A_101 = tpu.memref_squeeze %dma_wait3A : memref<1x640xf32, #tpu.memory_space<hbm>> -> memref<640xf32, #tpu.memory_space<hbm>>
      %dma_wait3A_102 = tpu.memref_slice %arg15[%mul3A_2] : memref<10240xf32, #tpu.memory_space<vmem_shared>> -> memref<640xf32, #tpu.memory_space<vmem_shared>>
      tpu.wait_dma2 semaphore(%run_scoped3A : memref<!tpu.dma_semaphore, #tpu.memory_space<semaphore_mem>>) src(%dma_wait3A_102 : memref<640xf32, #tpu.memory_space<vmem_shared>>) dst(%dma_wait3A_101 : memref<640xf32, #tpu.memory_space<hbm>>)
      tpu.yield
    }) : () -> ()
    return
  }
}

#map = affine_map<(d0, d1) -> (0, 0)>
#map1 = affine_map<(d0, d1) -> (0, 0, 0, 0)>
#map2 = affine_map<(d0, d1) -> (0, 0, 0)>
module attributes {stable_mosaic.version = 14 : i64} {
  func.func @body(%arg0: i32, %arg1: i32, %arg2: memref<10240x128xf32, #tpu.memory_space<hbm>>, %arg3: memref<32x5x25x80xi32, #tpu.memory_space<hbm>>, %arg4: memref<32x5x25x80xi32, #tpu.memory_space<hbm>>, %arg5: memref<80x128xf32, #tpu.memory_space<hbm>>, %arg6: memref<2x10240x128xf32, #tpu.memory_space<hbm>>, %arg7: memref<25x80xi32, #tpu.memory_space<vmem>>, %arg8: memref<25x80xi32, #tpu.memory_space<vmem>>, %arg9: memref<4x80x128xf32, #tpu.memory_space<vmem>>, %arg10: memref<10240x128xf32, #tpu.memory_space<vmem_shared>>, %arg11: memref<!tpu.dma_semaphore, #tpu.memory_space<semaphore_mem>>, %arg12: memref<!tpu.dma_semaphore, #tpu.memory_space<semaphore_mem>>) attributes {dimension_semantics = [#tpu.dimension_semantics<core_parallel>, #tpu.dimension_semantics<subcore_parallel>], iteration_bounds = array<i64: 2, 16>, scalar_prefetch = 0 : i64, scratch_operands = 6 : i64, tpu.core_type = #tpu.core_type<sc_vector_subcore>, window_params = [{transform_indices = #map}, {transform_indices = #map1}, {transform_indices = #map1}, {transform_indices = #map}, {transform_indices = #map2}]} {
    %mul3A = arith.constant 2 : i32
    %mul3A_0 = arith.muli %arg1, %mul3A : i32
    %add3A = arith.addi %mul3A_0, %arg0 : i32
    %mul3A_1 = arith.constant 640 : i32
    %mul3A_2 = arith.muli %arg1, %mul3A_1 : i32
    %add3A_3 = arith.constant 0 : i32
    %add3A_4 = arith.addi %mul3A_2, %add3A_3 : i32
    "tpu.region"() ({
      %run_scoped3A = tpu.sem_alloc : memref<!tpu.dma_semaphore, #tpu.memory_space<semaphore_mem>>
      %dma_start3A = arith.constant 0 : i32
      %dma_start3A_25 = tpu.memref_slice %arg10[%add3A_4, %dma_start3A] : memref<10240x128xf32, #tpu.memory_space<vmem_shared>> -> memref<80x128xf32, #tpu.memory_space<vmem_shared>>
      tpu.enqueue_dma source(%arg5 : memref<80x128xf32, #tpu.memory_space<hbm>>) target(%dma_start3A_25 : memref<80x128xf32, #tpu.memory_space<vmem_shared>>) target_semaphore(%run_scoped3A : memref<!tpu.dma_semaphore, #tpu.memory_space<semaphore_mem>>)
      %dma_wait3A = arith.constant 0 : i32
      %dma_wait3A_26 = tpu.memref_slice %arg10[%add3A_4, %dma_wait3A] : memref<10240x128xf32, #tpu.memory_space<vmem_shared>> -> memref<80x128xf32, #tpu.memory_space<vmem_shared>>
      tpu.wait_dma2 semaphore(%run_scoped3A : memref<!tpu.dma_semaphore, #tpu.memory_space<semaphore_mem>>) src(%arg5 : memref<80x128xf32, #tpu.memory_space<hbm>>) dst(%dma_wait3A_26 : memref<80x128xf32, #tpu.memory_space<vmem_shared>>)
      tpu.yield
    }) : () -> ()
    %add3A_5 = arith.constant 80 : i32
    %add3A_6 = arith.addi %mul3A_2, %add3A_5 : i32
    "tpu.region"() ({
      %run_scoped3A = tpu.sem_alloc : memref<!tpu.dma_semaphore, #tpu.memory_space<semaphore_mem>>
      %dma_start3A = arith.constant 0 : i32
      %dma_start3A_25 = tpu.memref_slice %arg10[%add3A_6, %dma_start3A] : memref<10240x128xf32, #tpu.memory_space<vmem_shared>> -> memref<80x128xf32, #tpu.memory_space<vmem_shared>>
      tpu.enqueue_dma source(%arg5 : memref<80x128xf32, #tpu.memory_space<hbm>>) target(%dma_start3A_25 : memref<80x128xf32, #tpu.memory_space<vmem_shared>>) target_semaphore(%run_scoped3A : memref<!tpu.dma_semaphore, #tpu.memory_space<semaphore_mem>>)
      %dma_wait3A = arith.constant 0 : i32
      %dma_wait3A_26 = tpu.memref_slice %arg10[%add3A_6, %dma_wait3A] : memref<10240x128xf32, #tpu.memory_space<vmem_shared>> -> memref<80x128xf32, #tpu.memory_space<vmem_shared>>
      tpu.wait_dma2 semaphore(%run_scoped3A : memref<!tpu.dma_semaphore, #tpu.memory_space<semaphore_mem>>) src(%arg5 : memref<80x128xf32, #tpu.memory_space<hbm>>) dst(%dma_wait3A_26 : memref<80x128xf32, #tpu.memory_space<vmem_shared>>)
      tpu.yield
    }) : () -> ()
    %add3A_7 = arith.constant 160 : i32
    %add3A_8 = arith.addi %mul3A_2, %add3A_7 : i32
    "tpu.region"() ({
      %run_scoped3A = tpu.sem_alloc : memref<!tpu.dma_semaphore, #tpu.memory_space<semaphore_mem>>
      %dma_start3A = arith.constant 0 : i32
      %dma_start3A_25 = tpu.memref_slice %arg10[%add3A_8, %dma_start3A] : memref<10240x128xf32, #tpu.memory_space<vmem_shared>> -> memref<80x128xf32, #tpu.memory_space<vmem_shared>>
      tpu.enqueue_dma source(%arg5 : memref<80x128xf32, #tpu.memory_space<hbm>>) target(%dma_start3A_25 : memref<80x128xf32, #tpu.memory_space<vmem_shared>>) target_semaphore(%run_scoped3A : memref<!tpu.dma_semaphore, #tpu.memory_space<semaphore_mem>>)
      %dma_wait3A = arith.constant 0 : i32
      %dma_wait3A_26 = tpu.memref_slice %arg10[%add3A_8, %dma_wait3A] : memref<10240x128xf32, #tpu.memory_space<vmem_shared>> -> memref<80x128xf32, #tpu.memory_space<vmem_shared>>
      tpu.wait_dma2 semaphore(%run_scoped3A : memref<!tpu.dma_semaphore, #tpu.memory_space<semaphore_mem>>) src(%arg5 : memref<80x128xf32, #tpu.memory_space<hbm>>) dst(%dma_wait3A_26 : memref<80x128xf32, #tpu.memory_space<vmem_shared>>)
      tpu.yield
    }) : () -> ()
    %add3A_9 = arith.constant 240 : i32
    %add3A_10 = arith.addi %mul3A_2, %add3A_9 : i32
    "tpu.region"() ({
      %run_scoped3A = tpu.sem_alloc : memref<!tpu.dma_semaphore, #tpu.memory_space<semaphore_mem>>
      %dma_start3A = arith.constant 0 : i32
      %dma_start3A_25 = tpu.memref_slice %arg10[%add3A_10, %dma_start3A] : memref<10240x128xf32, #tpu.memory_space<vmem_shared>> -> memref<80x128xf32, #tpu.memory_space<vmem_shared>>
      tpu.enqueue_dma source(%arg5 : memref<80x128xf32, #tpu.memory_space<hbm>>) target(%dma_start3A_25 : memref<80x128xf32, #tpu.memory_space<vmem_shared>>) target_semaphore(%run_scoped3A : memref<!tpu.dma_semaphore, #tpu.memory_space<semaphore_mem>>)
      %dma_wait3A = arith.constant 0 : i32
      %dma_wait3A_26 = tpu.memref_slice %arg10[%add3A_10, %dma_wait3A] : memref<10240x128xf32, #tpu.memory_space<vmem_shared>> -> memref<80x128xf32, #tpu.memory_space<vmem_shared>>
      tpu.wait_dma2 semaphore(%run_scoped3A : memref<!tpu.dma_semaphore, #tpu.memory_space<semaphore_mem>>) src(%arg5 : memref<80x128xf32, #tpu.memory_space<hbm>>) dst(%dma_wait3A_26 : memref<80x128xf32, #tpu.memory_space<vmem_shared>>)
      tpu.yield
    }) : () -> ()
    %add3A_11 = arith.constant 320 : i32
    %add3A_12 = arith.addi %mul3A_2, %add3A_11 : i32
    "tpu.region"() ({
      %run_scoped3A = tpu.sem_alloc : memref<!tpu.dma_semaphore, #tpu.memory_space<semaphore_mem>>
      %dma_start3A = arith.constant 0 : i32
      %dma_start3A_25 = tpu.memref_slice %arg10[%add3A_12, %dma_start3A] : memref<10240x128xf32, #tpu.memory_space<vmem_shared>> -> memref<80x128xf32, #tpu.memory_space<vmem_shared>>
      tpu.enqueue_dma source(%arg5 : memref<80x128xf32, #tpu.memory_space<hbm>>) target(%dma_start3A_25 : memref<80x128xf32, #tpu.memory_space<vmem_shared>>) target_semaphore(%run_scoped3A : memref<!tpu.dma_semaphore, #tpu.memory_space<semaphore_mem>>)
      %dma_wait3A = arith.constant 0 : i32
      %dma_wait3A_26 = tpu.memref_slice %arg10[%add3A_12, %dma_wait3A] : memref<10240x128xf32, #tpu.memory_space<vmem_shared>> -> memref<80x128xf32, #tpu.memory_space<vmem_shared>>
      tpu.wait_dma2 semaphore(%run_scoped3A : memref<!tpu.dma_semaphore, #tpu.memory_space<semaphore_mem>>) src(%arg5 : memref<80x128xf32, #tpu.memory_space<hbm>>) dst(%dma_wait3A_26 : memref<80x128xf32, #tpu.memory_space<vmem_shared>>)
      tpu.yield
    }) : () -> ()
    %add3A_13 = arith.constant 400 : i32
    %add3A_14 = arith.addi %mul3A_2, %add3A_13 : i32
    "tpu.region"() ({
      %run_scoped3A = tpu.sem_alloc : memref<!tpu.dma_semaphore, #tpu.memory_space<semaphore_mem>>
      %dma_start3A = arith.constant 0 : i32
      %dma_start3A_25 = tpu.memref_slice %arg10[%add3A_14, %dma_start3A] : memref<10240x128xf32, #tpu.memory_space<vmem_shared>> -> memref<80x128xf32, #tpu.memory_space<vmem_shared>>
      tpu.enqueue_dma source(%arg5 : memref<80x128xf32, #tpu.memory_space<hbm>>) target(%dma_start3A_25 : memref<80x128xf32, #tpu.memory_space<vmem_shared>>) target_semaphore(%run_scoped3A : memref<!tpu.dma_semaphore, #tpu.memory_space<semaphore_mem>>)
      %dma_wait3A = arith.constant 0 : i32
      %dma_wait3A_26 = tpu.memref_slice %arg10[%add3A_14, %dma_wait3A] : memref<10240x128xf32, #tpu.memory_space<vmem_shared>> -> memref<80x128xf32, #tpu.memory_space<vmem_shared>>
      tpu.wait_dma2 semaphore(%run_scoped3A : memref<!tpu.dma_semaphore, #tpu.memory_space<semaphore_mem>>) src(%arg5 : memref<80x128xf32, #tpu.memory_space<hbm>>) dst(%dma_wait3A_26 : memref<80x128xf32, #tpu.memory_space<vmem_shared>>)
      tpu.yield
    }) : () -> ()
    %add3A_15 = arith.constant 480 : i32
    %add3A_16 = arith.addi %mul3A_2, %add3A_15 : i32
    "tpu.region"() ({
      %run_scoped3A = tpu.sem_alloc : memref<!tpu.dma_semaphore, #tpu.memory_space<semaphore_mem>>
      %dma_start3A = arith.constant 0 : i32
      %dma_start3A_25 = tpu.memref_slice %arg10[%add3A_16, %dma_start3A] : memref<10240x128xf32, #tpu.memory_space<vmem_shared>> -> memref<80x128xf32, #tpu.memory_space<vmem_shared>>
      tpu.enqueue_dma source(%arg5 : memref<80x128xf32, #tpu.memory_space<hbm>>) target(%dma_start3A_25 : memref<80x128xf32, #tpu.memory_space<vmem_shared>>) target_semaphore(%run_scoped3A : memref<!tpu.dma_semaphore, #tpu.memory_space<semaphore_mem>>)
      %dma_wait3A = arith.constant 0 : i32
      %dma_wait3A_26 = tpu.memref_slice %arg10[%add3A_16, %dma_wait3A] : memref<10240x128xf32, #tpu.memory_space<vmem_shared>> -> memref<80x128xf32, #tpu.memory_space<vmem_shared>>
      tpu.wait_dma2 semaphore(%run_scoped3A : memref<!tpu.dma_semaphore, #tpu.memory_space<semaphore_mem>>) src(%arg5 : memref<80x128xf32, #tpu.memory_space<hbm>>) dst(%dma_wait3A_26 : memref<80x128xf32, #tpu.memory_space<vmem_shared>>)
      tpu.yield
    }) : () -> ()
    %add3A_17 = arith.constant 560 : i32
    %add3A_18 = arith.addi %mul3A_2, %add3A_17 : i32
    "tpu.region"() ({
      %run_scoped3A = tpu.sem_alloc : memref<!tpu.dma_semaphore, #tpu.memory_space<semaphore_mem>>
      %dma_start3A = arith.constant 0 : i32
      %dma_start3A_25 = tpu.memref_slice %arg10[%add3A_18, %dma_start3A] : memref<10240x128xf32, #tpu.memory_space<vmem_shared>> -> memref<80x128xf32, #tpu.memory_space<vmem_shared>>
      tpu.enqueue_dma source(%arg5 : memref<80x128xf32, #tpu.memory_space<hbm>>) target(%dma_start3A_25 : memref<80x128xf32, #tpu.memory_space<vmem_shared>>) target_semaphore(%run_scoped3A : memref<!tpu.dma_semaphore, #tpu.memory_space<semaphore_mem>>)
      %dma_wait3A = arith.constant 0 : i32
      %dma_wait3A_26 = tpu.memref_slice %arg10[%add3A_18, %dma_wait3A] : memref<10240x128xf32, #tpu.memory_space<vmem_shared>> -> memref<80x128xf32, #tpu.memory_space<vmem_shared>>
      tpu.wait_dma2 semaphore(%run_scoped3A : memref<!tpu.dma_semaphore, #tpu.memory_space<semaphore_mem>>) src(%arg5 : memref<80x128xf32, #tpu.memory_space<hbm>>) dst(%dma_wait3A_26 : memref<80x128xf32, #tpu.memory_space<vmem_shared>>)
      tpu.yield
    }) : () -> ()
    %barrier3A = arith.constant 0 : index
    tpu.barrier barrier_id(%barrier3A)
    %scan3A = arith.constant 0 : i32
    %scan3A_19 = arith.constant 0 : i32
    %scan3A_20 = arith.constant 5 : i32
    %scan3A_21 = arith.addi %scan3A_19, %scan3A_20 : i32
    %scan3A_22 = arith.constant 1 : i32
    scf.for %scan3A_25 = %scan3A_19 to %scan3A_21 step %scan3A_22  : i32 {
      "tpu.region"() ({
        %run_scoped3A = tpu.sem_alloc : memref<!tpu.dma_semaphore, #tpu.memory_space<semaphore_mem>>
        %dma_start3A_78 = arith.constant 0 : i32
        %dma_start3A_79 = arith.constant 0 : i32
        %dma_start3A_80 = tpu.memref_slice %arg3[%add3A, %scan3A_25, %dma_start3A_78, %dma_start3A_79] : memref<32x5x25x80xi32, #tpu.memory_space<hbm>> -> memref<1x1x25x80xi32, #tpu.memory_space<hbm>>
        %dma_start3A_81 = tpu.memref_squeeze %dma_start3A_80 : memref<1x1x25x80xi32, #tpu.memory_space<hbm>> -> memref<25x80xi32, #tpu.memory_space<hbm>>
        %dma_start3A_82 = arith.constant 0 : i32
        %dma_start3A_83 = arith.constant 0 : i32
        %dma_start3A_84 = tpu.memref_slice %arg3[%add3A, %scan3A_25, %dma_start3A_82, %dma_start3A_83] : memref<32x5x25x80xi32, #tpu.memory_space<hbm>> -> memref<1x1x25x80xi32, #tpu.memory_space<hbm>>
        %dma_start3A_85 = tpu.memref_squeeze %dma_start3A_84 : memref<1x1x25x80xi32, #tpu.memory_space<hbm>> -> memref<25x80xi32, #tpu.memory_space<hbm>>
        tpu.enqueue_dma source(%dma_start3A_85 : memref<25x80xi32, #tpu.memory_space<hbm>>) target(%arg7 : memref<25x80xi32, #tpu.memory_space<vmem>>) target_semaphore(%run_scoped3A : memref<!tpu.dma_semaphore, #tpu.memory_space<semaphore_mem>>)
        %dma_wait3A_86 = arith.constant 0 : i32
        %dma_wait3A_87 = arith.constant 0 : i32
        %dma_wait3A_88 = tpu.memref_slice %arg3[%add3A, %scan3A_25, %dma_wait3A_86, %dma_wait3A_87] : memref<32x5x25x80xi32, #tpu.memory_space<hbm>> -> memref<1x1x25x80xi32, #tpu.memory_space<hbm>>
        %dma_wait3A_89 = tpu.memref_squeeze %dma_wait3A_88 : memref<1x1x25x80xi32, #tpu.memory_space<hbm>> -> memref<25x80xi32, #tpu.memory_space<hbm>>
        %dma_wait3A_90 = arith.constant 0 : i32
        %dma_wait3A_91 = arith.constant 0 : i32
        %dma_wait3A_92 = tpu.memref_slice %arg3[%add3A, %scan3A_25, %dma_wait3A_90, %dma_wait3A_91] : memref<32x5x25x80xi32, #tpu.memory_space<hbm>> -> memref<1x1x25x80xi32, #tpu.memory_space<hbm>>
        %dma_wait3A_93 = tpu.memref_squeeze %dma_wait3A_92 : memref<1x1x25x80xi32, #tpu.memory_space<hbm>> -> memref<25x80xi32, #tpu.memory_space<hbm>>
        tpu.wait_dma2 semaphore(%run_scoped3A : memref<!tpu.dma_semaphore, #tpu.memory_space<semaphore_mem>>) src(%dma_wait3A_93 : memref<25x80xi32, #tpu.memory_space<hbm>>) dst(%arg7 : memref<25x80xi32, #tpu.memory_space<vmem>>)
        tpu.yield
      }) : () -> ()
      "tpu.region"() ({
        %run_scoped3A = tpu.sem_alloc : memref<!tpu.dma_semaphore, #tpu.memory_space<semaphore_mem>>
        %dma_start3A_78 = arith.constant 0 : i32
        %dma_start3A_79 = arith.constant 0 : i32
        %dma_start3A_80 = tpu.memref_slice %arg4[%add3A, %scan3A_25, %dma_start3A_78, %dma_start3A_79] : memref<32x5x25x80xi32, #tpu.memory_space<hbm>> -> memref<1x1x25x80xi32, #tpu.memory_space<hbm>>
        %dma_start3A_81 = tpu.memref_squeeze %dma_start3A_80 : memref<1x1x25x80xi32, #tpu.memory_space<hbm>> -> memref<25x80xi32, #tpu.memory_space<hbm>>
        %dma_start3A_82 = arith.constant 0 : i32
        %dma_start3A_83 = arith.constant 0 : i32
        %dma_start3A_84 = tpu.memref_slice %arg4[%add3A, %scan3A_25, %dma_start3A_82, %dma_start3A_83] : memref<32x5x25x80xi32, #tpu.memory_space<hbm>> -> memref<1x1x25x80xi32, #tpu.memory_space<hbm>>
        %dma_start3A_85 = tpu.memref_squeeze %dma_start3A_84 : memref<1x1x25x80xi32, #tpu.memory_space<hbm>> -> memref<25x80xi32, #tpu.memory_space<hbm>>
        tpu.enqueue_dma source(%dma_start3A_85 : memref<25x80xi32, #tpu.memory_space<hbm>>) target(%arg8 : memref<25x80xi32, #tpu.memory_space<vmem>>) target_semaphore(%run_scoped3A : memref<!tpu.dma_semaphore, #tpu.memory_space<semaphore_mem>>)
        %dma_wait3A_86 = arith.constant 0 : i32
        %dma_wait3A_87 = arith.constant 0 : i32
        %dma_wait3A_88 = tpu.memref_slice %arg4[%add3A, %scan3A_25, %dma_wait3A_86, %dma_wait3A_87] : memref<32x5x25x80xi32, #tpu.memory_space<hbm>> -> memref<1x1x25x80xi32, #tpu.memory_space<hbm>>
        %dma_wait3A_89 = tpu.memref_squeeze %dma_wait3A_88 : memref<1x1x25x80xi32, #tpu.memory_space<hbm>> -> memref<25x80xi32, #tpu.memory_space<hbm>>
        %dma_wait3A_90 = arith.constant 0 : i32
        %dma_wait3A_91 = arith.constant 0 : i32
        %dma_wait3A_92 = tpu.memref_slice %arg4[%add3A, %scan3A_25, %dma_wait3A_90, %dma_wait3A_91] : memref<32x5x25x80xi32, #tpu.memory_space<hbm>> -> memref<1x1x25x80xi32, #tpu.memory_space<hbm>>
        %dma_wait3A_93 = tpu.memref_squeeze %dma_wait3A_92 : memref<1x1x25x80xi32, #tpu.memory_space<hbm>> -> memref<25x80xi32, #tpu.memory_space<hbm>>
        tpu.wait_dma2 semaphore(%run_scoped3A : memref<!tpu.dma_semaphore, #tpu.memory_space<semaphore_mem>>) src(%dma_wait3A_93 : memref<25x80xi32, #tpu.memory_space<hbm>>) dst(%arg8 : memref<25x80xi32, #tpu.memory_space<vmem>>)
        tpu.yield
      }) : () -> ()
      %dma_start3A = arith.constant 0 : i32
      %dma_start3A_26 = arith.constant 0 : i32
      %dma_start3A_27 = arith.constant 0 : i32
      %dma_start3A_28 = arith.constant 0 : i32
      %dma_start3A_29 = tpu.memref_slice %arg9[%dma_start3A_26, %dma_start3A_27, %dma_start3A_28] : memref<4x80x128xf32, #tpu.memory_space<vmem>> -> memref<1x80x128xf32, #tpu.memory_space<vmem>>
      %dma_start3A_30 = tpu.memref_squeeze %dma_start3A_29 : memref<1x80x128xf32, #tpu.memory_space<vmem>> -> memref<80x128xf32, #tpu.memory_space<vmem>>
      %dma_start3A_31 = arith.constant 0 : i32
      %dma_start3A_32 = tpu.memref_slice %arg7[%dma_start3A, %dma_start3A_31] : memref<25x80xi32, #tpu.memory_space<vmem>> -> memref<1x80xi32, #tpu.memory_space<vmem>>
      %dma_start3A_33 = tpu.memref_squeeze %dma_start3A_32 : memref<1x80xi32, #tpu.memory_space<vmem>> -> memref<80xi32, #tpu.memory_space<vmem>>
      %dma_start3A_34 = arith.constant 0 : i32
      %dma_start3A_35 = arith.constant 0 : i32
      %dma_start3A_36 = tpu.memref_slice %arg2[%dma_start3A_34, %dma_start3A_35] : memref<10240x128xf32, #tpu.memory_space<hbm>> -> memref<10240x128xf32, #tpu.memory_space<hbm>>
      tpu.enqueue_indirect_dma source(%dma_start3A_36 : memref<10240x128xf32, #tpu.memory_space<hbm>>) target(%dma_start3A_30 : memref<80x128xf32, #tpu.memory_space<vmem>>) offsets(%dma_start3A_33 : memref<80xi32, #tpu.memory_space<vmem>>) semaphore(%arg11 : memref<!tpu.dma_semaphore, #tpu.memory_space<semaphore_mem>>)
      %dma_start3A_37 = arith.constant 1 : i32
      %dma_start3A_38 = arith.constant 1 : i32
      %dma_start3A_39 = arith.constant 0 : i32
      %dma_start3A_40 = arith.constant 0 : i32
      %dma_start3A_41 = tpu.memref_slice %arg9[%dma_start3A_38, %dma_start3A_39, %dma_start3A_40] : memref<4x80x128xf32, #tpu.memory_space<vmem>> -> memref<1x80x128xf32, #tpu.memory_space<vmem>>
      %dma_start3A_42 = tpu.memref_squeeze %dma_start3A_41 : memref<1x80x128xf32, #tpu.memory_space<vmem>> -> memref<80x128xf32, #tpu.memory_space<vmem>>
      %dma_start3A_43 = arith.constant 0 : i32
      %dma_start3A_44 = tpu.memref_slice %arg7[%dma_start3A_37, %dma_start3A_43] : memref<25x80xi32, #tpu.memory_space<vmem>> -> memref<1x80xi32, #tpu.memory_space<vmem>>
      %dma_start3A_45 = tpu.memref_squeeze %dma_start3A_44 : memref<1x80xi32, #tpu.memory_space<vmem>> -> memref<80xi32, #tpu.memory_space<vmem>>
      %dma_start3A_46 = arith.constant 0 : i32
      %dma_start3A_47 = arith.constant 0 : i32
      %dma_start3A_48 = tpu.memref_slice %arg2[%dma_start3A_46, %dma_start3A_47] : memref<10240x128xf32, #tpu.memory_space<hbm>> -> memref<10240x128xf32, #tpu.memory_space<hbm>>
      tpu.enqueue_indirect_dma source(%dma_start3A_48 : memref<10240x128xf32, #tpu.memory_space<hbm>>) target(%dma_start3A_42 : memref<80x128xf32, #tpu.memory_space<vmem>>) offsets(%dma_start3A_45 : memref<80xi32, #tpu.memory_space<vmem>>) semaphore(%arg11 : memref<!tpu.dma_semaphore, #tpu.memory_space<semaphore_mem>>)
      %dma_start3A_49 = arith.constant 2 : i32
      %dma_start3A_50 = arith.constant 2 : i32
      %dma_start3A_51 = arith.constant 0 : i32
      %dma_start3A_52 = arith.constant 0 : i32
      %dma_start3A_53 = tpu.memref_slice %arg9[%dma_start3A_50, %dma_start3A_51, %dma_start3A_52] : memref<4x80x128xf32, #tpu.memory_space<vmem>> -> memref<1x80x128xf32, #tpu.memory_space<vmem>>
      %dma_start3A_54 = tpu.memref_squeeze %dma_start3A_53 : memref<1x80x128xf32, #tpu.memory_space<vmem>> -> memref<80x128xf32, #tpu.memory_space<vmem>>
      %dma_start3A_55 = arith.constant 0 : i32
      %dma_start3A_56 = tpu.memref_slice %arg7[%dma_start3A_49, %dma_start3A_55] : memref<25x80xi32, #tpu.memory_space<vmem>> -> memref<1x80xi32, #tpu.memory_space<vmem>>
      %dma_start3A_57 = tpu.memref_squeeze %dma_start3A_56 : memref<1x80xi32, #tpu.memory_space<vmem>> -> memref<80xi32, #tpu.memory_space<vmem>>
      %dma_start3A_58 = arith.constant 0 : i32
      %dma_start3A_59 = arith.constant 0 : i32
      %dma_start3A_60 = tpu.memref_slice %arg2[%dma_start3A_58, %dma_start3A_59] : memref<10240x128xf32, #tpu.memory_space<hbm>> -> memref<10240x128xf32, #tpu.memory_space<hbm>>
      tpu.enqueue_indirect_dma source(%dma_start3A_60 : memref<10240x128xf32, #tpu.memory_space<hbm>>) target(%dma_start3A_54 : memref<80x128xf32, #tpu.memory_space<vmem>>) offsets(%dma_start3A_57 : memref<80xi32, #tpu.memory_space<vmem>>) semaphore(%arg11 : memref<!tpu.dma_semaphore, #tpu.memory_space<semaphore_mem>>)
      %scan3A_61 = arith.constant 0 : i32
      %scan3A_62 = arith.constant 0 : i32
      %scan3A_63 = arith.constant 25 : i32
      %scan3A_64 = arith.addi %scan3A_62, %scan3A_63 : i32
      %scan3A_65 = arith.constant 1 : i32
      scf.for %scan3A_78 = %scan3A_62 to %scan3A_64 step %scan3A_65  : i32 {
        %rem3A = arith.constant 4 : i32
        %rem3A_79 = arith.remsi %scan3A_78, %rem3A : i32
        %dma_wait3A_80 = arith.constant 0 : i32
        %dma_wait3A_81 = arith.constant 0 : i32
        %dma_wait3A_82 = tpu.memref_slice %arg9[%rem3A_79, %dma_wait3A_80, %dma_wait3A_81] : memref<4x80x128xf32, #tpu.memory_space<vmem>> -> memref<1x80x128xf32, #tpu.memory_space<vmem>>
        %dma_wait3A_83 = tpu.memref_squeeze %dma_wait3A_82 : memref<1x80x128xf32, #tpu.memory_space<vmem>> -> memref<80x128xf32, #tpu.memory_space<vmem>>
        %dma_wait3A_84 = arith.constant 0 : i32
        %dma_wait3A_85 = tpu.memref_slice %arg7[%scan3A_78, %dma_wait3A_84] : memref<25x80xi32, #tpu.memory_space<vmem>> -> memref<1x80xi32, #tpu.memory_space<vmem>>
        %dma_wait3A_86 = tpu.memref_squeeze %dma_wait3A_85 : memref<1x80xi32, #tpu.memory_space<vmem>> -> memref<80xi32, #tpu.memory_space<vmem>>
        %dma_wait3A_87 = arith.constant 0 : i32
        %dma_wait3A_88 = arith.constant 0 : i32
        %dma_wait3A_89 = tpu.memref_slice %arg2[%dma_wait3A_87, %dma_wait3A_88] : memref<10240x128xf32, #tpu.memory_space<hbm>> -> memref<10240x128xf32, #tpu.memory_space<hbm>>
        tpu.wait_indirect_dma semaphore(%arg11 : memref<!tpu.dma_semaphore, #tpu.memory_space<semaphore_mem>>) src(%dma_wait3A_89 : memref<10240x128xf32, #tpu.memory_space<hbm>>) dst(%dma_wait3A_83 : memref<80x128xf32, #tpu.memory_space<vmem>>)
        %dma_start3A_90 = arith.constant 0 : i32
        %dma_start3A_91 = arith.constant 0 : i32
        %dma_start3A_92 = tpu.memref_slice %arg9[%rem3A_79, %dma_start3A_90, %dma_start3A_91] : memref<4x80x128xf32, #tpu.memory_space<vmem>> -> memref<1x80x128xf32, #tpu.memory_space<vmem>>
        %dma_start3A_93 = tpu.memref_squeeze %dma_start3A_92 : memref<1x80x128xf32, #tpu.memory_space<vmem>> -> memref<80x128xf32, #tpu.memory_space<vmem>>
        %dma_start3A_94 = arith.constant 0 : i32
        %dma_start3A_95 = tpu.memref_slice %arg8[%scan3A_78, %dma_start3A_94] : memref<25x80xi32, #tpu.memory_space<vmem>> -> memref<1x80xi32, #tpu.memory_space<vmem>>
        %dma_start3A_96 = tpu.memref_squeeze %dma_start3A_95 : memref<1x80xi32, #tpu.memory_space<vmem>> -> memref<80xi32, #tpu.memory_space<vmem>>
        %dma_start3A_97 = arith.constant 0 : i32
        %dma_start3A_98 = arith.constant 0 : i32
        %dma_start3A_99 = tpu.memref_slice %arg10[%dma_start3A_97, %dma_start3A_98] : memref<10240x128xf32, #tpu.memory_space<vmem_shared>> -> memref<10240x128xf32, #tpu.memory_space<vmem_shared>>
        tpu.enqueue_indirect_dma source(%dma_start3A_93 : memref<80x128xf32, #tpu.memory_space<vmem>>) target(%dma_start3A_99 : memref<10240x128xf32, #tpu.memory_space<vmem_shared>>) offsets(%dma_start3A_96 : memref<80xi32, #tpu.memory_space<vmem>>) semaphore(%arg12 : memref<!tpu.dma_semaphore, #tpu.memory_space<semaphore_mem>>) {add = true}
        %gt3A = arith.constant 0 : i32
        %gt3A_100 = arith.cmpi sgt, %scan3A_78, %gt3A : i32
        %convert_element_type3A = arith.extui %gt3A_100 : i1 to i32
        %cond3A = arith.constant 0 : i32
        %cond3A_101 = arith.cmpi ne, %convert_element_type3A, %cond3A : i32
        scf.if %cond3A_101 {
          %add3A_109 = arith.constant 4 : i32
          %add3A_110 = arith.addi %scan3A_78, %add3A_109 : i32
          %sub3A_111 = arith.constant 1 : i32
          %sub3A_112 = arith.subi %add3A_110, %sub3A_111 : i32
          %rem3A_113 = arith.constant 4 : i32
          %rem3A_114 = arith.remsi %sub3A_112, %rem3A_113 : i32
          %sub3A_115 = arith.constant 1 : i32
          %sub3A_116 = arith.subi %scan3A_78, %sub3A_115 : i32
          %dma_wait3A_117 = arith.constant 0 : i32
          %dma_wait3A_118 = arith.constant 0 : i32
          %dma_wait3A_119 = tpu.memref_slice %arg9[%rem3A_114, %dma_wait3A_117, %dma_wait3A_118] : memref<4x80x128xf32, #tpu.memory_space<vmem>> -> memref<1x80x128xf32, #tpu.memory_space<vmem>>
          %dma_wait3A_120 = tpu.memref_squeeze %dma_wait3A_119 : memref<1x80x128xf32, #tpu.memory_space<vmem>> -> memref<80x128xf32, #tpu.memory_space<vmem>>
          %dma_wait3A_121 = arith.constant 0 : i32
          %dma_wait3A_122 = tpu.memref_slice %arg8[%sub3A_116, %dma_wait3A_121] : memref<25x80xi32, #tpu.memory_space<vmem>> -> memref<1x80xi32, #tpu.memory_space<vmem>>
          %dma_wait3A_123 = tpu.memref_squeeze %dma_wait3A_122 : memref<1x80xi32, #tpu.memory_space<vmem>> -> memref<80xi32, #tpu.memory_space<vmem>>
          %dma_wait3A_124 = arith.constant 0 : i32
          %dma_wait3A_125 = arith.constant 0 : i32
          %dma_wait3A_126 = tpu.memref_slice %arg10[%dma_wait3A_124, %dma_wait3A_125] : memref<10240x128xf32, #tpu.memory_space<vmem_shared>> -> memref<10240x128xf32, #tpu.memory_space<vmem_shared>>
          tpu.wait_indirect_dma semaphore(%arg12 : memref<!tpu.dma_semaphore, #tpu.memory_space<semaphore_mem>>) src(%dma_wait3A_120 : memref<80x128xf32, #tpu.memory_space<vmem>>) dst(%dma_wait3A_126 : memref<10240x128xf32, #tpu.memory_space<vmem_shared>>)
        } else {
        }
        %add3A_102 = arith.constant 4 : i32
        %add3A_103 = arith.addi %scan3A_78, %add3A_102 : i32
        %sub3A = arith.constant 1 : i32
        %sub3A_104 = arith.subi %add3A_103, %sub3A : i32
        %lt3A = arith.constant 25 : i32
        %lt3A_105 = arith.cmpi slt, %sub3A_104, %lt3A : i32
        %convert_element_type3A_106 = arith.extui %lt3A_105 : i1 to i32
        %cond3A_107 = arith.constant 0 : i32
        %cond3A_108 = arith.cmpi ne, %convert_element_type3A_106, %cond3A_107 : i32
        scf.if %cond3A_108 {
          %add3A_109 = arith.constant 4 : i32
          %add3A_110 = arith.addi %scan3A_78, %add3A_109 : i32
          %sub3A_111 = arith.constant 1 : i32
          %sub3A_112 = arith.subi %add3A_110, %sub3A_111 : i32
          %rem3A_113 = arith.constant 4 : i32
          %rem3A_114 = arith.remsi %sub3A_112, %rem3A_113 : i32
          %add3A_115 = arith.constant 4 : i32
          %add3A_116 = arith.addi %scan3A_78, %add3A_115 : i32
          %sub3A_117 = arith.constant 1 : i32
          %sub3A_118 = arith.subi %add3A_116, %sub3A_117 : i32
          %dma_start3A_119 = arith.constant 0 : i32
          %dma_start3A_120 = arith.constant 0 : i32
          %dma_start3A_121 = tpu.memref_slice %arg9[%rem3A_114, %dma_start3A_119, %dma_start3A_120] : memref<4x80x128xf32, #tpu.memory_space<vmem>> -> memref<1x80x128xf32, #tpu.memory_space<vmem>>
          %dma_start3A_122 = tpu.memref_squeeze %dma_start3A_121 : memref<1x80x128xf32, #tpu.memory_space<vmem>> -> memref<80x128xf32, #tpu.memory_space<vmem>>
          %dma_start3A_123 = arith.constant 0 : i32
          %dma_start3A_124 = tpu.memref_slice %arg7[%sub3A_118, %dma_start3A_123] : memref<25x80xi32, #tpu.memory_space<vmem>> -> memref<1x80xi32, #tpu.memory_space<vmem>>
          %dma_start3A_125 = tpu.memref_squeeze %dma_start3A_124 : memref<1x80xi32, #tpu.memory_space<vmem>> -> memref<80xi32, #tpu.memory_space<vmem>>
          %dma_start3A_126 = arith.constant 0 : i32
          %dma_start3A_127 = arith.constant 0 : i32
          %dma_start3A_128 = tpu.memref_slice %arg2[%dma_start3A_126, %dma_start3A_127] : memref<10240x128xf32, #tpu.memory_space<hbm>> -> memref<10240x128xf32, #tpu.memory_space<hbm>>
          tpu.enqueue_indirect_dma source(%dma_start3A_128 : memref<10240x128xf32, #tpu.memory_space<hbm>>) target(%dma_start3A_122 : memref<80x128xf32, #tpu.memory_space<vmem>>) offsets(%dma_start3A_125 : memref<80xi32, #tpu.memory_space<vmem>>) semaphore(%arg11 : memref<!tpu.dma_semaphore, #tpu.memory_space<semaphore_mem>>)
        } else {
        }
      }
      %scan3A_66 = arith.constant 25 : i32
      %dma_wait3A = arith.constant 0 : i32
      %dma_wait3A_67 = arith.constant 24 : i32
      %dma_wait3A_68 = arith.constant 0 : i32
      %dma_wait3A_69 = arith.constant 0 : i32
      %dma_wait3A_70 = tpu.memref_slice %arg9[%dma_wait3A, %dma_wait3A_68, %dma_wait3A_69] : memref<4x80x128xf32, #tpu.memory_space<vmem>> -> memref<1x80x128xf32, #tpu.memory_space<vmem>>
      %dma_wait3A_71 = tpu.memref_squeeze %dma_wait3A_70 : memref<1x80x128xf32, #tpu.memory_space<vmem>> -> memref<80x128xf32, #tpu.memory_space<vmem>>
      %dma_wait3A_72 = arith.constant 0 : i32
      %dma_wait3A_73 = tpu.memref_slice %arg8[%dma_wait3A_67, %dma_wait3A_72] : memref<25x80xi32, #tpu.memory_space<vmem>> -> memref<1x80xi32, #tpu.memory_space<vmem>>
      %dma_wait3A_74 = tpu.memref_squeeze %dma_wait3A_73 : memref<1x80xi32, #tpu.memory_space<vmem>> -> memref<80xi32, #tpu.memory_space<vmem>>
      %dma_wait3A_75 = arith.constant 0 : i32
      %dma_wait3A_76 = arith.constant 0 : i32
      %dma_wait3A_77 = tpu.memref_slice %arg10[%dma_wait3A_75, %dma_wait3A_76] : memref<10240x128xf32, #tpu.memory_space<vmem_shared>> -> memref<10240x128xf32, #tpu.memory_space<vmem_shared>>
      tpu.wait_indirect_dma semaphore(%arg12 : memref<!tpu.dma_semaphore, #tpu.memory_space<semaphore_mem>>) src(%dma_wait3A_71 : memref<80x128xf32, #tpu.memory_space<vmem>>) dst(%dma_wait3A_77 : memref<10240x128xf32, #tpu.memory_space<vmem_shared>>)
    }
    %scan3A_23 = arith.constant 5 : i32
    %barrier3A_24 = arith.constant 0 : index
    tpu.barrier barrier_id(%barrier3A_24)
    "tpu.region"() ({
      %run_scoped3A = tpu.sem_alloc : memref<!tpu.dma_semaphore, #tpu.memory_space<semaphore_mem>>
      %dma_start3A = arith.constant 0 : i32
      %dma_start3A_25 = tpu.memref_slice %arg6[%arg0, %mul3A_2, %dma_start3A] : memref<2x10240x128xf32, #tpu.memory_space<hbm>> -> memref<1x640x128xf32, #tpu.memory_space<hbm>>
      %dma_start3A_26 = tpu.memref_squeeze %dma_start3A_25 : memref<1x640x128xf32, #tpu.memory_space<hbm>> -> memref<640x128xf32, #tpu.memory_space<hbm>>
      %dma_start3A_27 = arith.constant 0 : i32
      %dma_start3A_28 = tpu.memref_slice %arg10[%mul3A_2, %dma_start3A_27] : memref<10240x128xf32, #tpu.memory_space<vmem_shared>> -> memref<640x128xf32, #tpu.memory_space<vmem_shared>>
      tpu.enqueue_dma source(%dma_start3A_28 : memref<640x128xf32, #tpu.memory_space<vmem_shared>>) target(%dma_start3A_26 : memref<640x128xf32, #tpu.memory_space<hbm>>) target_semaphore(%run_scoped3A : memref<!tpu.dma_semaphore, #tpu.memory_space<semaphore_mem>>)
      %dma_wait3A = arith.constant 0 : i32
      %dma_wait3A_29 = tpu.memref_slice %arg6[%arg0, %mul3A_2, %dma_wait3A] : memref<2x10240x128xf32, #tpu.memory_space<hbm>> -> memref<1x640x128xf32, #tpu.memory_space<hbm>>
      %dma_wait3A_30 = tpu.memref_squeeze %dma_wait3A_29 : memref<1x640x128xf32, #tpu.memory_space<hbm>> -> memref<640x128xf32, #tpu.memory_space<hbm>>
      %dma_wait3A_31 = arith.constant 0 : i32
      %dma_wait3A_32 = tpu.memref_slice %arg10[%mul3A_2, %dma_wait3A_31] : memref<10240x128xf32, #tpu.memory_space<vmem_shared>> -> memref<640x128xf32, #tpu.memory_space<vmem_shared>>
      tpu.wait_dma2 semaphore(%run_scoped3A : memref<!tpu.dma_semaphore, #tpu.memory_space<semaphore_mem>>) src(%dma_wait3A_32 : memref<640x128xf32, #tpu.memory_space<vmem_shared>>) dst(%dma_wait3A_30 : memref<640x128xf32, #tpu.memory_space<hbm>>)
      tpu.yield
    }) : () -> ()
    return
  }
}

module attributes {stable_mosaic.version = 14 : i64} {
  func.func @kern(%arg0: i32, %arg1: memref<2x2048x128xf32, #tpu.memory_space<vmem>>, %arg2: memref<2x2048x1xf32, #tpu.memory_space<vmem>>, %arg3: memref<2048x128xf32, #tpu.memory_space<vmem>>, %arg4: memref<128x128xf32, #tpu.memory_space<vmem>>, %arg5: memref<128x128xf32, #tpu.memory_space<vmem>>, %arg6: memref<1x128xf32, #tpu.memory_space<vmem>>, %arg7: memref<1x128xf32, #tpu.memory_space<vmem>>, %arg8: memref<1x128xf32, #tpu.memory_space<vmem>>, %arg9: memref<2048x128xf32, #tpu.memory_space<vmem>>) attributes {dimension_semantics = [#tpu.dimension_semantics<arbitrary>], iteration_bounds = array<i64: 5>, scalar_prefetch = 0 : i64, scratch_operands = 0 : i64, tpu.core_type = #tpu.core_type<tc>, window_params = [{transform_indices = @transform_0, window_bounds = array<i64: 2, 2048, 128>}, {transform_indices = @transform_1, window_bounds = array<i64: 2, 2048, 1>}, {transform_indices = @transform_2, window_bounds = array<i64: 2048, 128>}, {pipeline_mode = #tpu.pipeline_mode<synchronous>, transform_indices = @transform_3, window_bounds = array<i64: 128, 128>}, {pipeline_mode = #tpu.pipeline_mode<synchronous>, transform_indices = @transform_4, window_bounds = array<i64: 128, 128>}, {pipeline_mode = #tpu.pipeline_mode<synchronous>, transform_indices = @transform_5, window_bounds = array<i64: 1, 128>}, {pipeline_mode = #tpu.pipeline_mode<synchronous>, transform_indices = @transform_6, window_bounds = array<i64: 1, 128>}, {pipeline_mode = #tpu.pipeline_mode<synchronous>, transform_indices = @transform_7, window_bounds = array<i64: 1, 128>}, {transform_indices = @transform_8, window_bounds = array<i64: 2048, 128>}]} {
    %get3A = arith.constant 0 : index
    %get3A_0 = arith.constant 0 : index
    %get3A_1 = arith.constant 0 : index
    %get3A_2 = vector.load %arg1[%get3A, %get3A_0, %get3A_1] : memref<2x2048x128xf32, #tpu.memory_space<vmem>>, vector<1x2048x128xf32>
    %get3A_3 = vector.shape_cast %get3A_2 : vector<1x2048x128xf32> to vector<2048x128xf32>
    %get3A_4 = arith.constant 1 : index
    %get3A_5 = arith.constant 0 : index
    %get3A_6 = arith.constant 0 : index
    %get3A_7 = vector.load %arg1[%get3A_4, %get3A_5, %get3A_6] : memref<2x2048x128xf32, #tpu.memory_space<vmem>>, vector<1x2048x128xf32>
    %get3A_8 = vector.shape_cast %get3A_7 : vector<1x2048x128xf32> to vector<2048x128xf32>
    %add3A = arith.addf %get3A_3, %get3A_8 : vector<2048x128xf32>
    %get3A_9 = arith.constant 0 : index
    %get3A_10 = arith.constant 0 : index
    %get3A_11 = arith.constant 0 : index
    %get3A_12 = vector.load %arg2[%get3A_9, %get3A_10, %get3A_11] : memref<2x2048x1xf32, #tpu.memory_space<vmem>>, vector<1x2048x1xf32>
    %get3A_13 = vector.shape_cast %get3A_12 : vector<1x2048x1xf32> to vector<2048x1xf32>
    %get3A_14 = arith.constant 1 : index
    %get3A_15 = arith.constant 0 : index
    %get3A_16 = arith.constant 0 : index
    %get3A_17 = vector.load %arg2[%get3A_14, %get3A_15, %get3A_16] : memref<2x2048x1xf32, #tpu.memory_space<vmem>>, vector<1x2048x1xf32>
    %get3A_18 = vector.shape_cast %get3A_17 : vector<1x2048x1xf32> to vector<2048x1xf32>
    %add3A_19 = arith.addf %get3A_13, %get3A_18 : vector<2048x1xf32>
    %max3A = arith.constant 1.000000e+00 : f32
    %max3A_20 = vector.broadcast %max3A : f32 to vector<2048x1xf32>
    %max3A_21 = arith.maximumf %add3A_19, %max3A_20 : vector<2048x1xf32>
    %div3A = arith.constant 1.000000e+00 : f32
    %div3A_22 = vector.broadcast %div3A : f32 to vector<2048x1xf32>
    %div3A_23 = arith.divf %div3A_22, %max3A_21 : vector<2048x1xf32>
    %mul3A = vector.broadcast %div3A_23 : vector<2048x1xf32> to vector<2048x128xf32>
    %mul3A_24 = arith.mulf %add3A, %mul3A : vector<2048x128xf32>
    %get3A_25 = arith.constant 0 : index
    %get3A_26 = arith.constant 0 : index
    %get3A_27 = vector.load %arg4[%get3A_25, %get3A_26] : memref<128x128xf32, #tpu.memory_space<vmem>>, vector<128x128xf32>
    %dot_general3A = arith.constant dense<0.000000e+00> : vector<2048x128xf32>
    %dot_general3A_28 = tpu.matmul %mul3A_24, %get3A_27, %dot_general3A {dimension_numbers = #tpu.dot_dimension_numbers<[1], [1], [0], [0], [0, 0, 1, 0], [], []>, transpose_lhs_hint = false} : vector<2048x128xf32>, vector<128x128xf32>, vector<2048x128xf32> -> vector<2048x128xf32>
    %get3A_29 = arith.constant 0 : index
    %get3A_30 = arith.constant 0 : index
    %get3A_31 = vector.load %arg3[%get3A_29, %get3A_30] : memref<2048x128xf32, #tpu.memory_space<vmem>>, vector<2048x128xf32>
    %get3A_32 = arith.constant 0 : index
    %get3A_33 = arith.constant 0 : index
    %get3A_34 = vector.load %arg5[%get3A_32, %get3A_33] : memref<128x128xf32, #tpu.memory_space<vmem>>, vector<128x128xf32>
    %dot_general3A_35 = arith.constant dense<0.000000e+00> : vector<2048x128xf32>
    %dot_general3A_36 = tpu.matmul %get3A_31, %get3A_34, %dot_general3A_35 {dimension_numbers = #tpu.dot_dimension_numbers<[1], [1], [0], [0], [0, 0, 1, 0], [], []>, transpose_lhs_hint = false} : vector<2048x128xf32>, vector<128x128xf32>, vector<2048x128xf32> -> vector<2048x128xf32>
    %add3A_37 = arith.addf %dot_general3A_28, %dot_general3A_36 : vector<2048x128xf32>
    %get3A_38 = arith.constant 0 : index
    %get3A_39 = arith.constant 0 : index
    %get3A_40 = vector.load %arg6[%get3A_38, %get3A_39] : memref<1x128xf32, #tpu.memory_space<vmem>>, vector<1x128xf32>
    %add3A_41 = vector.broadcast %get3A_40 : vector<1x128xf32> to vector<2048x128xf32>
    %add3A_42 = arith.addf %add3A_37, %add3A_41 : vector<2048x128xf32>
    %max3A_43 = arith.constant 0.000000e+00 : f32
    %max3A_44 = vector.broadcast %max3A_43 : f32 to vector<2048x128xf32>
    %max3A_45 = arith.maximumf %add3A_42, %max3A_44 : vector<2048x128xf32>
    %reduce_sum3A = arith.constant dense<0.000000e+00> : vector<2048xf32>
    %reduce_sum3A_46 = vector.multi_reduction <add>, %max3A_45, %reduce_sum3A [1] : vector<2048x128xf32> to vector<2048xf32>
    %broadcast_in_dim3A = vector.shape_cast %reduce_sum3A_46 : vector<2048xf32> to vector<2048x1xf32>
    %div3A_47 = arith.constant 1.280000e+02 : f32
    %div3A_48 = vector.broadcast %div3A_47 : f32 to vector<2048x1xf32>
    %div3A_49 = arith.divf %broadcast_in_dim3A, %div3A_48 : vector<2048x1xf32>
    %sub3A = vector.broadcast %div3A_49 : vector<2048x1xf32> to vector<2048x128xf32>
    %sub3A_50 = arith.subf %max3A_45, %sub3A : vector<2048x128xf32>
    %integer_pow3A = arith.mulf %sub3A_50, %sub3A_50 : vector<2048x128xf32>
    %reduce_sum3A_51 = arith.constant dense<0.000000e+00> : vector<2048xf32>
    %reduce_sum3A_52 = vector.multi_reduction <add>, %integer_pow3A, %reduce_sum3A_51 [1] : vector<2048x128xf32> to vector<2048xf32>
    %broadcast_in_dim3A_53 = vector.shape_cast %reduce_sum3A_52 : vector<2048xf32> to vector<2048x1xf32>
    %div3A_54 = arith.constant 1.280000e+02 : f32
    %div3A_55 = vector.broadcast %div3A_54 : f32 to vector<2048x1xf32>
    %div3A_56 = arith.divf %broadcast_in_dim3A_53, %div3A_55 : vector<2048x1xf32>
    %sub3A_57 = vector.broadcast %div3A_49 : vector<2048x1xf32> to vector<2048x128xf32>
    %sub3A_58 = arith.subf %max3A_45, %sub3A_57 : vector<2048x128xf32>
    %add3A_59 = arith.constant 9.99999974E-6 : f32
    %add3A_60 = vector.broadcast %add3A_59 : f32 to vector<2048x1xf32>
    %add3A_61 = arith.addf %div3A_56, %add3A_60 : vector<2048x1xf32>
    %rsqrt3A = math.rsqrt %add3A_61 : vector<2048x1xf32>
    %mul3A_62 = vector.broadcast %rsqrt3A : vector<2048x1xf32> to vector<2048x128xf32>
    %mul3A_63 = arith.mulf %sub3A_58, %mul3A_62 : vector<2048x128xf32>
    %get3A_64 = arith.constant 0 : index
    %get3A_65 = arith.constant 0 : index
    %get3A_66 = vector.load %arg7[%get3A_64, %get3A_65] : memref<1x128xf32, #tpu.memory_space<vmem>>, vector<1x128xf32>
    %mul3A_67 = vector.broadcast %get3A_66 : vector<1x128xf32> to vector<2048x128xf32>
    %mul3A_68 = arith.mulf %mul3A_63, %mul3A_67 : vector<2048x128xf32>
    %get3A_69 = arith.constant 0 : index
    %get3A_70 = arith.constant 0 : index
    %get3A_71 = vector.load %arg8[%get3A_69, %get3A_70] : memref<1x128xf32, #tpu.memory_space<vmem>>, vector<1x128xf32>
    %add3A_72 = vector.broadcast %get3A_71 : vector<1x128xf32> to vector<2048x128xf32>
    %add3A_73 = arith.addf %mul3A_68, %add3A_72 : vector<2048x128xf32>
    %swap3A = arith.constant 0 : index
    %swap3A_74 = arith.constant 0 : index
    %swap3A_75 = vector.load %arg9[%swap3A, %swap3A_74] : memref<2048x128xf32, #tpu.memory_space<vmem>>, vector<2048x128xf32>
    tpu.vector_store %arg9[%swap3A, %swap3A_74], %add3A_73 {strides = array<i32>} : memref<2048x128xf32, #tpu.memory_space<vmem>>, vector<2048x128xf32>,
    return
  }
  func.func @transform_0(%arg0: i32) -> (i32, i32, i32) {
    %c0_i32 = arith.constant 0 : i32
    %c0_i32_0 = arith.constant 0 : i32
    %c0_i32_1 = arith.constant 0 : i32
    return %c0_i32, %arg0, %c0_i32_0 : i32, i32, i32
  }
  func.func @transform_1(%arg0: i32) -> (i32, i32, i32) {
    %c0_i32 = arith.constant 0 : i32
    %c0_i32_0 = arith.constant 0 : i32
    %c0_i32_1 = arith.constant 0 : i32
    return %c0_i32, %arg0, %c0_i32_0 : i32, i32, i32
  }
  func.func @transform_2(%arg0: i32) -> (i32, i32) {
    %c0_i32 = arith.constant 0 : i32
    %c0_i32_0 = arith.constant 0 : i32
    return %arg0, %c0_i32 : i32, i32
  }
  func.func @transform_3(%arg0: i32) -> (i32, i32) {
    %c0_i32 = arith.constant 0 : i32
    %c0_i32_0 = arith.constant 0 : i32
    %c0_i32_1 = arith.constant 0 : i32
    return %c0_i32, %c0_i32_0 : i32, i32
  }
  func.func @transform_4(%arg0: i32) -> (i32, i32) {
    %c0_i32 = arith.constant 0 : i32
    %c0_i32_0 = arith.constant 0 : i32
    %c0_i32_1 = arith.constant 0 : i32
    return %c0_i32, %c0_i32_0 : i32, i32
  }
  func.func @transform_5(%arg0: i32) -> (i32, i32) {
    %c0_i32 = arith.constant 0 : i32
    %c0_i32_0 = arith.constant 0 : i32
    %c0_i32_1 = arith.constant 0 : i32
    return %c0_i32, %c0_i32_0 : i32, i32
  }
  func.func @transform_6(%arg0: i32) -> (i32, i32) {
    %c0_i32 = arith.constant 0 : i32
    %c0_i32_0 = arith.constant 0 : i32
    %c0_i32_1 = arith.constant 0 : i32
    return %c0_i32, %c0_i32_0 : i32, i32
  }
  func.func @transform_7(%arg0: i32) -> (i32, i32) {
    %c0_i32 = arith.constant 0 : i32
    %c0_i32_0 = arith.constant 0 : i32
    %c0_i32_1 = arith.constant 0 : i32
    return %c0_i32, %c0_i32_0 : i32, i32
  }
  func.func @transform_8(%arg0: i32) -> (i32, i32) {
    %c0_i32 = arith.constant 0 : i32
    %c0_i32_0 = arith.constant 0 : i32
    return %arg0, %c0_i32 : i32, i32
  }
}

module attributes {stable_mosaic.version = 14 : i64} {
  func.func @kern(%arg0: i32, %arg1: memref<2x2048x128xf32, #tpu.memory_space<vmem>>, %arg2: memref<2x2048x1xf32, #tpu.memory_space<vmem>>, %arg3: memref<2048x128xf32, #tpu.memory_space<vmem>>, %arg4: memref<128x128xf32, #tpu.memory_space<vmem>>, %arg5: memref<128x128xf32, #tpu.memory_space<vmem>>, %arg6: memref<1x128xf32, #tpu.memory_space<vmem>>, %arg7: memref<1x128xf32, #tpu.memory_space<vmem>>, %arg8: memref<1x128xf32, #tpu.memory_space<vmem>>, %arg9: memref<16x128xf32, #tpu.memory_space<vmem>>, %arg10: memref<2048x128xf32, #tpu.memory_space<vmem>>, %arg11: memref<2048x16xf32, #tpu.memory_space<vmem>>) attributes {dimension_semantics = [#tpu.dimension_semantics<arbitrary>], iteration_bounds = array<i64: 5>, scalar_prefetch = 0 : i64, scratch_operands = 0 : i64, tpu.core_type = #tpu.core_type<tc>, window_params = [{transform_indices = @transform_0, window_bounds = array<i64: 2, 2048, 128>}, {transform_indices = @transform_1, window_bounds = array<i64: 2, 2048, 1>}, {transform_indices = @transform_2, window_bounds = array<i64: 2048, 128>}, {pipeline_mode = #tpu.pipeline_mode<synchronous>, transform_indices = @transform_3, window_bounds = array<i64: 128, 128>}, {pipeline_mode = #tpu.pipeline_mode<synchronous>, transform_indices = @transform_4, window_bounds = array<i64: 128, 128>}, {pipeline_mode = #tpu.pipeline_mode<synchronous>, transform_indices = @transform_5, window_bounds = array<i64: 1, 128>}, {pipeline_mode = #tpu.pipeline_mode<synchronous>, transform_indices = @transform_6, window_bounds = array<i64: 1, 128>}, {pipeline_mode = #tpu.pipeline_mode<synchronous>, transform_indices = @transform_7, window_bounds = array<i64: 1, 128>}, {pipeline_mode = #tpu.pipeline_mode<synchronous>, transform_indices = @transform_8, window_bounds = array<i64: 16, 128>}, {transform_indices = @transform_9, window_bounds = array<i64: 2048, 128>}, {transform_indices = @transform_10, window_bounds = array<i64: 2048, 16>}]} {
    %get3A = arith.constant 0 : index
    %get3A_0 = arith.constant 0 : index
    %get3A_1 = arith.constant 0 : index
    %get3A_2 = vector.load %arg1[%get3A, %get3A_0, %get3A_1] : memref<2x2048x128xf32, #tpu.memory_space<vmem>>, vector<1x2048x128xf32>
    %get3A_3 = vector.shape_cast %get3A_2 : vector<1x2048x128xf32> to vector<2048x128xf32>
    %get3A_4 = arith.constant 1 : index
    %get3A_5 = arith.constant 0 : index
    %get3A_6 = arith.constant 0 : index
    %get3A_7 = vector.load %arg1[%get3A_4, %get3A_5, %get3A_6] : memref<2x2048x128xf32, #tpu.memory_space<vmem>>, vector<1x2048x128xf32>
    %get3A_8 = vector.shape_cast %get3A_7 : vector<1x2048x128xf32> to vector<2048x128xf32>
    %add3A = arith.addf %get3A_3, %get3A_8 : vector<2048x128xf32>
    %get3A_9 = arith.constant 0 : index
    %get3A_10 = arith.constant 0 : index
    %get3A_11 = arith.constant 0 : index
    %get3A_12 = vector.load %arg2[%get3A_9, %get3A_10, %get3A_11] : memref<2x2048x1xf32, #tpu.memory_space<vmem>>, vector<1x2048x1xf32>
    %get3A_13 = vector.shape_cast %get3A_12 : vector<1x2048x1xf32> to vector<2048x1xf32>
    %get3A_14 = arith.constant 1 : index
    %get3A_15 = arith.constant 0 : index
    %get3A_16 = arith.constant 0 : index
    %get3A_17 = vector.load %arg2[%get3A_14, %get3A_15, %get3A_16] : memref<2x2048x1xf32, #tpu.memory_space<vmem>>, vector<1x2048x1xf32>
    %get3A_18 = vector.shape_cast %get3A_17 : vector<1x2048x1xf32> to vector<2048x1xf32>
    %add3A_19 = arith.addf %get3A_13, %get3A_18 : vector<2048x1xf32>
    %max3A = arith.constant 1.000000e+00 : f32
    %max3A_20 = vector.broadcast %max3A : f32 to vector<2048x1xf32>
    %max3A_21 = arith.maximumf %add3A_19, %max3A_20 : vector<2048x1xf32>
    %div3A = arith.constant 1.000000e+00 : f32
    %div3A_22 = vector.broadcast %div3A : f32 to vector<2048x1xf32>
    %div3A_23 = arith.divf %div3A_22, %max3A_21 : vector<2048x1xf32>
    %mul3A = vector.broadcast %div3A_23 : vector<2048x1xf32> to vector<2048x128xf32>
    %mul3A_24 = arith.mulf %add3A, %mul3A : vector<2048x128xf32>
    %get3A_25 = arith.constant 0 : index
    %get3A_26 = arith.constant 0 : index
    %get3A_27 = vector.load %arg4[%get3A_25, %get3A_26] : memref<128x128xf32, #tpu.memory_space<vmem>>, vector<128x128xf32>
    %dot_general3A = arith.constant dense<0.000000e+00> : vector<2048x128xf32>
    %dot_general3A_28 = tpu.matmul %mul3A_24, %get3A_27, %dot_general3A {dimension_numbers = #tpu.dot_dimension_numbers<[1], [1], [0], [0], [0, 0, 1, 0], [], []>, transpose_lhs_hint = false} : vector<2048x128xf32>, vector<128x128xf32>, vector<2048x128xf32> -> vector<2048x128xf32>
    %get3A_29 = arith.constant 0 : index
    %get3A_30 = arith.constant 0 : index
    %get3A_31 = vector.load %arg3[%get3A_29, %get3A_30] : memref<2048x128xf32, #tpu.memory_space<vmem>>, vector<2048x128xf32>
    %get3A_32 = arith.constant 0 : index
    %get3A_33 = arith.constant 0 : index
    %get3A_34 = vector.load %arg5[%get3A_32, %get3A_33] : memref<128x128xf32, #tpu.memory_space<vmem>>, vector<128x128xf32>
    %dot_general3A_35 = arith.constant dense<0.000000e+00> : vector<2048x128xf32>
    %dot_general3A_36 = tpu.matmul %get3A_31, %get3A_34, %dot_general3A_35 {dimension_numbers = #tpu.dot_dimension_numbers<[1], [1], [0], [0], [0, 0, 1, 0], [], []>, transpose_lhs_hint = false} : vector<2048x128xf32>, vector<128x128xf32>, vector<2048x128xf32> -> vector<2048x128xf32>
    %add3A_37 = arith.addf %dot_general3A_28, %dot_general3A_36 : vector<2048x128xf32>
    %get3A_38 = arith.constant 0 : index
    %get3A_39 = arith.constant 0 : index
    %get3A_40 = vector.load %arg6[%get3A_38, %get3A_39] : memref<1x128xf32, #tpu.memory_space<vmem>>, vector<1x128xf32>
    %add3A_41 = vector.broadcast %get3A_40 : vector<1x128xf32> to vector<2048x128xf32>
    %add3A_42 = arith.addf %add3A_37, %add3A_41 : vector<2048x128xf32>
    %max3A_43 = arith.constant 0.000000e+00 : f32
    %max3A_44 = vector.broadcast %max3A_43 : f32 to vector<2048x128xf32>
    %max3A_45 = arith.maximumf %add3A_42, %max3A_44 : vector<2048x128xf32>
    %reduce_sum3A = arith.constant dense<0.000000e+00> : vector<2048xf32>
    %reduce_sum3A_46 = vector.multi_reduction <add>, %max3A_45, %reduce_sum3A [1] : vector<2048x128xf32> to vector<2048xf32>
    %broadcast_in_dim3A = vector.shape_cast %reduce_sum3A_46 : vector<2048xf32> to vector<2048x1xf32>
    %div3A_47 = arith.constant 1.280000e+02 : f32
    %div3A_48 = vector.broadcast %div3A_47 : f32 to vector<2048x1xf32>
    %div3A_49 = arith.divf %broadcast_in_dim3A, %div3A_48 : vector<2048x1xf32>
    %sub3A = vector.broadcast %div3A_49 : vector<2048x1xf32> to vector<2048x128xf32>
    %sub3A_50 = arith.subf %max3A_45, %sub3A : vector<2048x128xf32>
    %integer_pow3A = arith.mulf %sub3A_50, %sub3A_50 : vector<2048x128xf32>
    %reduce_sum3A_51 = arith.constant dense<0.000000e+00> : vector<2048xf32>
    %reduce_sum3A_52 = vector.multi_reduction <add>, %integer_pow3A, %reduce_sum3A_51 [1] : vector<2048x128xf32> to vector<2048xf32>
    %broadcast_in_dim3A_53 = vector.shape_cast %reduce_sum3A_52 : vector<2048xf32> to vector<2048x1xf32>
    %div3A_54 = arith.constant 1.280000e+02 : f32
    %div3A_55 = vector.broadcast %div3A_54 : f32 to vector<2048x1xf32>
    %div3A_56 = arith.divf %broadcast_in_dim3A_53, %div3A_55 : vector<2048x1xf32>
    %sub3A_57 = vector.broadcast %div3A_49 : vector<2048x1xf32> to vector<2048x128xf32>
    %sub3A_58 = arith.subf %max3A_45, %sub3A_57 : vector<2048x128xf32>
    %add3A_59 = arith.constant 9.99999974E-6 : f32
    %add3A_60 = vector.broadcast %add3A_59 : f32 to vector<2048x1xf32>
    %add3A_61 = arith.addf %div3A_56, %add3A_60 : vector<2048x1xf32>
    %rsqrt3A = math.rsqrt %add3A_61 : vector<2048x1xf32>
    %mul3A_62 = vector.broadcast %rsqrt3A : vector<2048x1xf32> to vector<2048x128xf32>
    %mul3A_63 = arith.mulf %sub3A_58, %mul3A_62 : vector<2048x128xf32>
    %get3A_64 = arith.constant 0 : index
    %get3A_65 = arith.constant 0 : index
    %get3A_66 = vector.load %arg7[%get3A_64, %get3A_65] : memref<1x128xf32, #tpu.memory_space<vmem>>, vector<1x128xf32>
    %mul3A_67 = vector.broadcast %get3A_66 : vector<1x128xf32> to vector<2048x128xf32>
    %mul3A_68 = arith.mulf %mul3A_63, %mul3A_67 : vector<2048x128xf32>
    %get3A_69 = arith.constant 0 : index
    %get3A_70 = arith.constant 0 : index
    %get3A_71 = vector.load %arg8[%get3A_69, %get3A_70] : memref<1x128xf32, #tpu.memory_space<vmem>>, vector<1x128xf32>
    %add3A_72 = vector.broadcast %get3A_71 : vector<1x128xf32> to vector<2048x128xf32>
    %add3A_73 = arith.addf %mul3A_68, %add3A_72 : vector<2048x128xf32>
    %swap3A = arith.constant 0 : index
    %swap3A_74 = arith.constant 0 : index
    %swap3A_75 = vector.load %arg10[%swap3A, %swap3A_74] : memref<2048x128xf32, #tpu.memory_space<vmem>>, vector<2048x128xf32>
    tpu.vector_store %arg10[%swap3A, %swap3A_74], %add3A_73 {strides = array<i32>} : memref<2048x128xf32, #tpu.memory_space<vmem>>, vector<2048x128xf32>,
    %get3A_76 = arith.constant 0 : index
    %get3A_77 = arith.constant 0 : index
    %get3A_78 = vector.load %arg9[%get3A_76, %get3A_77] : memref<16x128xf32, #tpu.memory_space<vmem>>, vector<16x128xf32>
    %dot_general3A_79 = arith.constant dense<0.000000e+00> : vector<2048x16xf32>
    %dot_general3A_80 = tpu.matmul %add3A_73, %get3A_78, %dot_general3A_79 {dimension_numbers = #tpu.dot_dimension_numbers<[1], [1], [0], [0], [0, 0, 1, 0], [], []>, transpose_lhs_hint = false} : vector<2048x128xf32>, vector<16x128xf32>, vector<2048x16xf32> -> vector<2048x16xf32>
    %swap3A_81 = arith.constant 0 : index
    %swap3A_82 = arith.constant 0 : index
    %swap3A_83 = vector.load %arg11[%swap3A_81, %swap3A_82] : memref<2048x16xf32, #tpu.memory_space<vmem>>, vector<2048x16xf32>
    tpu.vector_store %arg11[%swap3A_81, %swap3A_82], %dot_general3A_80 {strides = array<i32>} : memref<2048x16xf32, #tpu.memory_space<vmem>>, vector<2048x16xf32>,
    return
  }
  func.func @transform_0(%arg0: i32) -> (i32, i32, i32) {
    %c0_i32 = arith.constant 0 : i32
    %c0_i32_0 = arith.constant 0 : i32
    %c0_i32_1 = arith.constant 0 : i32
    return %c0_i32, %arg0, %c0_i32_0 : i32, i32, i32
  }
  func.func @transform_1(%arg0: i32) -> (i32, i32, i32) {
    %c0_i32 = arith.constant 0 : i32
    %c0_i32_0 = arith.constant 0 : i32
    %c0_i32_1 = arith.constant 0 : i32
    return %c0_i32, %arg0, %c0_i32_0 : i32, i32, i32
  }
  func.func @transform_2(%arg0: i32) -> (i32, i32) {
    %c0_i32 = arith.constant 0 : i32
    %c0_i32_0 = arith.constant 0 : i32
    return %arg0, %c0_i32 : i32, i32
  }
  func.func @transform_3(%arg0: i32) -> (i32, i32) {
    %c0_i32 = arith.constant 0 : i32
    %c0_i32_0 = arith.constant 0 : i32
    %c0_i32_1 = arith.constant 0 : i32
    return %c0_i32, %c0_i32_0 : i32, i32
  }
  func.func @transform_4(%arg0: i32) -> (i32, i32) {
    %c0_i32 = arith.constant 0 : i32
    %c0_i32_0 = arith.constant 0 : i32
    %c0_i32_1 = arith.constant 0 : i32
    return %c0_i32, %c0_i32_0 : i32, i32
  }
  func.func @transform_5(%arg0: i32) -> (i32, i32) {
    %c0_i32 = arith.constant 0 : i32
    %c0_i32_0 = arith.constant 0 : i32
    %c0_i32_1 = arith.constant 0 : i32
    return %c0_i32, %c0_i32_0 : i32, i32
  }
  func.func @transform_6(%arg0: i32) -> (i32, i32) {
    %c0_i32 = arith.constant 0 : i32
    %c0_i32_0 = arith.constant 0 : i32
    %c0_i32_1 = arith.constant 0 : i32
    return %c0_i32, %c0_i32_0 : i32, i32
  }
  func.func @transform_7(%arg0: i32) -> (i32, i32) {
    %c0_i32 = arith.constant 0 : i32
    %c0_i32_0 = arith.constant 0 : i32
    %c0_i32_1 = arith.constant 0 : i32
    return %c0_i32, %c0_i32_0 : i32, i32
  }
  func.func @transform_8(%arg0: i32) -> (i32, i32) {
    %c0_i32 = arith.constant 0 : i32
    %c0_i32_0 = arith.constant 0 : i32
    %c0_i32_1 = arith.constant 0 : i32
    return %c0_i32, %c0_i32_0 : i32, i32
  }
  func.func @transform_9(%arg0: i32) -> (i32, i32) {
    %c0_i32 = arith.constant 0 : i32
    %c0_i32_0 = arith.constant 0 : i32
    return %arg0, %c0_i32 : i32, i32
  }
  func.func @transform_10(%arg0: i32) -> (i32, i32) {
    %c0_i32 = arith.constant 0 : i32
    %c0_i32_0 = arith.constant 0 : i32
    return %arg0, %c0_i32 : i32, i32
  }
}

module attributes {stable_mosaic.version = 14 : i64} {
  func.func @kern(%arg0: i32, %arg1: memref<2x2048x16xf32, #tpu.memory_space<vmem>>, %arg2: memref<2x2048x1xf32, #tpu.memory_space<vmem>>, %arg3: memref<2048x128xf32, #tpu.memory_space<vmem>>, %arg4: memref<16x128xf32, #tpu.memory_space<vmem>>, %arg5: memref<1x16xf32, #tpu.memory_space<vmem>>, %arg6: memref<2048x16xf32, #tpu.memory_space<vmem>>) attributes {dimension_semantics = [#tpu.dimension_semantics<arbitrary>], iteration_bounds = array<i64: 5>, scalar_prefetch = 0 : i64, scratch_operands = 0 : i64, tpu.core_type = #tpu.core_type<tc>, window_params = [{transform_indices = @transform_0, window_bounds = array<i64: 2, 2048, 16>}, {transform_indices = @transform_1, window_bounds = array<i64: 2, 2048, 1>}, {transform_indices = @transform_2, window_bounds = array<i64: 2048, 128>}, {pipeline_mode = #tpu.pipeline_mode<synchronous>, transform_indices = @transform_3, window_bounds = array<i64: 16, 128>}, {pipeline_mode = #tpu.pipeline_mode<synchronous>, transform_indices = @transform_4, window_bounds = array<i64: 1, 16>}, {transform_indices = @transform_5, window_bounds = array<i64: 2048, 16>}]} {
    %get3A = arith.constant 0 : index
    %get3A_0 = arith.constant 0 : index
    %get3A_1 = arith.constant 0 : index
    %get3A_2 = vector.load %arg1[%get3A, %get3A_0, %get3A_1] : memref<2x2048x16xf32, #tpu.memory_space<vmem>>, vector<1x2048x16xf32>
    %get3A_3 = vector.shape_cast %get3A_2 : vector<1x2048x16xf32> to vector<2048x16xf32>
    %get3A_4 = arith.constant 1 : index
    %get3A_5 = arith.constant 0 : index
    %get3A_6 = arith.constant 0 : index
    %get3A_7 = vector.load %arg1[%get3A_4, %get3A_5, %get3A_6] : memref<2x2048x16xf32, #tpu.memory_space<vmem>>, vector<1x2048x16xf32>
    %get3A_8 = vector.shape_cast %get3A_7 : vector<1x2048x16xf32> to vector<2048x16xf32>
    %add3A = arith.addf %get3A_3, %get3A_8 : vector<2048x16xf32>
    %get3A_9 = arith.constant 0 : index
    %get3A_10 = arith.constant 0 : index
    %get3A_11 = arith.constant 0 : index
    %get3A_12 = vector.load %arg2[%get3A_9, %get3A_10, %get3A_11] : memref<2x2048x1xf32, #tpu.memory_space<vmem>>, vector<1x2048x1xf32>
    %get3A_13 = vector.shape_cast %get3A_12 : vector<1x2048x1xf32> to vector<2048x1xf32>
    %get3A_14 = arith.constant 1 : index
    %get3A_15 = arith.constant 0 : index
    %get3A_16 = arith.constant 0 : index
    %get3A_17 = vector.load %arg2[%get3A_14, %get3A_15, %get3A_16] : memref<2x2048x1xf32, #tpu.memory_space<vmem>>, vector<1x2048x1xf32>
    %get3A_18 = vector.shape_cast %get3A_17 : vector<1x2048x1xf32> to vector<2048x1xf32>
    %add3A_19 = arith.addf %get3A_13, %get3A_18 : vector<2048x1xf32>
    %max3A = arith.constant 1.000000e+00 : f32
    %max3A_20 = vector.broadcast %max3A : f32 to vector<2048x1xf32>
    %max3A_21 = arith.maximumf %add3A_19, %max3A_20 : vector<2048x1xf32>
    %div3A = arith.constant 1.000000e+00 : f32
    %div3A_22 = vector.broadcast %div3A : f32 to vector<2048x1xf32>
    %div3A_23 = arith.divf %div3A_22, %max3A_21 : vector<2048x1xf32>
    %mul3A = vector.broadcast %div3A_23 : vector<2048x1xf32> to vector<2048x16xf32>
    %mul3A_24 = arith.mulf %add3A, %mul3A : vector<2048x16xf32>
    %get3A_25 = arith.constant 0 : index
    %get3A_26 = arith.constant 0 : index
    %get3A_27 = vector.load %arg3[%get3A_25, %get3A_26] : memref<2048x128xf32, #tpu.memory_space<vmem>>, vector<2048x128xf32>
    %get3A_28 = arith.constant 0 : index
    %get3A_29 = arith.constant 0 : index
    %get3A_30 = vector.load %arg4[%get3A_28, %get3A_29] : memref<16x128xf32, #tpu.memory_space<vmem>>, vector<16x128xf32>
    %dot_general3A = arith.constant dense<0.000000e+00> : vector<2048x16xf32>
    %dot_general3A_31 = tpu.matmul %get3A_27, %get3A_30, %dot_general3A {dimension_numbers = #tpu.dot_dimension_numbers<[1], [1], [0], [0], [0, 0, 1, 0], [], []>, transpose_lhs_hint = false} : vector<2048x128xf32>, vector<16x128xf32>, vector<2048x16xf32> -> vector<2048x16xf32>
    %add3A_32 = arith.addf %mul3A_24, %dot_general3A_31 : vector<2048x16xf32>
    %get3A_33 = arith.constant 0 : index
    %get3A_34 = arith.constant 0 : index
    %get3A_35 = vector.load %arg5[%get3A_33, %get3A_34] : memref<1x16xf32, #tpu.memory_space<vmem>>, vector<1x16xf32>
    %add3A_36 = vector.broadcast %get3A_35 : vector<1x16xf32> to vector<2048x16xf32>
    %add3A_37 = arith.addf %add3A_32, %add3A_36 : vector<2048x16xf32>
    %swap3A = arith.constant 0 : index
    %swap3A_38 = arith.constant 0 : index
    %swap3A_39 = vector.load %arg6[%swap3A, %swap3A_38] : memref<2048x16xf32, #tpu.memory_space<vmem>>, vector<2048x16xf32>
    tpu.vector_store %arg6[%swap3A, %swap3A_38], %add3A_37 {strides = array<i32>} : memref<2048x16xf32, #tpu.memory_space<vmem>>, vector<2048x16xf32>,
    return
  }
  func.func @transform_0(%arg0: i32) -> (i32, i32, i32) {
    %c0_i32 = arith.constant 0 : i32
    %c0_i32_0 = arith.constant 0 : i32
    %c0_i32_1 = arith.constant 0 : i32
    return %c0_i32, %arg0, %c0_i32_0 : i32, i32, i32
  }
  func.func @transform_1(%arg0: i32) -> (i32, i32, i32) {
    %c0_i32 = arith.constant 0 : i32
    %c0_i32_0 = arith.constant 0 : i32
    %c0_i32_1 = arith.constant 0 : i32
    return %c0_i32, %arg0, %c0_i32_0 : i32, i32, i32
  }
  func.func @transform_2(%arg0: i32) -> (i32, i32) {
    %c0_i32 = arith.constant 0 : i32
    %c0_i32_0 = arith.constant 0 : i32
    return %arg0, %c0_i32 : i32, i32
  }
  func.func @transform_3(%arg0: i32) -> (i32, i32) {
    %c0_i32 = arith.constant 0 : i32
    %c0_i32_0 = arith.constant 0 : i32
    %c0_i32_1 = arith.constant 0 : i32
    return %c0_i32, %c0_i32_0 : i32, i32
  }
  func.func @transform_4(%arg0: i32) -> (i32, i32) {
    %c0_i32 = arith.constant 0 : i32
    %c0_i32_0 = arith.constant 0 : i32
    %c0_i32_1 = arith.constant 0 : i32
    return %c0_i32, %c0_i32_0 : i32, i32
  }
  func.func @transform_5(%arg0: i32) -> (i32, i32) {
    %c0_i32 = arith.constant 0 : i32
    %c0_i32_0 = arith.constant 0 : i32
    return %arg0, %c0_i32 : i32, i32
  }
}

</mosaic_0001>

<sc_bundles>
// kernel: kernel.11.cloned.1.call-start
scs
__scs_entry_jumppad:
0x0: {  	(pc) =	sbr.rel $0x88, $3  }
0x1: {  	(tag) =	ssettag $0x0;
	lr =	simm.s32 $0x1  }
0x2: {  	[smem:$0x3F92] =	sst lr;
	_ =	strace $0xD0000000  }
0x3: {  	_ = 	snop  }
0x4: {  	_ = 	snop  }
0x5: {  	_ = 	snop  }
0x6: {  	_ = 	snop  }
0x7: {  	_ = 	snop  }
__scs_overlays_trampoline_lowered:
0x8: {  	[smem:$0x3FA1] =	sst s0  }
0x9: {  	[smem:$0x3FA2] =	sst s1  }
0xa: {  	[smem:$0x3FA3] =	sst s2  }
0xb: {  	[smem:$0x3FA4] =	sst s3  }
0xc: {  	[smem:$0x3FA5] =	sst s4  }
0xd: {  	[smem:$0x3FA6] =	sst s5  }
0xe: {  	[smem:$0x3FA7] =	sst s6  }
0xf: {  	[smem:$0x3FA8] =	sst s7  }
0x10: {  	[smem:$0x3FA9] =	sst s8  }
0x11: {  	[smem:$0x3FAA] =	sst s9;
	s0 =	simm.s32 @!p0 $0x0  }
0x12: {  	s1 =	sld [smem:$0x3F90];
	s0 =	simm.s32 @p0 $0x1  }
0x13: {  	[smem:$0x3FAB] =	sst s0;
	s0 =	simm.s32 @!p1 $0x0  }
0x14: {  	s2 =	sld [smem:$0x3F8F];
	s0 =	simm.s32 @p1 $0x1  }
0x15: {  	[smem:$0x3FAC] =	sst s0;
	s0 =	simm.s32 @!p2 $0x0  }
0x16: {  	s3 =	sld [smem:$0x3FDB];
	s0 =	simm.s32 @p2 $0x1  }
0x17: {  	s4 =	simm.s32 $0x1BF5;
	[smem:$0x3FAE] =	sst s0  }
0x18: {  	s0 =	sld [smem:$0x3F91];
	_ =	swait.ge [sflag:s4], $0x0  }
0x19: {  	s7 =	sld [smem:$0x3F92]  }
0x1a: {  	s8 =	sadd.s32 $0xFFFFE003, lr  }
0x1b: {  	s9 =	sadd.s32 $0xFFFFFEF7, lr;
	s5 =	simm.s32 $0xFFFFFFFF;
	p2 =	slt.u32 s8, $0xFFFFF086  }
0x1c: {  	p1 =	slt.u32 s9, $0xF7A;
	s5 =	simm.s32 @!p2 $0x0  }
0x1d: {  	s5 =	simm.s32 @p1 $0x1;
	p0 =	seq.s32 s7, s2  }
0x1e: {  	s7 =	smul.u32 @!p0 $0xF7A, s2;
	p2 =	seq.s32 @!p0 s5, $0x0  }
0x1f: {  	s9 =	smul.u32 $0xF7A, s1;
	s8 =	simm.s32 @!p0 $0x1BF5;
	p2 =	por !p2, p0  }
0x20: {  	[sflag:s8] =	ssyncset.s32 @!p0 $0xFFFFF086;
	s6 =	sadd.s32 @!p0 s3, s7;
	s7 =	simm.s32 @!p0 $0x108  }
0x21: {  	s3 =	sadd.s32 s3, s9;
	s6 =	sadd.s32 @!p0 $0x88, s6;
	s7 =	simm.s32 @p2 $0x1082  }
0x22: {  	[simem:s7], [sflag:s8] =	dma.local @!p0 [hbm:s6], $0xF7A  }
0x23: {  	s9 =	sor.u32 $0xD0000000, s2;
	s6 =	simm.s32 $0x108;
	_ =	swait.ge @!p0 [sflag:s8], $0x0  }
0x24: {  	s3 =	sadd.s32 $0x88, s3;
	s6 =	simm.s32 @!p1 $0x1082;
	[sflag:s4] =	ssyncset.s32 $0xFFFFF086  }
0x25: {  	[simem:s6], [sflag:s4] =	dma.local [hbm:s3], $0xF7A  }
0x26: {  	[smem:$0x3F92] =	sst s1;
	(tag) =	ssettag s2;
	_ =	strace s9  }
0x27: {  	s1 =	sld [smem:$0x3FA2]  }
0x28: {  	s2 =	sld [smem:$0x3FA3]  }
0x29: {  	s4 =	sld [smem:$0x3FA5]  }
0x2a: {  	p0 =	seq.s32 s5, $0x0;
	s5 =	sld [smem:$0x3FA6]  }
0x2b: {  	s6 =	sld [smem:$0x3FA7]  }
0x2c: {  	s7 =	sld [smem:$0x3FA8]  }
0x2d: {  	s3 =	simm.s32 $0x108;
	s8 =	sld [smem:$0x3FA9]  }
0x2e: {  	s3 =	simm.s32 @!p0 $0x1082;
	s9 =	sld [smem:$0x3FAA]  }
0x2f: {  	lr =	sadd.s32 s0, s3;
	s0 =	sld [smem:$0x3FA1]  }
0x30: {  	s3 =	sld [smem:$0x3FA4]  }
0x31: {  	[smem:$0x3FAD] =	sst s10  }
0x32: {  	s10 =	sld [smem:$0x3FAB];
	_ =	sdelay $0x3  }
0x33: {  	p0 =	seq.s32 s10, $0x1;
	s10 =	sld [smem:$0x3FAD];
	_ =	sdelay $0x3  }
0x34: {  	[smem:$0x3FAD] =	sst s10  }
0x35: {  	s10 =	sld [smem:$0x3FAC];
	_ =	sdelay $0x3  }
0x36: {  	p1 =	seq.s32 s10, $0x1;
	s10 =	sld [smem:$0x3FAD];
	_ =	sdelay $0x3  }
0x37: {  	[smem:$0x3FAD] =	sst s10  }
0x38: {  	s10 =	sld [smem:$0x3FAE]  }
0x39: {  	_ = 	snop;
	(pc) =	sbr.ind lr, $3  }
0x3a: {  	_ = 	snop  }
0x3b: {  	_ = 	snop  }
0x3c: {  	p2 =	seq.s32 s10, $0x1;
	s10 =	sld [smem:$0x3FAD]  }
0x3d: {  	_ =	shalt  }
0x3e: {  	_ =	shalt  }
0x3f: {  	_ =	shalt  }
0x40: {  	_ =	shalt  }
0x41: {  	_ =	shalt  }
0x42: {  	_ =	shalt  }
0x43: {  	_ =	shalt  }
0x44: {  	_ =	shalt  }
0x45: {  	_ =	shalt  }
0x46: {  	_ =	shalt  }
0x47: {  	_ =	shalt  }
0x48: {  	_ =	shalt  }
0x49: {  	_ =	shalt  }
0x4a: {  	_ =	shalt  }
0x4b: {  	_ =	shalt  }
0x4c: {  	_ =	shalt  }
0x4d: {  	_ =	shalt  }
0x4e: {  	_ =	shalt  }
0x4f: {  	_ =	shalt  }
0x50: {  	_ =	shalt  }
0x51: {  	_ =	shalt  }
0x52: {  	_ =	shalt  }
0x53: {  	_ =	shalt  }
0x54: {  	_ =	shalt  }
0x55: {  	_ =	shalt  }
0x56: {  	_ =	shalt  }
0x57: {  	_ =	shalt  }
0x58: {  	_ =	shalt  }
0x59: {  	_ =	shalt  }
0x5a: {  	_ =	shalt  }
0x5b: {  	_ =	shalt  }
0x5c: {  	_ =	shalt  }
0x5d: {  	_ =	shalt  }
0x5e: {  	_ =	shalt  }
0x5f: {  	_ =	shalt  }
0x60: {  	_ =	shalt  }
0x61: {  	_ =	shalt  }
0x62: {  	_ =	shalt  }
0x63: {  	_ =	shalt  }
0x64: {  	_ =	shalt  }
0x65: {  	_ =	shalt  }
0x66: {  	_ =	shalt  }
0x67: {  	_ =	shalt  }
0x68: {  	_ =	shalt  }
0x69: {  	_ =	shalt  }
0x6a: {  	_ =	shalt  }
0x6b: {  	_ =	shalt  }
0x6c: {  	_ =	shalt  }
0x6d: {  	_ =	shalt  }
0x6e: {  	_ =	shalt  }
0x6f: {  	_ =	shalt  }
0x70: {  	_ =	shalt  }
0x71: {  	_ =	shalt  }
0x72: {  	_ =	shalt  }
0x73: {  	_ =	shalt  }
0x74: {  	_ =	shalt  }
0x75: {  	_ =	shalt  }
0x76: {  	_ =	shalt  }
0x77: {  	_ =	shalt  }
0x78: {  	_ =	shalt  }
0x79: {  	_ =	shalt  }
0x7a: {  	_ =	shalt  }
0x7b: {  	_ =	shalt  }
0x7c: {  	_ =	shalt  }
0x7d: {  	_ =	shalt  }
0x7e: {  	_ =	shalt  }
0x7f: {  	_ =	shalt  }
0x80: {  	_ =	shalt  }
0x81: {  	_ =	shalt  }
0x82: {  	_ =	shalt  }
0x83: {  	_ =	shalt  }
0x84: {  	_ =	shalt  }
0x85: {  	_ =	shalt  }
0x86: {  	_ =	shalt  }
0x87: {  	_ =	shalt  }
.Lfunc_end0:
.L_simem_size_0:
called_computation.1_lowered:
.L_overlay_start_0:
0x88: {  	s2 =	sld [smem:$0x3FD9]  }
0x89: {  	s3 =	sld [smem:$0x3FFE];
	_ =	sdelay $0x1  }
0x8a: {  	s1 =	srdreg.scid  }
0x8b: {  	s0 =	sand.u32 $0x1, s1  }
0x8c: {  	s16 =	sshll.u32 s0, $0xA;
	s2 =	sadd.s32 s3, s2  }
0x8d: {  	s2 =	sadd.s32 s2, s16  }
0x8e: {  	[smem:$0x3FB9] =	sst s2  }
0x8f: {  	_ = 	snop  }
0x90: {  	(tm) =	ssettm $0x1  }
0x91: {  	s17 =	sld [smem:$0x3FFB];
	_ =	sdelay $0x3  }
0x92: {  	_ =	strace s17  }
0x93: {  	s2 =	sld [smem:$0x3FFC];
	_ =	sdelay $0x3  }
0x94: {  	_ =	strace s2  }
0x95: {  	s2 =	sld [smem:$0x3FFD];
	_ =	sdelay $0x3  }
0x96: {  	_ =	strace s2  }
0x97: {  	_ =	strace $0x8FFFFFFF  }
0x98: {  	s18 =	sld [smem:$0x3FDB];
	_ =	sdelay $0x1  }
0x99: {  	s19 =	simm.s32 $_scs_section_size  }
0x9a: {  	s4 =	simm.s32 $_size__tile_overlayer_lowered;
	s5 =	simm.s32 $_tile_overlayer_lowered  }
0x9b: {  	s22 =	simm.s32 $0x1BFF;
	s21 =	sshll.u32 s5, $0x1;
	s2 =	sadd.s32 s19, s18  }
0x9c: {  	s6 =	simm.s32 $0x0;
	s20 =	sshll.u32 s4, $0x1;
	s4 =	sadd.s32 s21, s2  }
0x9d: {  	[timem:s6], [sflag:s22] =	dma.local [hbm:s4], s20  }
0x9e: {  	_ =	swait.ge [sflag:s22], s20  }
0x9f: {  	s3 =	ssub.s32 $0x0, s20;
	[sflag:s22] =	ssyncset.done $0x0  }
0xa0: {  	[sflag:s22] =	ssyncadd.s32 s3;
	_ =	sdelay $0x1  }
0xa1: {  	s23 =	simm.s32 $0x1B8B  }
0xa2: {  	_ =	swait.ge [sflag:s23], $0x1  }
0xa3: {  	[sflag:s23] =	ssyncset.done $0x0  }
0xa4: {  	s25 =	simm.s32 $0x1B8E;
	s24 =	sld [smem:$0x3FFE];
	[sflag:s23] =	ssyncadd.s32 $0xFFFFFFFF  }
0xa5: {  	s26 =	simm.s32 $execute0_lowered;
	[smem:$0x3FD2] =	sst s25  }
0xa6: {  	s4 =	sshll.u32 s26, $0x1;
	_ =	strace $0x80000049;
	[dreg:$0x1] =	wrdreg $0xFFFFFFFF  }
0xa7: {  	s28 =	simm.s32 $_size_execute0_lowered;
	s2 =	sadd.s32 s2, s4;
	[dreg:$0x0] =	wrdreg $0x0  }
0xa8: {  	s4 =	sshll.u32 s28, $0x1;
	[dreg:$0x2] =	wrdreg s2  }
0xa9: {  	[dreg:$0x3] =	wrdreg s4  }
0xaa: {  	[dreg:$0x4] =	wrdreg $0xC0  }
0xab: {  	_ =	task [dreg:s6], $0x5FFFF  }
0xac: {  	[dreg:$0x1] =	wrdreg $0xFFFFFFFF  }
0xad: {  	[dreg:$0x0] =	wrdreg $0x60  }
0xae: {  	[dreg:$0x2] =	wrdreg s24  }
0xaf: {  	[dreg:$0x3] =	wrdreg $0xC0000  }
0xb0: {  	[dreg:$0x4] =	wrdreg $0x9  }
0xb1: {  	_ =	task.clear_ibuf [dreg:s6], $0x5FFFF;
	_ =	strace $0x90000049  }
0xb2: {  	s29 =	simm.s32 $0x9;
	_ =	strace $0x8000004B  }
0xb3: {  	_ =	swait.ge [sflag:s29], $0x1  }
0xb4: {  	[sflag:s29] =	ssyncadd.s32 $0xFFFFFFFF  }
0xb5: {  	_ =	strace $0x9000004B  }
0xb6: {  	_ =	sfence  }
0xb7: {  	s30 =	sld [smem:$0x0];
	_ =	sdelay $0x2  }
0xb8: {  	s31 =	sshll.u32 s1, $0xD;
	s1 =	sshrl.u32 s1, $0x2  }
0xb9: {  	s3 =	sand.u32 $0x4000, s31;
	s1 =	sadd.s32 s1, s30  }
0xba: {  	s0 =	sor.u32 s3, s0;
	s1 =	sshll.u32 s1, $0x11  }
0xbb: {  	s0 =	sor.u32 s1, s0  }
0xbc: {  	s0 =	sadd.s32 $0x8F2B, s0  }
0xbd: {  	[sflag:s0] =	ssyncadd.remote.s32 $0x1  }
0xbe: {  	_ =	sfence.sel $0xFFFF  }
0xbf: {  	[dreg:$0x0] =	wrdreg $0xFFFFFFFF;
	(pc) =	sbr.abs _section_cstart, $3  }
0xc0: {  	[dreg:$0x1] =	wrdreg $0xFFFFFFFF  }
0xc1: {  	_ =	task.clear_ibuf [dreg:s6], $0x2FFFF;
	_ =	strace $0x9FFFFFFF  }
0xc2: {  	(tm) =	ssettm $0x7FFFFFFF  }
0xc3: {  	_ =	shalt  }
tec
execute0_lowered:
.L_overlay_start_1:
0x0: {  	(tag) =	ssettag $0x1  }
0x1: {  	s0 =	rddreg [dreg:$0x0]  }
0x2: {  	s1 =	rddreg [dreg:$0x1];
	s3 =	simm.s32 $0x0;
	s2 =	srdreg.scid  }
0x3: {  	s12 =	stileid.u32;
	s28 =	simm.s32 $0x7000;
	s29 =	simm.s32 $0x1  }
0x4: {  	s30 =	simm.s32 $0x180;
	s31 =	simm.s32 $0x9800;
	[smem:$0x7FF] =	sst s3  }
0x5: {  	s2 =	sand.u32 $0x1, s2;
	s8 =	smul.u32 $0x14000, s12;
	s4 =	sadd.s32 $0x3F400, s0  }
0x6: {  	s5 =	sadd.s32 $0x17400, s0;
	s6 =	sadd.s32 $0x2B400, s0;
	s10 =	smul.u32 $0x50000, s12  }
0x7: {  	s26 =	sshll.u32 s12, $0x1;
	s12 =	sshll.u32 s12, $0x6;
	s7 =	smul.u32 $0x140000, s2  }
0x8: {  	_ =	strace $0x8000004A;
	s9 =	ssub.s32 $0x2, s2;
	s2 =	sor.u32 s2, s26  }
0x9: {  	s11 =	sshrl.u32 s9, $0x1;
	s25 =	sshrl.u32 s10, $0x2;
	s8 =	sadd.s32 s8, s7  }
0xa: {  	s7 =	sadd.s32 $0x67400, s0;
	s11 =	ssub.s32 s9, s11;
	s10 =	sadd.s32 s25, s1  }
0xb: {  	s9 =	smul.u32 $0x5000, s2;
	s2 =	simm.s32 $0x0;
	s8 =	sshrl.u32 s8, $0x3  }
0xc: {  	s14 =	sadd.s32 $0x2800, s10;
	s15 =	sadd.s32 $0x5000, s10;
	s16 =	sadd.s32 $0x7800, s10  }
0xd: {  	s17 =	sadd.s32 $0xA000, s10;
	s18 =	sadd.s32 $0xC800, s10;
	s13 =	smax.u32 s11, $0x1  }
0xe: {  	s19 =	sadd.s32 $0xF000, s10;
	[dreg:$0x4] =	wrdreg s13;
	s14 =	sshrl.u32 s14, $0x3  }
0xf: {  	s20 =	sadd.s32 $0x11800, s10;
	s21 =	sshrl.u32 s15, $0x3;
	[dreg:$0x5] =	wrdreg s14  }
0x10: {  	s0 =	sadd.s32 s8, s0;
	s22 =	sshrl.u32 s16, $0x3;
	[dreg:$0x6] =	wrdreg s21  }
0x11: {  	s8 =	sor.u32 $0x1C03, s12;
	s23 =	sshrl.u32 s17, $0x3;
	[dreg:$0x7] =	wrdreg s22  }
0x12: {  	s12 =	sshrl.u32 s10, $0x3;
	s24 =	sshrl.u32 s18, $0x3;
	[dreg:$0x8] =	wrdreg s23  }
0x13: {  	s13 =	simm.s32 $0x3;
	s25 =	sshrl.u32 s19, $0x3;
	[dreg:$0x9] =	wrdreg s24  }
0x14: {  	s26 =	sshrl.u32 s20, $0x3;
	s0 =	sadd.s32 $0x67A00, s0;
	[dreg:$0xa] =	wrdreg s25  }
0x15: {  	[dreg:$0xb] =	wrdreg s26;
	s21 =	simm.s32 $0x1000;
	s22 =	simm.s32 $0x50  }
0x16: {  	s23 =	simm.s32 $0x2000;
	s24 =	simm.s32 $0x80;
	s25 =	simm.s32 $0x4800  }
0x17: {  	s26 =	simm.s32 $0x100;
	[dreg:$0x3] =	wrdreg s0;
	s0 =	simm.s32 $0x2  }
.LBB2_1:
0x18: {  	[spmem:s12], [sflag:s8] =	dma.local [hbm:s7], $0x500  }
0x19: {  	_ =	swait.ge [sflag:s13], $0x500  }
0x1a: {  	[sflag:s13] =	ssyncset.done $0x0  }
0x1b: {  	s10 =	rddreg [dreg:$0x5];
	[sflag:s13] =	ssyncadd.s32 $0xFFFFFB00  }
0x1c: {  	[spmem:s10], [sflag:s8] =	dma.local [hbm:s7], $0x500  }
0x1d: {  	_ =	swait.ge [sflag:s13], $0x500  }
0x1e: {  	[sflag:s13] =	ssyncset.done $0x0  }
0x1f: {  	s15 =	rddreg [dreg:$0x6];
	[sflag:s13] =	ssyncadd.s32 $0xFFFFFB00  }
0x20: {  	[spmem:s15], [sflag:s8] =	dma.local [hbm:s7], $0x500  }
0x21: {  	_ =	swait.ge [sflag:s13], $0x500  }
0x22: {  	[sflag:s13] =	ssyncset.done $0x0  }
0x23: {  	s16 =	rddreg [dreg:$0x7];
	[sflag:s13] =	ssyncadd.s32 $0xFFFFFB00  }
0x24: {  	[spmem:s16], [sflag:s8] =	dma.local [hbm:s7], $0x500  }
0x25: {  	_ =	swait.ge [sflag:s13], $0x500  }
0x26: {  	[sflag:s13] =	ssyncset.done $0x0  }
0x27: {  	s17 =	rddreg [dreg:$0x8];
	[sflag:s13] =	ssyncadd.s32 $0xFFFFFB00  }
0x28: {  	[spmem:s17], [sflag:s8] =	dma.local [hbm:s7], $0x500  }
0x29: {  	_ =	swait.ge [sflag:s13], $0x500  }
0x2a: {  	[sflag:s13] =	ssyncset.done $0x0  }
0x2b: {  	s18 =	rddreg [dreg:$0x9];
	[sflag:s13] =	ssyncadd.s32 $0xFFFFFB00  }
0x2c: {  	[spmem:s18], [sflag:s8] =	dma.local [hbm:s7], $0x500  }
0x2d: {  	_ =	swait.ge [sflag:s13], $0x500  }
0x2e: {  	[sflag:s13] =	ssyncset.done $0x0  }
0x2f: {  	s19 =	rddreg [dreg:$0xa];
	[sflag:s13] =	ssyncadd.s32 $0xFFFFFB00  }
0x30: {  	[spmem:s19], [sflag:s8] =	dma.local [hbm:s7], $0x500  }
0x31: {  	_ =	swait.ge [sflag:s13], $0x500  }
0x32: {  	[sflag:s13] =	ssyncset.done $0x0  }
0x33: {  	s20 =	rddreg [dreg:$0xb];
	[sflag:s13] =	ssyncadd.s32 $0xFFFFFB00  }
0x34: {  	[spmem:s20], [sflag:s8] =	dma.local [hbm:s7], $0x500  }
0x35: {  	_ =	swait.ge [sflag:s13], $0x500  }
0x36: {  	[sflag:s13] =	ssyncset.done $0x0  }
0x37: {  	[sflag:s13] =	ssyncadd.s32 $0xFFFFFB00  }
0x38: {  	s10 =	simm.s32 $0x0;
	[bflag:$0x0] =	sbarrier.arrive $0xFFFF  }
.LBB2_2:
0x39: {  	s11 =	sshll.u32 s10, $0xC  }
0x3a: {  	s11 =	sadd.s32 s9, s11  }
0x3b: {  	s11 =	sshrl.u32 s11, $0x3  }
0x3c: {  	s14 =	sadd.s32 s5, s11  }
0x3d: {  	[tilespmem:s3], [sflag:$0x3] =	stream.linear.gather [hbm4b:s14+s3], $0xC80, $0x38;
	v63 =	vld [tilespmem:$0x0]  }
0x3e: {  	_ =	swait.ge [sflag:s13], $0xC80  }
0x3f: {  	[sflag:s13] =	ssyncset.done $0x0  }
0x40: {  	s11 =	sadd.s32 s6, s11;
	[sflag:s13] =	ssyncadd.s32 $0xFFFFF380  }
0x41: {  	[tilespmem:s21], [sflag:$0x3] =	stream.linear.gather [hbm4b:s11+s3], $0xC80, $0x38;
	v63 =	vld [tilespmem:$0x0]  }
0x42: {  	_ =	swait.ge [sflag:s13], $0xC80  }
0x43: {  	[sflag:s13] =	ssyncset.done $0x0  }
0x44: {  	[sflag:s13] =	ssyncadd.s32 $0xFFFFF380  }
0x45: {  	[tilespmem:s23], [sflag:$0x1] =	stream.indirect.gather [hbm4b:s4+s22], $0x80, s3, s22, $0xb8;
	v63 =	vld [tilespmem:$0x0]  }
0x46: {  	_ = 	snop  }
0x47: {  	[tilespmem:s25], [sflag:$0x1] =	stream.indirect.gather [hbm4b:s4+s22], $0x80, s24, s22, $0xb8;
	v63 =	vld [tilespmem:$0x0]  }
0x48: {  	_ = 	snop  }
0x49: {  	[tilespmem:s28], [sflag:$0x1] =	stream.indirect.gather [hbm4b:s4+s22], $0x80, s26, s22, $0xb8;
	v63 =	vld [tilespmem:$0x0]  }
0x4a: {  	_ =	swait.ge [sflag:s29], $0x2800  }
0x4b: {  	s20 =	simm.s32 $0x1;
	[sflag:s29] =	ssyncset.done $0x0  }
0x4c: {  	s11 =	sand.u32 $0x3, s20;
	[sflag:s29] =	ssyncadd.s32 $0xFFFFD800  }
0x4d: {  	[spmem:s1] =	stream.indirect.scatter.add.f32 [tilespmem:s23], [sflag:$0x2], $0x80, s21, s22, $0xb8;
	v63 =	vld [tilespmem:$0x0]  }
0x4e: {  	s16 =	simm.s32 $0x1080;
	s15 =	smul.u32 $0xA000, s11  }
0x4f: {  	[tilespmem:s31], [sflag:$0x1] =	stream.indirect.gather [hbm4b:s4+s22], $0x80, s30, s22, $0xb8;
	v63 =	vld [tilespmem:$0x0]  }
0x50: {  	p0 =	por $0x0, $0x0;
	s14 =	simm.s32 $0x4;
	_ =	swait.ge [sflag:s29], $0x2800  }
0x51: {  	s17 =	sand.u32 @!p0 $0x3, s14;
	s15 =	sshrl.u32 s15, $0x2;
	[sflag:s29] =	ssyncset.done $0x0  }
0x52: {  	s17 =	smul.u32 @!p0 $0xA000, s17;
	s15 =	sadd.s32 $0x2000, s15;
	[sflag:s29] =	ssyncadd.s32 $0xFFFFD800  }
0x53: {  	[spmem:s1] =	stream.indirect.scatter.add.f32 [tilespmem:s15], [sflag:$0x2], $0x80, s16, s22, $0xb8;
	v63 =	vld [tilespmem:$0x0]  }
0x54: {  	s14 =	simm.s32 $0x5;
	s18 =	sshrl.u32 @!p0 s17, $0x2;
	_ =	swait.ge [sflag:s0], $0x2800  }
0x55: {  	s17 =	simm.s32 @!p0 $0x50;
	s11 =	simm.s32 $0x200;
	[sflag:s0] =	ssyncset.done $0x0  }
0x56: {  	s15 =	simm.s32 $0x280;
	s16 =	simm.s32 $0x1100;
	[sflag:s0] =	ssyncadd.s32 $0xFFFFD800  }
.LBB2_3:
0x57: {  	s19 =	sadd.s32 $0xFFFFFFFD, s14  }
0x58: {  	s18 =	sadd.s32 @!p0 $0x2000, s18;
	s20 =	smov.u32 s14;
	s14 =	sadd.s32 $0x1, s14  }
0x59: {  	[tilespmem:s18], [sflag:$0x1] =	stream.indirect.gather @!p0 [hbm4b:s4+s17], $0x80, s11, s17, $0xb8;
	v63 =	vld [tilespmem:$0x0]  }
0x5a: {  	s17 =	sand.u32 $0x3, s19;
	p1 =	sne.s32 s14, $0x1C;
	s11 =	smov.u32 s15  }
0x5b: {  	s17 =	smul.u32 $0xA000, s17  }
0x5c: {  	p0 =	sgt.u32 s19, $0x15;
	_ =	swait.ge [sflag:s29], $0x2800  }
0x5d: {  	s18 =	sand.u32 @!p0 $0x3, s20;
	s17 =	sshrl.u32 s17, $0x2;
	[sflag:s29] =	ssyncset.done $0x0  }
.Ltmp0:
0x5e: {  	s17 =	sadd.s32 $0x2000, s17;
	[sflag:s29] =	ssyncadd.s32 $0xFFFFD800;
	(pc) =	sbr.rel @p1 .LBB2_3-.Ltmp0, $4  }
0x5f: {  	[spmem:s1] =	stream.indirect.scatter.add.f32 [tilespmem:s17], [sflag:$0x2], $0x80, s16, s22, $0xb8;
	v63 =	vld [tilespmem:$0x0]  }
0x60: {  	s17 =	smul.u32 @!p0 $0xA000, s18;
	_ =	swait.ge [sflag:s0], $0x2800  }
0x61: {  	s15 =	sadd.s32 $0x80, s15;
	s16 =	sadd.s32 $0x80, s16;
	[sflag:s0] =	ssyncset.done $0x0  }
0x62: {  	s18 =	sshrl.u32 @!p0 s17, $0x2;
	s17 =	simm.s32 @!p0 $0x50;
	[sflag:s0] =	ssyncadd.s32 $0xFFFFD800  }
0x63: {  	s14 =	sadd.s32 @!p0 $0x2000, s18;
	s10 =	sadd.s32 $0x1, s10  }
0x64: {  	[tilespmem:s14], [sflag:$0x1] =	stream.indirect.gather @!p0 [hbm4b:s4+s17], $0x80, s11, s17, $0xb8;
	v63 =	vld [tilespmem:$0x0]  }
0x65: {  	p0 =	sne.s32 s10, $0x5  }
.Ltmp1:
0x66: {  	_ = 	snop;
	(pc) =	sbr.rel @p0 .LBB2_2-.Ltmp1, $4  }
0x67: {  	_ = 	snop  }
0x68: {  	_ =	swait.ge [sflag:s0], $0x2800  }
0x69: {  	[sflag:s0] =	ssyncset.done $0x0  }
0x6a: {  	[sflag:s0] =	ssyncadd.s32 $0xFFFFD800  }
0x6b: {  	[bflag:$0x0] =	sbarrier.arrive $0xFFFF  }
0x6c: {  	s10 =	rddreg [dreg:$0x3]  }
0x6d: {  	[hbm:s10], [sflag:s8] =	dma.local [spmem:s12], $0x2800  }
0x6e: {  	_ =	swait.ge [sflag:s13], $0x2800  }
0x6f: {  	s2 =	sadd.s32 $0x1, s2;
	s20 =	rddreg [dreg:$0x4]  }
0x70: {  	p0 =	sne.s32 s2, s20  }
.Ltmp2:
0x71: {  	_ = 	snop;
	(pc) =	sbr.rel @p0 .LBB2_1-.Ltmp2, $3  }
0x72: {  	_ =	sdelay $0x1  }
0x73: {  	[sflag:s13] =	ssyncset.done $0x0  }
0x74: {  	[sflag:s13] =	ssyncadd.s32 $0xFFFFD800  }
0x75: {  	_ =	sfence.sel $0x180000  }
0x76: {  	[bflag:$0x0] =	sbarrier.arrive $0xFFFF  }
0x77: {  	_ =	strace $0x9000004A  }
0x78: {  	s0 =	stileid.u32;
	[bflag:$0x2] =	sbarrier.arrive $0xFFFF  }
0x79: {  	p0 =	sne.s32 s0, $0x0;
	s0 =	rddreg [dreg:$0x2]  }
0x7a: {  	s0 =	sadd.s32 @!p0 $0x100000, s0  }
0x7b: {  	[sflag:s0] =	ssyncadd.tile.s32 @!p0 $0x1;
	_ =	shalt  }
.Lfunc_end2:
_tile_overlayer_lowered:
.L_overlay_start_2:
0x7c: {  	(tag) =	ssettag $0x2  }
0x7d: {  	s0 =	rddreg [dreg:$0x0];
	s2 =	stileid.u32  }
0x7e: {  	s1 =	rddreg [dreg:$0x1];
	p0 =	sne.s32 s2, $0x0  }
0x7f: {  	s3 =	rddreg [dreg:$0x2];
	[bflag:$0x3] =	sbarrier.arrive $0xFFFF;
	s2 =	simm.s32 @!p0 $0x1C03  }
0x80: {  	[timem:s3], [sflag:s2] =	dma.local @!p0 [hbm:s0], s1  }
0x81: {  	s0 =	simm.s32 @!p0 $0x3  }
0x82: {  	_ =	swait.ge @!p0 [sflag:s0], s1  }
0x83: {  	s1 =	ssub.s32 @!p0 $0x0, s1;
	[sflag:s0] =	ssyncset.done @!p0 $0x0  }
0x84: {  	[sflag:s0] =	ssyncadd.s32 @!p0 s1  }
0x85: {  	[bflag:$0x3] =	sbarrier.arrive $0xFFFF  }
0x86: {  	_ =	shalt  }

// kernel: kernel.14.cloned.1.call-start
scs
__scs_entry_jumppad:
0x0: {  	(pc) =	sbr.rel $0x88, $3  }
0x1: {  	(tag) =	ssettag $0x0;
	lr =	simm.s32 $0x1  }
0x2: {  	[smem:$0x3F92] =	sst lr;
	_ =	strace $0xD0000000  }
0x3: {  	_ = 	snop  }
0x4: {  	_ = 	snop  }
0x5: {  	_ = 	snop  }
0x6: {  	_ = 	snop  }
0x7: {  	_ = 	snop  }
__scs_overlays_trampoline_lowered:
0x8: {  	[smem:$0x3FA1] =	sst s0  }
0x9: {  	[smem:$0x3FA2] =	sst s1  }
0xa: {  	[smem:$0x3FA3] =	sst s2  }
0xb: {  	[smem:$0x3FA4] =	sst s3  }
0xc: {  	[smem:$0x3FA5] =	sst s4  }
0xd: {  	[smem:$0x3FA6] =	sst s5  }
0xe: {  	[smem:$0x3FA7] =	sst s6  }
0xf: {  	[smem:$0x3FA8] =	sst s7  }
0x10: {  	[smem:$0x3FA9] =	sst s8  }
0x11: {  	[smem:$0x3FAA] =	sst s9;
	s0 =	simm.s32 @!p0 $0x0  }
0x12: {  	s1 =	sld [smem:$0x3F90];
	s0 =	simm.s32 @p0 $0x1  }
0x13: {  	[smem:$0x3FAB] =	sst s0;
	s0 =	simm.s32 @!p1 $0x0  }
0x14: {  	s2 =	sld [smem:$0x3F8F];
	s0 =	simm.s32 @p1 $0x1  }
0x15: {  	[smem:$0x3FAC] =	sst s0;
	s0 =	simm.s32 @!p2 $0x0  }
0x16: {  	s3 =	sld [smem:$0x3FDB];
	s0 =	simm.s32 @p2 $0x1  }
0x17: {  	s4 =	simm.s32 $0x1BF5;
	[smem:$0x3FAE] =	sst s0  }
0x18: {  	s0 =	sld [smem:$0x3F91];
	_ =	swait.ge [sflag:s4], $0x0  }
0x19: {  	s7 =	sld [smem:$0x3F92]  }
0x1a: {  	s8 =	sadd.s32 $0xFFFFE003, lr  }
0x1b: {  	s9 =	sadd.s32 $0xFFFFFEF7, lr;
	s5 =	simm.s32 $0xFFFFFFFF;
	p2 =	slt.u32 s8, $0xFFFFF086  }
0x1c: {  	p1 =	slt.u32 s9, $0xF7A;
	s5 =	simm.s32 @!p2 $0x0  }
0x1d: {  	s5 =	simm.s32 @p1 $0x1;
	p0 =	seq.s32 s7, s2  }
0x1e: {  	s7 =	smul.u32 @!p0 $0xF7A, s2;
	p2 =	seq.s32 @!p0 s5, $0x0  }
0x1f: {  	s9 =	smul.u32 $0xF7A, s1;
	s8 =	simm.s32 @!p0 $0x1BF5;
	p2 =	por !p2, p0  }
0x20: {  	[sflag:s8] =	ssyncset.s32 @!p0 $0xFFFFF086;
	s6 =	sadd.s32 @!p0 s3, s7;
	s7 =	simm.s32 @!p0 $0x108  }
0x21: {  	s3 =	sadd.s32 s3, s9;
	s6 =	sadd.s32 @!p0 $0x88, s6;
	s7 =	simm.s32 @p2 $0x1082  }
0x22: {  	[simem:s7], [sflag:s8] =	dma.local @!p0 [hbm:s6], $0xF7A  }
0x23: {  	s9 =	sor.u32 $0xD0000000, s2;
	s6 =	simm.s32 $0x108;
	_ =	swait.ge @!p0 [sflag:s8], $0x0  }
0x24: {  	s3 =	sadd.s32 $0x88, s3;
	s6 =	simm.s32 @!p1 $0x1082;
	[sflag:s4] =	ssyncset.s32 $0xFFFFF086  }
0x25: {  	[simem:s6], [sflag:s4] =	dma.local [hbm:s3], $0xF7A  }
0x26: {  	[smem:$0x3F92] =	sst s1;
	(tag) =	ssettag s2;
	_ =	strace s9  }
0x27: {  	s1 =	sld [smem:$0x3FA2]  }
0x28: {  	s2 =	sld [smem:$0x3FA3]  }
0x29: {  	s4 =	sld [smem:$0x3FA5]  }
0x2a: {  	p0 =	seq.s32 s5, $0x0;
	s5 =	sld [smem:$0x3FA6]  }
0x2b: {  	s6 =	sld [smem:$0x3FA7]  }
0x2c: {  	s7 =	sld [smem:$0x3FA8]  }
0x2d: {  	s3 =	simm.s32 $0x108;
	s8 =	sld [smem:$0x3FA9]  }
0x2e: {  	s3 =	simm.s32 @!p0 $0x1082;
	s9 =	sld [smem:$0x3FAA]  }
0x2f: {  	lr =	sadd.s32 s0, s3;
	s0 =	sld [smem:$0x3FA1]  }
0x30: {  	s3 =	sld [smem:$0x3FA4]  }
0x31: {  	[smem:$0x3FAD] =	sst s10  }
0x32: {  	s10 =	sld [smem:$0x3FAB];
	_ =	sdelay $0x3  }
0x33: {  	p0 =	seq.s32 s10, $0x1;
	s10 =	sld [smem:$0x3FAD];
	_ =	sdelay $0x3  }
0x34: {  	[smem:$0x3FAD] =	sst s10  }
0x35: {  	s10 =	sld [smem:$0x3FAC];
	_ =	sdelay $0x3  }
0x36: {  	p1 =	seq.s32 s10, $0x1;
	s10 =	sld [smem:$0x3FAD];
	_ =	sdelay $0x3  }
0x37: {  	[smem:$0x3FAD] =	sst s10  }
0x38: {  	s10 =	sld [smem:$0x3FAE]  }
0x39: {  	_ = 	snop;
	(pc) =	sbr.ind lr, $3  }
0x3a: {  	_ = 	snop  }
0x3b: {  	_ = 	snop  }
0x3c: {  	p2 =	seq.s32 s10, $0x1;
	s10 =	sld [smem:$0x3FAD]  }
0x3d: {  	_ =	shalt  }
0x3e: {  	_ =	shalt  }
0x3f: {  	_ =	shalt  }
0x40: {  	_ =	shalt  }
0x41: {  	_ =	shalt  }
0x42: {  	_ =	shalt  }
0x43: {  	_ =	shalt  }
0x44: {  	_ =	shalt  }
0x45: {  	_ =	shalt  }
0x46: {  	_ =	shalt  }
0x47: {  	_ =	shalt  }
0x48: {  	_ =	shalt  }
0x49: {  	_ =	shalt  }
0x4a: {  	_ =	shalt  }
0x4b: {  	_ =	shalt  }
0x4c: {  	_ =	shalt  }
0x4d: {  	_ =	shalt  }
0x4e: {  	_ =	shalt  }
0x4f: {  	_ =	shalt  }
0x50: {  	_ =	shalt  }
0x51: {  	_ =	shalt  }
0x52: {  	_ =	shalt  }
0x53: {  	_ =	shalt  }
0x54: {  	_ =	shalt  }
0x55: {  	_ =	shalt  }
0x56: {  	_ =	shalt  }
0x57: {  	_ =	shalt  }
0x58: {  	_ =	shalt  }
0x59: {  	_ =	shalt  }
0x5a: {  	_ =	shalt  }
0x5b: {  	_ =	shalt  }
0x5c: {  	_ =	shalt  }
0x5d: {  	_ =	shalt  }
0x5e: {  	_ =	shalt  }
0x5f: {  	_ =	shalt  }
0x60: {  	_ =	shalt  }
0x61: {  	_ =	shalt  }
0x62: {  	_ =	shalt  }
0x63: {  	_ =	shalt  }
0x64: {  	_ =	shalt  }
0x65: {  	_ =	shalt  }
0x66: {  	_ =	shalt  }
0x67: {  	_ =	shalt  }
0x68: {  	_ =	shalt  }
0x69: {  	_ =	shalt  }
0x6a: {  	_ =	shalt  }
0x6b: {  	_ =	shalt  }
0x6c: {  	_ =	shalt  }
0x6d: {  	_ =	shalt  }
0x6e: {  	_ =	shalt  }
0x6f: {  	_ =	shalt  }
0x70: {  	_ =	shalt  }
0x71: {  	_ =	shalt  }
0x72: {  	_ =	shalt  }
0x73: {  	_ =	shalt  }
0x74: {  	_ =	shalt  }
0x75: {  	_ =	shalt  }
0x76: {  	_ =	shalt  }
0x77: {  	_ =	shalt  }
0x78: {  	_ =	shalt  }
0x79: {  	_ =	shalt  }
0x7a: {  	_ =	shalt  }
0x7b: {  	_ =	shalt  }
0x7c: {  	_ =	shalt  }
0x7d: {  	_ =	shalt  }
0x7e: {  	_ =	shalt  }
0x7f: {  	_ =	shalt  }
0x80: {  	_ =	shalt  }
0x81: {  	_ =	shalt  }
0x82: {  	_ =	shalt  }
0x83: {  	_ =	shalt  }
0x84: {  	_ =	shalt  }
0x85: {  	_ =	shalt  }
0x86: {  	_ =	shalt  }
0x87: {  	_ =	shalt  }
.Lfunc_end0:
.L_simem_size_0:
called_computation.2_lowered:
.L_overlay_start_0:
0x88: {  	s2 =	sld [smem:$0x3FD9]  }
0x89: {  	s3 =	sld [smem:$0x3FFE];
	_ =	sdelay $0x1  }
0x8a: {  	s1 =	srdreg.scid  }
0x8b: {  	s0 =	sand.u32 $0x1, s1  }
0x8c: {  	s17 =	sshll.u32 s0, $0xA;
	s2 =	sadd.s32 s3, s2  }
0x8d: {  	s2 =	sadd.s32 s2, s17  }
0x8e: {  	[smem:$0x3FB9] =	sst s2  }
0x8f: {  	_ = 	snop  }
0x90: {  	s2 =	sld [smem:$0x3FD0];
	(tm) =	ssettm $0x1  }
0x91: {  	s18 =	sld [smem:$0x3FFB];
	_ =	sdelay $0x3  }
0x92: {  	_ =	strace s18  }
0x93: {  	s3 =	sld [smem:$0x3FFC];
	_ =	sdelay $0x3  }
0x94: {  	_ =	strace s3  }
0x95: {  	s3 =	sld [smem:$0x3FFD];
	_ =	sdelay $0x3  }
0x96: {  	_ =	strace s3  }
0x97: {  	_ =	strace $0x8FFFFFFF  }
0x98: {  	s19 =	sld [smem:$0x3FDB];
	_ =	sdelay $0x1  }
0x99: {  	s4 =	simm.s32 $_scs_section_size  }
0x9a: {  	s5 =	simm.s32 $_size__tile_overlayer_lowered;
	s6 =	simm.s32 $_tile_overlayer_lowered  }
0x9b: {  	s22 =	simm.s32 $0x1BFF;
	s21 =	sshll.u32 s6, $0x1;
	s3 =	sadd.s32 s4, s19  }
0x9c: {  	s7 =	simm.s32 $0x0;
	s20 =	sshll.u32 s5, $0x1;
	s5 =	sadd.s32 s21, s3  }
0x9d: {  	[timem:s7], [sflag:s22] =	dma.local [hbm:s5], s20  }
0x9e: {  	_ =	swait.ge [sflag:s22], s20  }
0x9f: {  	s4 =	ssub.s32 $0x0, s20;
	[sflag:s22] =	ssyncset.done $0x0  }
0xa0: {  	[sflag:s22] =	ssyncadd.s32 s4;
	_ =	sdelay $0x1  }
0xa1: {  	s23 =	simm.s32 $0x1B8B  }
0xa2: {  	_ =	swait.ge [sflag:s23], $0x1  }
0xa3: {  	[sflag:s23] =	ssyncset.done $0x0  }
0xa4: {  	s25 =	simm.s32 $0x1B8E;
	s24 =	sld [smem:$0x3FFE];
	[sflag:s23] =	ssyncadd.s32 $0xFFFFFFFF  }
0xa5: {  	s26 =	simm.s32 $execute0_lowered;
	[smem:$0x3FD2] =	sst s25  }
0xa6: {  	s5 =	sshll.u32 s26, $0x1;
	_ =	strace $0x8000004C;
	[dreg:$0x1] =	wrdreg $0xFFFFFFFF  }
0xa7: {  	s28 =	simm.s32 $_size_execute0_lowered;
	s3 =	sadd.s32 s3, s5;
	[dreg:$0x0] =	wrdreg $0x0  }
0xa8: {  	s5 =	sshll.u32 s28, $0x1;
	[dreg:$0x2] =	wrdreg s3  }
0xa9: {  	[dreg:$0x3] =	wrdreg s5  }
0xaa: {  	[dreg:$0x4] =	wrdreg $0xC0  }
0xab: {  	_ =	task [dreg:s7], $0x5FFFF  }
0xac: {  	[dreg:$0x1] =	wrdreg $0xFFFFFFFF  }
0xad: {  	[dreg:$0x0] =	wrdreg $0x60  }
0xae: {  	[dreg:$0x2] =	wrdreg s24  }
0xaf: {  	[dreg:$0x3] =	wrdreg s2  }
0xb0: {  	[dreg:$0x4] =	wrdreg $0x5FA00  }
0xb1: {  	[dreg:$0x5] =	wrdreg $0x9  }
0xb2: {  	_ =	task.clear_ibuf [dreg:s7], $0x6FFFF;
	_ =	strace $0x9000004C  }
0xb3: {  	s29 =	simm.s32 $0x9;
	_ =	strace $0x8000004E  }
0xb4: {  	_ =	swait.ge [sflag:s29], $0x1  }
0xb5: {  	[sflag:s29] =	ssyncadd.s32 $0xFFFFFFFF  }
0xb6: {  	_ =	strace $0x9000004E  }
0xb7: {  	_ =	sfence  }
0xb8: {  	s30 =	sld [smem:$0x0];
	_ =	sdelay $0x2  }
0xb9: {  	s31 =	sshll.u32 s1, $0xD;
	s1 =	sshrl.u32 s1, $0x2  }
0xba: {  	s3 =	sand.u32 $0x4000, s31;
	s1 =	sadd.s32 s1, s30  }
0xbb: {  	s0 =	sor.u32 s3, s0;
	s1 =	sshll.u32 s1, $0x11  }
0xbc: {  	s0 =	sor.u32 s1, s0  }
0xbd: {  	s0 =	sadd.s32 $0x8F2B, s0  }
0xbe: {  	[sflag:s0] =	ssyncadd.remote.s32 $0x1  }
0xbf: {  	_ =	sfence.sel $0xFFFF  }
0xc0: {  	[dreg:$0x0] =	wrdreg $0xFFFFFFFF;
	(pc) =	sbr.abs _section_cstart, $3  }
0xc1: {  	[dreg:$0x1] =	wrdreg $0xFFFFFFFF  }
0xc2: {  	_ =	task.clear_ibuf [dreg:s7], $0x2FFFF;
	_ =	strace $0x9FFFFFFF  }
0xc3: {  	(tm) =	ssettm $0x7FFFFFFF  }
tec
execute0_lowered:
.L_overlay_start_1:
0x0: {  	(tag) =	ssettag $0x1  }
0x1: {  	s0 =	rddreg [dreg:$0x0]  }
0x2: {  	s3 =	rddreg [dreg:$0x2]  }
0x3: {  	s1 =	srdreg.scid;
	s12 =	stileid.u32  }
0x4: {  	s4 =	simm.s32 $0x0;
	s13 =	simm.s32 $0x3;
	s28 =	simm.s32 $0x50A0  }
0x5: {  	s29 =	simm.s32 $0x460;
	s30 =	simm.s32 $0x55A0;
	s31 =	simm.s32 $0x1  }
0x6: {  	s1 =	sand.u32 $0x1, s1;
	s2 =	smul.u32 $0x2800, s12;
	[smem:$0x7FF] =	sst s4  }
0x7: {  	s5 =	sadd.s32 $0x17400, s0;
	s6 =	sadd.s32 $0xD600, s0;
	s7 =	sadd.s32 $0x3800, s0  }
0x8: {  	s11 =	smul.u32 $0xA000, s12;
	s21 =	sshll.u32 s12, $0x1;
	s22 =	sshll.u32 s12, $0x6  }
0x9: {  	s12 =	simm.s32 $0x0;
	s8 =	smul.u32 $0x28000, s1;
	_ =	strace $0x8000004D  }
0xa: {  	s9 =	ssub.s32 $0x2, s1;
	s1 =	sor.u32 s1, s21;
	s18 =	sor.u32 $0x1C03, s22  }
0xb: {  	s10 =	sshrl.u32 s9, $0x1;
	s23 =	sshrl.u32 s11, $0x2;
	[dreg:$0x4] =	wrdreg s18  }
0xc: {  	s8 =	sadd.s32 s2, s8;
	s20 =	ssub.s32 s9, s10;
	s2 =	sadd.s32 s2, s3  }
0xd: {  	s24 =	sadd.s32 s23, s3;
	s9 =	smul.u32 $0x2710, s1;
	s1 =	simm.s32 $0x5AA0  }
0xe: {  	s8 =	sshrl.u32 s8, $0x3;
	s10 =	sadd.s32 $0x500, s24;
	s25 =	sadd.s32 $0xA00, s24  }
0xf: {  	s26 =	sadd.s32 $0xF00, s24;
	s14 =	sadd.s32 $0x1400, s24;
	s19 =	smax.u32 s20, $0x1  }
0x10: {  	s15 =	sadd.s32 $0x1900, s24;
	[dreg:$0x6] =	wrdreg s19;
	s20 =	sshrl.u32 s10, $0x3  }
0x11: {  	s16 =	sadd.s32 $0x1E00, s24;
	s21 =	sshrl.u32 s25, $0x3;
	[dreg:$0x8] =	wrdreg s20  }
0x12: {  	s17 =	sadd.s32 $0x2300, s24;
	s22 =	sshrl.u32 s26, $0x3;
	[dreg:$0x9] =	wrdreg s21  }
0x13: {  	s0 =	sadd.s32 s8, s0;
	s23 =	sshrl.u32 s14, $0x3;
	[dreg:$0xa] =	wrdreg s22  }
0x14: {  	s19 =	sshrl.u32 s2, $0x3;
	s24 =	sshrl.u32 s15, $0x3;
	[dreg:$0xb] =	wrdreg s23  }
0x15: {  	s25 =	sshrl.u32 s16, $0x3;
	s26 =	sshrl.u32 s17, $0x3;
	[dreg:$0xc] =	wrdreg s24  }
0x16: {  	s2 =	simm.s32 $0x370;
	s8 =	simm.s32 $0x46A0;
	[dreg:$0xd] =	wrdreg s25  }
0x17: {  	s10 =	simm.s32 $0x2;
	s0 =	sadd.s32 $0x1C400, s0;
	[dreg:$0xe] =	wrdreg s26  }
0x18: {  	s21 =	simm.s32 $0x7D0;
	s22 =	simm.s32 $0x50;
	s23 =	simm.s32 $0xFA0  }
0x19: {  	s24 =	simm.s32 $0x3C0;
	s25 =	simm.s32 $0x4BA0;
	[dreg:$0x7] =	wrdreg s19  }
0x1a: {  	s26 =	simm.s32 $0x410;
	[dreg:$0x5] =	wrdreg s0;
	s0 =	simm.s32 $0x4B0  }
.LBB2_1:
0x1b: {  	[dreg:$0xf] =	wrdreg s12  }
0x1c: {  	s11 =	rddreg [dreg:$0x1]  }
0x1d: {  	[spmem:s19], [sflag:s18] =	dma.local [hbm:s11], $0xA0  }
0x1e: {  	_ =	swait.ge [sflag:s13], $0xA0  }
0x1f: {  	[sflag:s13] =	ssyncset.done $0x0  }
0x20: {  	s20 =	rddreg [dreg:$0x8];
	[sflag:s13] =	ssyncadd.s32 $0xFFFFFF60  }
0x21: {  	[spmem:s20], [sflag:s18] =	dma.local [hbm:s11], $0xA0  }
0x22: {  	_ =	swait.ge [sflag:s13], $0xA0  }
0x23: {  	[sflag:s13] =	ssyncset.done $0x0  }
0x24: {  	s14 =	rddreg [dreg:$0x9];
	[sflag:s13] =	ssyncadd.s32 $0xFFFFFF60  }
0x25: {  	[spmem:s14], [sflag:s18] =	dma.local [hbm:s11], $0xA0  }
0x26: {  	_ =	swait.ge [sflag:s13], $0xA0  }
0x27: {  	[sflag:s13] =	ssyncset.done $0x0  }
0x28: {  	s15 =	rddreg [dreg:$0xa];
	[sflag:s13] =	ssyncadd.s32 $0xFFFFFF60  }
0x29: {  	[spmem:s15], [sflag:s18] =	dma.local [hbm:s11], $0xA0  }
0x2a: {  	_ =	swait.ge [sflag:s13], $0xA0  }
0x2b: {  	[sflag:s13] =	ssyncset.done $0x0  }
0x2c: {  	s16 =	rddreg [dreg:$0xb];
	[sflag:s13] =	ssyncadd.s32 $0xFFFFFF60  }
0x2d: {  	[spmem:s16], [sflag:s18] =	dma.local [hbm:s11], $0xA0  }
0x2e: {  	_ =	swait.ge [sflag:s13], $0xA0  }
0x2f: {  	[sflag:s13] =	ssyncset.done $0x0  }
0x30: {  	s17 =	rddreg [dreg:$0xc];
	[sflag:s13] =	ssyncadd.s32 $0xFFFFFF60  }
0x31: {  	[spmem:s17], [sflag:s18] =	dma.local [hbm:s11], $0xA0  }
0x32: {  	_ =	swait.ge [sflag:s13], $0xA0  }
0x33: {  	[sflag:s13] =	ssyncset.done $0x0  }
0x34: {  	s19 =	rddreg [dreg:$0xd];
	[sflag:s13] =	ssyncadd.s32 $0xFFFFFF60  }
0x35: {  	[spmem:s19], [sflag:s18] =	dma.local [hbm:s11], $0xA0  }
0x36: {  	_ =	swait.ge [sflag:s13], $0xA0  }
0x37: {  	[sflag:s13] =	ssyncset.done $0x0  }
0x38: {  	s20 =	rddreg [dreg:$0xe];
	[sflag:s13] =	ssyncadd.s32 $0xFFFFFF60  }
0x39: {  	[spmem:s20], [sflag:s18] =	dma.local [hbm:s11], $0xA0  }
0x3a: {  	_ =	swait.ge [sflag:s13], $0xA0  }
0x3b: {  	[sflag:s13] =	ssyncset.done $0x0  }
0x3c: {  	[sflag:s13] =	ssyncadd.s32 $0xFFFFFF60  }
0x3d: {  	s11 =	simm.s32 $0x0;
	[bflag:$0x0] =	sbarrier.arrive $0xFFFF  }
.LBB2_2:
0x3e: {  	s14 =	smul.u32 $0x7D0, s11;
	_ =	sdelay $0x1  }
0x3f: {  	s14 =	sadd.s32 s9, s14  }
0x40: {  	s14 =	sshrl.u32 s14, $0x3  }
0x41: {  	s15 =	sadd.s32 s6, s14  }
0x42: {  	[tilespmem:s4], [sflag:$0x3] =	stream.linear.gather [hbm4b:s15+s4], $0x7D0, $0x38;
	[tilespmem:$0x87A0] =	vst v63  }
0x43: {  	_ =	swait.ge [sflag:s13], $0x7D0  }
0x44: {  	[sflag:s13] =	ssyncset.done $0x0  }
0x45: {  	s14 =	sadd.s32 s7, s14;
	[sflag:s13] =	ssyncadd.s32 $0xFFFFF830  }
0x46: {  	[tilespmem:s21], [sflag:$0x3] =	stream.linear.gather [hbm4b:s14+s4], $0x7D0, $0x38;
	[tilespmem:$0x87A0] =	vst v63  }
0x47: {  	_ =	swait.ge [sflag:s13], $0x7D0  }
0x48: {  	[sflag:s13] =	ssyncset.done $0x0  }
0x49: {  	[sflag:s13] =	ssyncadd.s32 $0xFFFFF830  }
0x4a: {  	[tilespmem:s23], [sflag:$0x1] =	stream.indirect.gather [hbm4b:s5+s22], $0x10, s4, s22, $0xb8;
	[tilespmem:$0x87A0] =	vst v63  }
0x4b: {  	s12 =	simm.s32 $0x14A0  }
0x4c: {  	[tilespmem:s12], [sflag:$0x1] =	stream.indirect.gather [hbm4b:s5+s22], $0x10, s22, s22, $0xb8;
	[tilespmem:$0x87A0] =	vst v63  }
0x4d: {  	s16 =	simm.s32 $0x19A0;
	s15 =	simm.s32 $0xA0  }
0x4e: {  	[tilespmem:s16], [sflag:$0x1] =	stream.indirect.gather [hbm4b:s5+s22], $0x10, s15, s22, $0xb8;
	[tilespmem:$0x87A0] =	vst v63  }
0x4f: {  	s17 =	simm.s32 $0xF0;
	s18 =	simm.s32 $0x1EA0  }
0x50: {  	[tilespmem:s18], [sflag:$0x1] =	stream.indirect.gather [hbm4b:s5+s22], $0x10, s17, s22, $0xb8;
	[tilespmem:$0x87A0] =	vst v63  }
0x51: {  	s19 =	simm.s32 $0x140;
	s20 =	simm.s32 $0x23A0  }
0x52: {  	[tilespmem:s20], [sflag:$0x1] =	stream.indirect.gather [hbm4b:s5+s22], $0x10, s19, s22, $0xb8;
	[tilespmem:$0x87A0] =	vst v63  }
0x53: {  	s15 =	simm.s32 $0x190;
	s16 =	simm.s32 $0x28A0  }
0x54: {  	[tilespmem:s16], [sflag:$0x1] =	stream.indirect.gather [hbm4b:s5+s22], $0x10, s15, s22, $0xb8;
	[tilespmem:$0x87A0] =	vst v63  }
0x55: {  	s17 =	simm.s32 $0x1E0;
	s18 =	simm.s32 $0x2DA0  }
0x56: {  	[tilespmem:s18], [sflag:$0x1] =	stream.indirect.gather [hbm4b:s5+s22], $0x10, s17, s22, $0xb8;
	[tilespmem:$0x87A0] =	vst v63  }
0x57: {  	s19 =	simm.s32 $0x230;
	s20 =	simm.s32 $0x32A0  }
0x58: {  	[tilespmem:s20], [sflag:$0x1] =	stream.indirect.gather [hbm4b:s5+s22], $0x10, s19, s22, $0xb8;
	[tilespmem:$0x87A0] =	vst v63  }
0x59: {  	s14 =	simm.s32 $0x280;
	s15 =	simm.s32 $0x37A0  }
0x5a: {  	[tilespmem:s15], [sflag:$0x1] =	stream.indirect.gather [hbm4b:s5+s22], $0x10, s14, s22, $0xb8;
	[tilespmem:$0x87A0] =	vst v63  }
0x5b: {  	s16 =	simm.s32 $0x2D0;
	s17 =	simm.s32 $0x3CA0  }
0x5c: {  	[tilespmem:s17], [sflag:$0x1] =	stream.indirect.gather [hbm4b:s5+s22], $0x10, s16, s22, $0xb8;
	[tilespmem:$0x87A0] =	vst v63  }
0x5d: {  	s18 =	simm.s32 $0x320;
	s19 =	simm.s32 $0x41A0  }
0x5e: {  	[tilespmem:s19], [sflag:$0x1] =	stream.indirect.gather [hbm4b:s5+s22], $0x10, s18, s22, $0xb8;
	[tilespmem:$0x87A0] =	vst v63  }
0x5f: {  	_ = 	snop  }
0x60: {  	[tilespmem:s8], [sflag:$0x1] =	stream.indirect.gather [hbm4b:s5+s22], $0x10, s2, s22, $0xb8;
	[tilespmem:$0x87A0] =	vst v63  }
0x61: {  	_ = 	snop  }
0x62: {  	[tilespmem:s25], [sflag:$0x1] =	stream.indirect.gather [hbm4b:s5+s22], $0x10, s24, s22, $0xb8;
	[tilespmem:$0x87A0] =	vst v63  }
0x63: {  	_ = 	snop  }
0x64: {  	[tilespmem:s28], [sflag:$0x1] =	stream.indirect.gather [hbm4b:s5+s22], $0x10, s26, s22, $0xb8;
	[tilespmem:$0x87A0] =	vst v63  }
0x65: {  	_ = 	snop  }
0x66: {  	[tilespmem:s30], [sflag:$0x1] =	stream.indirect.gather [hbm4b:s5+s22], $0x10, s29, s22, $0xb8;
	[tilespmem:$0x87A0] =	vst v63  }
0x67: {  	_ =	swait.ge [sflag:s31], $0x500  }
0x68: {  	s20 =	simm.s32 $0x1;
	[sflag:s31] =	ssyncset.done $0x0  }
0x69: {  	s14 =	sand.u32 $0xF, s20;
	[sflag:s31] =	ssyncadd.s32 $0xFFFFFB00  }
0x6a: {  	[spmem:s3] =	stream.indirect.scatter.add.f32 [tilespmem:s23], [sflag:$0x2], $0x10, s21, s22, $0xb8;
	[tilespmem:$0x87A0] =	vst v63  }
0x6b: {  	p0 =	por $0x0, $0x0;
	s16 =	smul.u32 $0x1400, s14  }
0x6c: {  	[tilespmem:s1], [sflag:$0x1] =	stream.indirect.gather [hbm4b:s5+s22], $0x10, s0, s22, $0xb8;
	[tilespmem:$0x87A0] =	vst v63  }
0x6d: {  	s15 =	simm.s32 $0x10;
	s17 =	simm.s32 $0x820;
	_ =	swait.ge [sflag:s31], $0x500  }
0x6e: {  	s16 =	sshrl.u32 s16, $0x2;
	s18 =	sand.u32 @!p0 $0xF, s15;
	[sflag:s31] =	ssyncset.done $0x0  }
0x6f: {  	s16 =	sadd.s32 $0xFA0, s16;
	s18 =	smul.u32 @!p0 $0x1400, s18;
	[sflag:s31] =	ssyncadd.s32 $0xFFFFFB00  }
0x70: {  	[spmem:s3] =	stream.indirect.scatter.add.f32 [tilespmem:s16], [sflag:$0x2], $0x10, s17, s22, $0xb8;
	[tilespmem:$0x87A0] =	vst v63  }
0x71: {  	s14 =	simm.s32 $0x500;
	s15 =	simm.s32 $0x11;
	_ =	swait.ge [sflag:s10], $0x500  }
0x72: {  	s19 =	sshrl.u32 @!p0 s18, $0x2;
	s18 =	simm.s32 @!p0 $0x50;
	[sflag:s10] =	ssyncset.done $0x0  }
0x73: {  	s16 =	simm.s32 $0x550;
	s17 =	simm.s32 $0x870;
	[sflag:s10] =	ssyncadd.s32 $0xFFFFFB00  }
.LBB2_3:
0x74: {  	s20 =	sadd.s32 $0xFFFFFFF1, s15  }
0x75: {  	s19 =	sadd.s32 @!p0 $0xFA0, s19;
	s12 =	smov.u32 s15;
	s15 =	sadd.s32 $0x1, s15  }
0x76: {  	[tilespmem:s19], [sflag:$0x1] =	stream.indirect.gather @!p0 [hbm4b:s5+s18], $0x10, s14, s18, $0xb8;
	[tilespmem:$0x87A0] =	vst v63  }
0x77: {  	s18 =	sand.u32 $0xF, s20;
	p1 =	sne.s32 s15, $0x28;
	s14 =	smov.u32 s16  }
0x78: {  	s18 =	smul.u32 $0x1400, s18  }
0x79: {  	p0 =	sgt.u32 s20, $0x9;
	_ =	swait.ge [sflag:s31], $0x500  }
0x7a: {  	s12 =	sand.u32 @!p0 $0xF, s12;
	s18 =	sshrl.u32 s18, $0x2;
	[sflag:s31] =	ssyncset.done $0x0  }
.Ltmp0:
0x7b: {  	s18 =	sadd.s32 $0xFA0, s18;
	[sflag:s31] =	ssyncadd.s32 $0xFFFFFB00;
	(pc) =	sbr.rel @p1 .LBB2_3-.Ltmp0, $4  }
0x7c: {  	[spmem:s3] =	stream.indirect.scatter.add.f32 [tilespmem:s18], [sflag:$0x2], $0x10, s17, s22, $0xb8;
	[tilespmem:$0x87A0] =	vst v63  }
0x7d: {  	s12 =	smul.u32 @!p0 $0x1400, s12;
	_ =	swait.ge [sflag:s10], $0x500  }
0x7e: {  	s16 =	sadd.s32 $0x50, s16;
	s17 =	sadd.s32 $0x50, s17;
	[sflag:s10] =	ssyncset.done $0x0  }
0x7f: {  	s19 =	sshrl.u32 @!p0 s12, $0x2;
	s18 =	simm.s32 @!p0 $0x50;
	[sflag:s10] =	ssyncadd.s32 $0xFFFFFB00  }
0x80: {  	s12 =	sadd.s32 @!p0 $0xFA0, s19;
	s11 =	sadd.s32 $0x1, s11  }
0x81: {  	[tilespmem:s12], [sflag:$0x1] =	stream.indirect.gather @!p0 [hbm4b:s5+s18], $0x10, s14, s18, $0xb8;
	[tilespmem:$0x87A0] =	vst v63  }
0x82: {  	p0 =	sne.s32 s11, $0x5  }
.Ltmp1:
0x83: {  	_ = 	snop;
	(pc) =	sbr.rel @p0 .LBB2_2-.Ltmp1, $4  }
0x84: {  	_ = 	snop  }
0x85: {  	_ =	swait.ge [sflag:s10], $0x500  }
0x86: {  	[sflag:s10] =	ssyncset.done $0x0  }
0x87: {  	[sflag:s10] =	ssyncadd.s32 $0xFFFFFB00  }
0x88: {  	[bflag:$0x0] =	sbarrier.arrive $0xFFFF  }
0x89: {  	s18 =	rddreg [dreg:$0x4]  }
0x8a: {  	s11 =	rddreg [dreg:$0x5]  }
0x8b: {  	s19 =	rddreg [dreg:$0x7]  }
0x8c: {  	[hbm:s11], [sflag:s18] =	dma.local [spmem:s19], $0x500  }
0x8d: {  	_ =	swait.ge [sflag:s13], $0x500  }
0x8e: {  	s12 =	rddreg [dreg:$0xf]  }
0x8f: {  	s20 =	rddreg [dreg:$0x6];
	s12 =	sadd.s32 $0x1, s12  }
0x90: {  	p0 =	sne.s32 s12, s20  }
.Ltmp2:
0x91: {  	_ = 	snop;
	(pc) =	sbr.rel @p0 .LBB2_1-.Ltmp2, $3  }
0x92: {  	_ =	sdelay $0x1  }
0x93: {  	[sflag:s13] =	ssyncset.done $0x0  }
0x94: {  	[sflag:s13] =	ssyncadd.s32 $0xFFFFFB00  }
0x95: {  	_ =	sfence.sel $0x180000  }
0x96: {  	[bflag:$0x0] =	sbarrier.arrive $0xFFFF  }
0x97: {  	_ =	strace $0x9000004D  }
0x98: {  	s0 =	stileid.u32;
	[bflag:$0x2] =	sbarrier.arrive $0xFFFF  }
0x99: {  	p0 =	sne.s32 s0, $0x0;
	s0 =	rddreg [dreg:$0x3]  }
0x9a: {  	s0 =	sadd.s32 @!p0 $0x100000, s0  }
0x9b: {  	[sflag:s0] =	ssyncadd.tile.s32 @!p0 $0x1;
	_ =	shalt  }
.Lfunc_end2:
_tile_overlayer_lowered:
.L_overlay_start_2:
0x9c: {  	(tag) =	ssettag $0x2  }
0x9d: {  	s0 =	rddreg [dreg:$0x0];
	s2 =	stileid.u32  }
0x9e: {  	s1 =	rddreg [dreg:$0x1];
	p0 =	sne.s32 s2, $0x0  }
0x9f: {  	s3 =	rddreg [dreg:$0x2];
	[bflag:$0x3] =	sbarrier.arrive $0xFFFF;
	s2 =	simm.s32 @!p0 $0x1C03  }
0xa0: {  	[timem:s3], [sflag:s2] =	dma.local @!p0 [hbm:s0], s1  }
0xa1: {  	s0 =	simm.s32 @!p0 $0x3  }
0xa2: {  	_ =	swait.ge @!p0 [sflag:s0], s1  }
0xa3: {  	s1 =	ssub.s32 @!p0 $0x0, s1;
	[sflag:s0] =	ssyncset.done @!p0 $0x0  }
0xa4: {  	[sflag:s0] =	ssyncadd.s32 @!p0 s1  }
0xa5: {  	[bflag:$0x3] =	sbarrier.arrive $0xFFFF  }
0xa6: {  	_ =	shalt  }

// kernel: kernel.8.cloned.1.call-start
scs
__scs_entry_jumppad:
0x0: {  	(pc) =	sbr.rel $0x88, $3  }
0x1: {  	(tag) =	ssettag $0x0;
	lr =	simm.s32 $0x1  }
0x2: {  	[smem:$0x3F92] =	sst lr;
	_ =	strace $0xD0000000  }
0x3: {  	_ = 	snop  }
0x4: {  	_ = 	snop  }
0x5: {  	_ = 	snop  }
0x6: {  	_ = 	snop  }
0x7: {  	_ = 	snop  }
__scs_overlays_trampoline_lowered:
0x8: {  	[smem:$0x3FA1] =	sst s0  }
0x9: {  	[smem:$0x3FA2] =	sst s1  }
0xa: {  	[smem:$0x3FA3] =	sst s2  }
0xb: {  	[smem:$0x3FA4] =	sst s3  }
0xc: {  	[smem:$0x3FA5] =	sst s4  }
0xd: {  	[smem:$0x3FA6] =	sst s5  }
0xe: {  	[smem:$0x3FA7] =	sst s6  }
0xf: {  	[smem:$0x3FA8] =	sst s7  }
0x10: {  	[smem:$0x3FA9] =	sst s8  }
0x11: {  	[smem:$0x3FAA] =	sst s9;
	s0 =	simm.s32 @!p0 $0x0  }
0x12: {  	s1 =	sld [smem:$0x3F90];
	s0 =	simm.s32 @p0 $0x1  }
0x13: {  	[smem:$0x3FAB] =	sst s0;
	s0 =	simm.s32 @!p1 $0x0  }
0x14: {  	s2 =	sld [smem:$0x3F8F];
	s0 =	simm.s32 @p1 $0x1  }
0x15: {  	[smem:$0x3FAC] =	sst s0;
	s0 =	simm.s32 @!p2 $0x0  }
0x16: {  	s3 =	sld [smem:$0x3FDB];
	s0 =	simm.s32 @p2 $0x1  }
0x17: {  	s4 =	simm.s32 $0x1BF5;
	[smem:$0x3FAE] =	sst s0  }
0x18: {  	s0 =	sld [smem:$0x3F91];
	_ =	swait.ge [sflag:s4], $0x0  }
0x19: {  	s7 =	sld [smem:$0x3F92]  }
0x1a: {  	s8 =	sadd.s32 $0xFFFFE003, lr  }
0x1b: {  	s9 =	sadd.s32 $0xFFFFFEF7, lr;
	s5 =	simm.s32 $0xFFFFFFFF;
	p2 =	slt.u32 s8, $0xFFFFF086  }
0x1c: {  	p1 =	slt.u32 s9, $0xF7A;
	s5 =	simm.s32 @!p2 $0x0  }
0x1d: {  	s5 =	simm.s32 @p1 $0x1;
	p0 =	seq.s32 s7, s2  }
0x1e: {  	s7 =	smul.u32 @!p0 $0xF7A, s2;
	p2 =	seq.s32 @!p0 s5, $0x0  }
0x1f: {  	s9 =	smul.u32 $0xF7A, s1;
	s8 =	simm.s32 @!p0 $0x1BF5;
	p2 =	por !p2, p0  }
0x20: {  	[sflag:s8] =	ssyncset.s32 @!p0 $0xFFFFF086;
	s6 =	sadd.s32 @!p0 s3, s7;
	s7 =	simm.s32 @!p0 $0x108  }
0x21: {  	s3 =	sadd.s32 s3, s9;
	s6 =	sadd.s32 @!p0 $0x88, s6;
	s7 =	simm.s32 @p2 $0x1082  }
0x22: {  	[simem:s7], [sflag:s8] =	dma.local @!p0 [hbm:s6], $0xF7A  }
0x23: {  	s9 =	sor.u32 $0xD0000000, s2;
	s6 =	simm.s32 $0x108;
	_ =	swait.ge @!p0 [sflag:s8], $0x0  }
0x24: {  	s3 =	sadd.s32 $0x88, s3;
	s6 =	simm.s32 @!p1 $0x1082;
	[sflag:s4] =	ssyncset.s32 $0xFFFFF086  }
0x25: {  	[simem:s6], [sflag:s4] =	dma.local [hbm:s3], $0xF7A  }
0x26: {  	[smem:$0x3F92] =	sst s1;
	(tag) =	ssettag s2;
	_ =	strace s9  }
0x27: {  	s1 =	sld [smem:$0x3FA2]  }
0x28: {  	s2 =	sld [smem:$0x3FA3]  }
0x29: {  	s4 =	sld [smem:$0x3FA5]  }
0x2a: {  	p0 =	seq.s32 s5, $0x0;
	s5 =	sld [smem:$0x3FA6]  }
0x2b: {  	s6 =	sld [smem:$0x3FA7]  }
0x2c: {  	s7 =	sld [smem:$0x3FA8]  }
0x2d: {  	s3 =	simm.s32 $0x108;
	s8 =	sld [smem:$0x3FA9]  }
0x2e: {  	s3 =	simm.s32 @!p0 $0x1082;
	s9 =	sld [smem:$0x3FAA]  }
0x2f: {  	lr =	sadd.s32 s0, s3;
	s0 =	sld [smem:$0x3FA1]  }
0x30: {  	s3 =	sld [smem:$0x3FA4]  }
0x31: {  	[smem:$0x3FAD] =	sst s10  }
0x32: {  	s10 =	sld [smem:$0x3FAB];
	_ =	sdelay $0x3  }
0x33: {  	p0 =	seq.s32 s10, $0x1;
	s10 =	sld [smem:$0x3FAD];
	_ =	sdelay $0x3  }
0x34: {  	[smem:$0x3FAD] =	sst s10  }
0x35: {  	s10 =	sld [smem:$0x3FAC];
	_ =	sdelay $0x3  }
0x36: {  	p1 =	seq.s32 s10, $0x1;
	s10 =	sld [smem:$0x3FAD];
	_ =	sdelay $0x3  }
0x37: {  	[smem:$0x3FAD] =	sst s10  }
0x38: {  	s10 =	sld [smem:$0x3FAE]  }
0x39: {  	_ = 	snop;
	(pc) =	sbr.ind lr, $3  }
0x3a: {  	_ = 	snop  }
0x3b: {  	_ = 	snop  }
0x3c: {  	p2 =	seq.s32 s10, $0x1;
	s10 =	sld [smem:$0x3FAD]  }
0x3d: {  	_ =	shalt  }
0x3e: {  	_ =	shalt  }
0x3f: {  	_ =	shalt  }
0x40: {  	_ =	shalt  }
0x41: {  	_ =	shalt  }
0x42: {  	_ =	shalt  }
0x43: {  	_ =	shalt  }
0x44: {  	_ =	shalt  }
0x45: {  	_ =	shalt  }
0x46: {  	_ =	shalt  }
0x47: {  	_ =	shalt  }
0x48: {  	_ =	shalt  }
0x49: {  	_ =	shalt  }
0x4a: {  	_ =	shalt  }
0x4b: {  	_ =	shalt  }
0x4c: {  	_ =	shalt  }
0x4d: {  	_ =	shalt  }
0x4e: {  	_ =	shalt  }
0x4f: {  	_ =	shalt  }
0x50: {  	_ =	shalt  }
0x51: {  	_ =	shalt  }
0x52: {  	_ =	shalt  }
0x53: {  	_ =	shalt  }
0x54: {  	_ =	shalt  }
0x55: {  	_ =	shalt  }
0x56: {  	_ =	shalt  }
0x57: {  	_ =	shalt  }
0x58: {  	_ =	shalt  }
0x59: {  	_ =	shalt  }
0x5a: {  	_ =	shalt  }
0x5b: {  	_ =	shalt  }
0x5c: {  	_ =	shalt  }
0x5d: {  	_ =	shalt  }
0x5e: {  	_ =	shalt  }
0x5f: {  	_ =	shalt  }
0x60: {  	_ =	shalt  }
0x61: {  	_ =	shalt  }
0x62: {  	_ =	shalt  }
0x63: {  	_ =	shalt  }
0x64: {  	_ =	shalt  }
0x65: {  	_ =	shalt  }
0x66: {  	_ =	shalt  }
0x67: {  	_ =	shalt  }
0x68: {  	_ =	shalt  }
0x69: {  	_ =	shalt  }
0x6a: {  	_ =	shalt  }
0x6b: {  	_ =	shalt  }
0x6c: {  	_ =	shalt  }
0x6d: {  	_ =	shalt  }
0x6e: {  	_ =	shalt  }
0x6f: {  	_ =	shalt  }
0x70: {  	_ =	shalt  }
0x71: {  	_ =	shalt  }
0x72: {  	_ =	shalt  }
0x73: {  	_ =	shalt  }
0x74: {  	_ =	shalt  }
0x75: {  	_ =	shalt  }
0x76: {  	_ =	shalt  }
0x77: {  	_ =	shalt  }
0x78: {  	_ =	shalt  }
0x79: {  	_ =	shalt  }
0x7a: {  	_ =	shalt  }
0x7b: {  	_ =	shalt  }
0x7c: {  	_ =	shalt  }
0x7d: {  	_ =	shalt  }
0x7e: {  	_ =	shalt  }
0x7f: {  	_ =	shalt  }
0x80: {  	_ =	shalt  }
0x81: {  	_ =	shalt  }
0x82: {  	_ =	shalt  }
0x83: {  	_ =	shalt  }
0x84: {  	_ =	shalt  }
0x85: {  	_ =	shalt  }
0x86: {  	_ =	shalt  }
0x87: {  	_ =	shalt  }
.Lfunc_end0:
.L_simem_size_0:
called_computation_lowered:
.L_overlay_start_0:
0x88: {  	s2 =	sld [smem:$0x3FD9]  }
0x89: {  	s3 =	sld [smem:$0x3FFE];
	_ =	sdelay $0x1  }
0x8a: {  	s1 =	srdreg.scid  }
0x8b: {  	s0 =	sand.u32 $0x1, s1  }
0x8c: {  	s17 =	sshll.u32 s0, $0xA;
	s2 =	sadd.s32 s3, s2  }
0x8d: {  	s2 =	sadd.s32 s2, s17  }
0x8e: {  	[smem:$0x3FB9] =	sst s2  }
0x8f: {  	_ = 	snop  }
0x90: {  	s2 =	sld [smem:$0x3FD0];
	(tm) =	ssettm $0x1  }
0x91: {  	s18 =	sld [smem:$0x3FFB];
	_ =	sdelay $0x3  }
0x92: {  	_ =	strace s18  }
0x93: {  	s3 =	sld [smem:$0x3FFC];
	_ =	sdelay $0x3  }
0x94: {  	_ =	strace s3  }
0x95: {  	s3 =	sld [smem:$0x3FFD];
	_ =	sdelay $0x3  }
0x96: {  	_ =	strace s3  }
0x97: {  	_ =	strace $0x8FFFFFFF  }
0x98: {  	s19 =	sld [smem:$0x3FDB];
	_ =	sdelay $0x1  }
0x99: {  	s4 =	simm.s32 $_scs_section_size  }
0x9a: {  	s5 =	simm.s32 $_size__tile_overlayer_lowered;
	s6 =	simm.s32 $_tile_overlayer_lowered  }
0x9b: {  	s22 =	simm.s32 $0x1BFF;
	s21 =	sshll.u32 s6, $0x1;
	s3 =	sadd.s32 s4, s19  }
0x9c: {  	s7 =	simm.s32 $0x0;
	s20 =	sshll.u32 s5, $0x1;
	s5 =	sadd.s32 s21, s3  }
0x9d: {  	[timem:s7], [sflag:s22] =	dma.local [hbm:s5], s20  }
0x9e: {  	_ =	swait.ge [sflag:s22], s20  }
0x9f: {  	s4 =	ssub.s32 $0x0, s20;
	[sflag:s22] =	ssyncset.done $0x0  }
0xa0: {  	[sflag:s22] =	ssyncadd.s32 s4;
	_ =	sdelay $0x1  }
0xa1: {  	s23 =	simm.s32 $0x1B8B  }
0xa2: {  	_ =	swait.ge [sflag:s23], $0x1  }
0xa3: {  	[sflag:s23] =	ssyncset.done $0x0  }
0xa4: {  	s25 =	simm.s32 $0x1B8E;
	s24 =	sld [smem:$0x3FFE];
	[sflag:s23] =	ssyncadd.s32 $0xFFFFFFFF  }
0xa5: {  	s26 =	simm.s32 $execute0_lowered;
	[smem:$0x3FD2] =	sst s25  }
0xa6: {  	s5 =	sshll.u32 s26, $0x1;
	_ =	strace $0x80000046;
	[dreg:$0x1] =	wrdreg $0xFFFFFFFF  }
0xa7: {  	s28 =	simm.s32 $_size_execute0_lowered;
	s3 =	sadd.s32 s3, s5;
	[dreg:$0x0] =	wrdreg $0x0  }
0xa8: {  	s5 =	sshll.u32 s28, $0x1;
	[dreg:$0x2] =	wrdreg s3  }
0xa9: {  	[dreg:$0x3] =	wrdreg s5  }
0xaa: {  	[dreg:$0x4] =	wrdreg $0xC0  }
0xab: {  	_ =	task [dreg:s7], $0x5FFFF  }
0xac: {  	[dreg:$0x1] =	wrdreg $0xFFFFFFFF  }
0xad: {  	[dreg:$0x0] =	wrdreg $0x60  }
0xae: {  	[dreg:$0x2] =	wrdreg s24  }
0xaf: {  	[dreg:$0x3] =	wrdreg s2  }
0xb0: {  	[dreg:$0x4] =	wrdreg $0x98000  }
0xb1: {  	[dreg:$0x5] =	wrdreg $0x1D8800  }
0xb2: {  	[dreg:$0x6] =	wrdreg $0x9  }
0xb3: {  	_ =	task.clear_ibuf [dreg:s7], $0x7FFFF;
	_ =	strace $0x90000046  }
0xb4: {  	s29 =	simm.s32 $0x9;
	_ =	strace $0x80000048  }
0xb5: {  	_ =	swait.ge [sflag:s29], $0x1  }
0xb6: {  	[sflag:s29] =	ssyncadd.s32 $0xFFFFFFFF  }
0xb7: {  	_ =	strace $0x90000048  }
0xb8: {  	_ =	sfence  }
0xb9: {  	s30 =	sld [smem:$0x0];
	_ =	sdelay $0x2  }
0xba: {  	s31 =	sshll.u32 s1, $0xD;
	s1 =	sshrl.u32 s1, $0x2  }
0xbb: {  	s3 =	sand.u32 $0x4000, s31;
	s1 =	sadd.s32 s1, s30  }
0xbc: {  	s0 =	sor.u32 s3, s0;
	s1 =	sshll.u32 s1, $0x11  }
0xbd: {  	s0 =	sor.u32 s1, s0  }
0xbe: {  	s0 =	sadd.s32 $0x8F2B, s0  }
0xbf: {  	[sflag:s0] =	ssyncadd.remote.s32 $0x1  }
0xc0: {  	_ =	sfence.sel $0xFFFF  }
0xc1: {  	[dreg:$0x0] =	wrdreg $0xFFFFFFFF;
	(pc) =	sbr.abs _section_cstart, $3  }
0xc2: {  	[dreg:$0x1] =	wrdreg $0xFFFFFFFF  }
0xc3: {  	_ =	task.clear_ibuf [dreg:s7], $0x2FFFF;
	_ =	strace $0x9FFFFFFF  }
0xc4: {  	(tm) =	ssettm $0x7FFFFFFF  }
0xc5: {  	_ =	shalt  }
tec
execute0_lowered:
.L_overlay_start_1:
0x0: {  	(tag) =	ssettag $0x1  }
0x1: {  	s0 =	rddreg [dreg:$0x0]  }
0x2: {  	s3 =	rddreg [dreg:$0x1]  }
0x3: {  	s1 =	rddreg [dreg:$0x2]  }
0x4: {  	s2 =	rddreg [dreg:$0x3]  }
0x5: {  	s4 =	srdreg.scid;
	s19 =	stileid.u32  }
0x6: {  	s31 =	simm.s32 $0x4;
	s9 =	sand.u32 $0x1, s4;
	s10 =	smul.u32 $0x14000, s19  }
0x7: {  	s4 =	simm.s32 $0x0;
	s5 =	sadd.s32 $0x3F400, s0;
	s12 =	smul.u32 $0x50000, s19  }
0x8: {  	s6 =	sadd.s32 $0x17400, s0;
	s7 =	sadd.s32 $0x2B400, s0;
	s14 =	smul.u32 $0x280, s19  }
0x9: {  	s13 =	sshll.u32 s19, $0x1;
	s22 =	sshll.u32 s19, $0x6;
	s24 =	smul.u32 $0x500, s19  }
0xa: {  	s8 =	smul.u32 $0x140000, s9;
	[smem:$0x7FF] =	sst s4;
	s11 =	ssub.s32 $0x2, s9  }
0xb: {  	s13 =	sor.u32 s9, s13;
	s9 =	sshll.u32 s9, $0x7;
	_ =	strace $0x80000047  }
0xc: {  	s20 =	sshrl.u32 s11, $0x1;
	s12 =	sshrl.u32 s12, $0x2;
	s15 =	sor.u32 $0x50, s14  }
0xd: {  	s16 =	sadd.s32 $0xA0, s14;
	s19 =	sadd.s32 $0xF0, s14;
	s9 =	sor.u32 s9, s24  }
0xe: {  	s24 =	sadd.s32 $0x230, s14;
	s8 =	sadd.s32 s10, s8;
	s11 =	ssub.s32 s11, s20  }
0xf: {  	s21 =	sadd.s32 s12, s1;
	s23 =	sshll.u32 s15, $0x7;
	s17 =	sshll.u32 s16, $0x7  }
0x10: {  	s20 =	sadd.s32 $0x140, s14;
	s9 =	sshrl.u32 s9, $0x3;
	s12 =	sadd.s32 s14, s2  }
0x11: {  	s10 =	sshrl.u32 s8, $0x3;
	s8 =	sadd.s32 $0x67400, s0;
	[dreg:$0x5] =	wrdreg s21  }
0x12: {  	s18 =	sadd.s32 s23, s1;
	s17 =	sadd.s32 s17, s1;
	s21 =	sshll.u32 s19, $0x7  }
0x13: {  	s23 =	sadd.s32 $0x190, s14;
	s3 =	sadd.s32 s3, s9;
	s0 =	sadd.s32 s10, s0  }
0x14: {  	s10 =	sor.u32 $0x1C04, s22;
	s22 =	sshll.u32 s20, $0x7;
	s21 =	sadd.s32 s21, s1  }
0x15: {  	[dreg:$0x6] =	wrdreg s3;
	s3 =	sadd.s32 $0x1E0, s14;
	s25 =	sshll.u32 s23, $0x7  }
0x16: {  	s14 =	simm.s32 $0x1;
	s26 =	sshll.u32 s3, $0x7;
	s3 =	sadd.s32 s3, s2  }
0x17: {  	s22 =	sadd.s32 s22, s1;
	s0 =	sadd.s32 $0x67A00, s0;
	[dreg:$0xc] =	wrdreg s3  }
0x18: {  	s29 =	sadd.s32 s26, s1;
	s26 =	sadd.s32 s15, s2;
	[dreg:$0xe] =	wrdreg s0  }
0x19: {  	s9 =	sadd.s32 s25, s1;
	s15 =	sadd.s32 s16, s2;
	[dreg:$0x7] =	wrdreg s26  }
0x1a: {  	s25 =	sshll.u32 s24, $0x7;
	s16 =	sadd.s32 s19, s2;
	[dreg:$0x8] =	wrdreg s15  }
0x1b: {  	s30 =	sadd.s32 s25, s1;
	s19 =	sadd.s32 s20, s2;
	[dreg:$0x9] =	wrdreg s16  }
0x1c: {  	s20 =	sadd.s32 s23, s2;
	s23 =	sadd.s32 s24, s2;
	[dreg:$0xa] =	wrdreg s19  }
0x1d: {  	s24 =	smax.u32 s11, $0x1;
	s25 =	sshrl.u32 s18, $0x3;
	[dreg:$0xb] =	wrdreg s20  }
0x1e: {  	s28 =	sshrl.u32 s9, $0x3;
	s0 =	simm.s32 $0x1D800;
	[dreg:$0xd] =	wrdreg s23  }
0x1f: {  	s3 =	simm.s32 $0x50;
	s9 =	simm.s32 $0x2000;
	[dreg:$0xf] =	wrdreg s24  }
0x20: {  	s11 =	simm.s32 $0x80;
	s20 =	smul.u32 $0x5000, s13;
	[dreg:$0x10] =	wrdreg s25  }
0x21: {  	s26 =	sshrl.u32 s17, $0x3;
	s25 =	sshrl.u32 s21, $0x3;
	s29 =	sshrl.u32 s29, $0x3  }
0x22: {  	s30 =	sshrl.u32 s30, $0x3;
	s13 =	simm.s32 $0x4800;
	s15 =	simm.s32 $0x2  }
0x23: {  	v0 =	vimm.f32 $0.0e+00;
	v1 =	vimm.f32 $1.000000000e+00;
	s16 =	simm.s32 $0x3;
	[dreg:$0x11] =	wrdreg s26;
	s26 =	sshrl.u32 s22, $0x3  }
.LBB2_1:
0x24: {  	s17 =	rddreg [dreg:$0x5]  }
0x25: {  	s17 =	sshrl.u32 s17, $0x3  }
0x26: {  	[spmem:s17], [sflag:s10] =	dma.local [hbm:s8], $0x500  }
0x27: {  	_ =	swait.ge [sflag:s31], $0x500  }
0x28: {  	[sflag:s31] =	ssyncset.done $0x0  }
0x29: {  	s18 =	rddreg [dreg:$0x10];
	[sflag:s31] =	ssyncadd.s32 $0xFFFFFB00  }
0x2a: {  	[spmem:s18], [sflag:s10] =	dma.local [hbm:s8], $0x500  }
0x2b: {  	_ =	swait.ge [sflag:s31], $0x500  }
0x2c: {  	[sflag:s31] =	ssyncset.done $0x0  }
0x2d: {  	s22 =	rddreg [dreg:$0x11];
	[sflag:s31] =	ssyncadd.s32 $0xFFFFFB00  }
0x2e: {  	[spmem:s22], [sflag:s10] =	dma.local [hbm:s8], $0x500  }
0x2f: {  	_ =	swait.ge [sflag:s31], $0x500  }
0x30: {  	[sflag:s31] =	ssyncset.done $0x0  }
0x31: {  	[sflag:s31] =	ssyncadd.s32 $0xFFFFFB00  }
0x32: {  	[spmem:s25], [sflag:s10] =	dma.local [hbm:s8], $0x500  }
0x33: {  	_ =	swait.ge [sflag:s31], $0x500  }
0x34: {  	[sflag:s31] =	ssyncset.done $0x0  }
0x35: {  	[sflag:s31] =	ssyncadd.s32 $0xFFFFFB00  }
0x36: {  	[spmem:s26], [sflag:s10] =	dma.local [hbm:s8], $0x500  }
0x37: {  	_ =	swait.ge [sflag:s31], $0x500  }
0x38: {  	[sflag:s31] =	ssyncset.done $0x0  }
0x39: {  	[sflag:s31] =	ssyncadd.s32 $0xFFFFFB00  }
0x3a: {  	[spmem:s28], [sflag:s10] =	dma.local [hbm:s8], $0x500  }
0x3b: {  	_ =	swait.ge [sflag:s31], $0x500  }
0x3c: {  	[sflag:s31] =	ssyncset.done $0x0  }
0x3d: {  	[sflag:s31] =	ssyncadd.s32 $0xFFFFFB00  }
0x3e: {  	[spmem:s29], [sflag:s10] =	dma.local [hbm:s8], $0x500  }
0x3f: {  	_ =	swait.ge [sflag:s31], $0x500  }
0x40: {  	[sflag:s31] =	ssyncset.done $0x0  }
0x41: {  	[sflag:s31] =	ssyncadd.s32 $0xFFFFFB00  }
0x42: {  	[spmem:s30], [sflag:s10] =	dma.local [hbm:s8], $0x500  }
0x43: {  	_ =	swait.ge [sflag:s31], $0x500  }
0x44: {  	[sflag:s31] =	ssyncset.done $0x0  }
0x45: {  	[sflag:s31] =	ssyncadd.s32 $0xFFFFFB00  }
0x46: {  	[tilespmem:$0x1D800] =	vst v0  }
0x47: {  	[tilespmem:$0x1D810] =	vst v0  }
0x48: {  	[tilespmem:$0x1D820] =	vst v0  }
0x49: {  	[tilespmem:$0x1D830] =	vst v0  }
0x4a: {  	[tilespmem:$0x1D840] =	vst v0  }
0x4b: {  	[spmem:s12] =	stream.linear.scatter [tilespmem:s0], [sflag:$0x4], $0x50, $0x38;
	[tilespmem:$0x1DB00] =	vst v63  }
0x4c: {  	_ =	swait.ge [sflag:s31], $0x50  }
0x4d: {  	[sflag:s31] =	ssyncset.done $0x0  }
0x4e: {  	s23 =	rddreg [dreg:$0x7];
	[sflag:s31] =	ssyncadd.s32 $0xFFFFFFB0  }
0x4f: {  	[spmem:s23] =	stream.linear.scatter [tilespmem:s0], [sflag:$0x4], $0x50, $0x38;
	[tilespmem:$0x1DB00] =	vst v63  }
0x50: {  	_ =	swait.ge [sflag:s31], $0x50  }
0x51: {  	[sflag:s31] =	ssyncset.done $0x0  }
0x52: {  	s24 =	rddreg [dreg:$0x8];
	[sflag:s31] =	ssyncadd.s32 $0xFFFFFFB0  }
0x53: {  	[spmem:s24] =	stream.linear.scatter [tilespmem:s0], [sflag:$0x4], $0x50, $0x38;
	[tilespmem:$0x1DB00] =	vst v63  }
0x54: {  	_ =	swait.ge [sflag:s31], $0x50  }
0x55: {  	[sflag:s31] =	ssyncset.done $0x0  }
0x56: {  	s19 =	rddreg [dreg:$0x9];
	[sflag:s31] =	ssyncadd.s32 $0xFFFFFFB0  }
0x57: {  	[spmem:s19] =	stream.linear.scatter [tilespmem:s0], [sflag:$0x4], $0x50, $0x38;
	[tilespmem:$0x1DB00] =	vst v63  }
0x58: {  	_ =	swait.ge [sflag:s31], $0x50  }
0x59: {  	[sflag:s31] =	ssyncset.done $0x0  }
0x5a: {  	s21 =	rddreg [dreg:$0xa];
	[sflag:s31] =	ssyncadd.s32 $0xFFFFFFB0  }
0x5b: {  	[spmem:s21] =	stream.linear.scatter [tilespmem:s0], [sflag:$0x4], $0x50, $0x38;
	[tilespmem:$0x1DB00] =	vst v63  }
0x5c: {  	_ =	swait.ge [sflag:s31], $0x50  }
0x5d: {  	[sflag:s31] =	ssyncset.done $0x0  }
0x5e: {  	s22 =	rddreg [dreg:$0xb];
	[sflag:s31] =	ssyncadd.s32 $0xFFFFFFB0  }
0x5f: {  	[spmem:s22] =	stream.linear.scatter [tilespmem:s0], [sflag:$0x4], $0x50, $0x38;
	[tilespmem:$0x1DB00] =	vst v63  }
0x60: {  	_ =	swait.ge [sflag:s31], $0x50  }
0x61: {  	[sflag:s31] =	ssyncset.done $0x0  }
0x62: {  	s23 =	rddreg [dreg:$0xc];
	[sflag:s31] =	ssyncadd.s32 $0xFFFFFFB0  }
0x63: {  	[spmem:s23] =	stream.linear.scatter [tilespmem:s0], [sflag:$0x4], $0x50, $0x38;
	[tilespmem:$0x1DB00] =	vst v63  }
0x64: {  	_ =	swait.ge [sflag:s31], $0x50  }
0x65: {  	[sflag:s31] =	ssyncset.done $0x0  }
0x66: {  	s24 =	rddreg [dreg:$0xd];
	[sflag:s31] =	ssyncadd.s32 $0xFFFFFFB0  }
0x67: {  	[spmem:s24] =	stream.linear.scatter [tilespmem:s0], [sflag:$0x4], $0x50, $0x38;
	[tilespmem:$0x1DB00] =	vst v63  }
0x68: {  	_ =	swait.ge [sflag:s31], $0x50  }
0x69: {  	[sflag:s31] =	ssyncset.done $0x0  }
0x6a: {  	[sflag:s31] =	ssyncadd.s32 $0xFFFFFFB0  }
0x6b: {  	[tilespmem:$0x1D800] =	vst v1  }
0x6c: {  	[tilespmem:$0x1D810] =	vst v1  }
0x6d: {  	[tilespmem:$0x1D820] =	vst v1  }
0x6e: {  	[tilespmem:$0x1D830] =	vst v1  }
0x6f: {  	[tilespmem:$0x1D840] =	vst v1  }
0x70: {  	s18 =	simm.s32 $0x0;
	[bflag:$0x0] =	sbarrier.arrive $0xFFFF  }
.LBB2_2:
0x71: {  	s19 =	sshll.u32 s18, $0xC  }
0x72: {  	s19 =	sadd.s32 s20, s19  }
0x73: {  	s21 =	sshrl.u32 s19, $0x3  }
0x74: {  	s19 =	simm.s32 $0x0;
	s22 =	sadd.s32 s6, s21  }
0x75: {  	[tilespmem:s19], [sflag:$0x4] =	stream.linear.gather [hbm4b:s22+s19], $0xC80, $0x38;
	[tilespmem:$0x1DB00] =	vst v63  }
0x76: {  	_ =	swait.ge [sflag:s31], $0xC80  }
0x77: {  	[sflag:s31] =	ssyncset.done $0x0  }
0x78: {  	s24 =	sadd.s32 s7, s21;
	s21 =	simm.s32 $0x1000;
	[sflag:s31] =	ssyncadd.s32 $0xFFFFF380  }
0x79: {  	[tilespmem:s21], [sflag:$0x4] =	stream.linear.gather [hbm4b:s24+s19], $0xC80, $0x38;
	[tilespmem:$0x1DB00] =	vst v63  }
0x7a: {  	_ =	swait.ge [sflag:s31], $0xC80  }
0x7b: {  	[sflag:s31] =	ssyncset.done $0x0  }
0x7c: {  	[sflag:s31] =	ssyncadd.s32 $0xFFFFF380  }
0x7d: {  	[tilespmem:s9], [sflag:$0x1] =	stream.indirect.gather [hbm4b:s5+s3], $0x80, s19, s3, $0xb8;
	[tilespmem:$0x1DB00] =	vst v63  }
0x7e: {  	s22 =	simm.s32 $0x100  }
0x7f: {  	[tilespmem:s13], [sflag:$0x1] =	stream.indirect.gather [hbm4b:s5+s3], $0x80, s11, s3, $0xb8;
	[tilespmem:$0x1DB00] =	vst v63  }
.LBB2_3:
0x80: {  	s23 =	smul.u32 $0xAB, s19;
	_ =	sdelay $0x1  }
0x81: {  	s23 =	sshrl.u32 s23, $0x9  }
0x82: {  	s23 =	sand.u32 $0x7F, s23  }
0x83: {  	s23 =	smul.u32 $0x3, s23;
	_ =	sdelay $0x1  }
0x84: {  	s23 =	ssub.s32 s19, s23  }
0x85: {  	s23 =	sand.u32 $0xFF, s23  }
0x86: {  	s23 =	smul.u32 $0xA000, s23  }
0x87: {  	_ =	swait.ge [sflag:s14], $0x2800  }
0x88: {  	[sflag:s14] =	ssyncset.done $0x0;
	s23 =	sshrl.u32 s23, $0x2  }
0x89: {  	p0 =	seq.s32 s19, $0x0;
	[sflag:s14] =	ssyncadd.s32 $0xFFFFD800;
	s23 =	sadd.s32 $0x2000, s23  }
0x8a: {  	[spmem:s1] =	stream.indirect.scatter.add.f32 [tilespmem:s23], [sflag:$0x2], $0x80, s21, s3, $0xb8;
	[tilespmem:$0x1DB00] =	vst v63  }
0x8b: {  	s23 =	simm.s32 @!p0 $0x2  }
0x8c: {  	[spmem:s2] =	stream.indirect.scatter.add.f32 [tilespmem:s0], [sflag:$0x3], $0x1, s21, s3, $0xb8;
	[tilespmem:$0x1DB00] =	vst v63  }
0x8d: {  	p1 =	sgt.u32 @!p0 s19, $0x16;
	_ =	swait.ge @!p0 [sflag:s23], $0x2800  }
0x8e: {  	p1 =	por p0, !p1;
	[sflag:s23] =	ssyncset.done @!p0 $0x0  }
0x8f: {  	[sflag:s23] =	ssyncadd.s32 @!p0 $0xFFFFD800;
	s23 =	sadd.s32 @p1 $0x2, s19  }
0x90: {  	s24 =	smul.u32 @p1 $0xAB, s23;
	_ =	sdelay $0x1  }
0x91: {  	s24 =	sshrl.u32 @p1 s24, $0x9  }
0x92: {  	s24 =	sand.u32 @p1 $0x7F, s24  }
0x93: {  	s24 =	smul.u32 @p1 $0x3, s24;
	_ =	sdelay $0x1  }
0x94: {  	s23 =	ssub.s32 @p1 s23, s24  }
0x95: {  	s19 =	sadd.s32 $0x1, s19;
	s23 =	sand.u32 @p1 $0xFF, s23  }
0x96: {  	p0 =	sne.s32 s19, $0x19;
	s23 =	smul.u32 @p1 $0xA000, s23  }
.Ltmp0:
0x97: {  	_ = 	snop;
	(pc) =	sbr.rel @p0 .LBB2_3-.Ltmp0, $4  }
0x98: {  	s23 =	sshrl.u32 @p1 s23, $0x2  }
0x99: {  	s23 =	sadd.s32 @p1 $0x2000, s23  }
0x9a: {  	[tilespmem:s23], [sflag:$0x1] =	stream.indirect.gather @p1 [hbm4b:s5+s3], $0x80, s22, s3, $0xb8;
	[tilespmem:$0x1DB00] =	vst v63  }
0x9b: {  	s21 =	sadd.s32 $0x80, s21;
	s22 =	sadd.s32 $0x80, s22  }
0x9c: {  	_ =	swait.ge [sflag:s15], $0x2800  }
0x9d: {  	[sflag:s15] =	ssyncset.done $0x0  }
0x9e: {  	[sflag:s15] =	ssyncadd.s32 $0xFFFFD800  }
0x9f: {  	_ =	swait.ge [sflag:s16], $0x50  }
0xa0: {  	[sflag:s16] =	ssyncset.done $0x0  }
0xa1: {  	[sflag:s16] =	ssyncadd.s32 $0xFFFFFFB0  }
0xa2: {  	_ =	swait.ge [sflag:s16], $0x50  }
0xa3: {  	[sflag:s16] =	ssyncset.done $0x0  }
0xa4: {  	[sflag:s16] =	ssyncadd.s32 $0xFFFFFFB0  }
0xa5: {  	_ =	swait.ge [sflag:s16], $0x50  }
0xa6: {  	[sflag:s16] =	ssyncset.done $0x0  }
0xa7: {  	[sflag:s16] =	ssyncadd.s32 $0xFFFFFFB0  }
0xa8: {  	_ =	swait.ge [sflag:s16], $0x50  }
0xa9: {  	[sflag:s16] =	ssyncset.done $0x0  }
0xaa: {  	[sflag:s16] =	ssyncadd.s32 $0xFFFFFFB0  }
0xab: {  	_ =	swait.ge [sflag:s16], $0x50  }
0xac: {  	[sflag:s16] =	ssyncset.done $0x0  }
0xad: {  	[sflag:s16] =	ssyncadd.s32 $0xFFFFFFB0  }
0xae: {  	_ =	swait.ge [sflag:s16], $0x50  }
0xaf: {  	[sflag:s16] =	ssyncset.done $0x0  }
0xb0: {  	[sflag:s16] =	ssyncadd.s32 $0xFFFFFFB0  }
0xb1: {  	_ =	swait.ge [sflag:s16], $0x50  }
0xb2: {  	[sflag:s16] =	ssyncset.done $0x0  }
0xb3: {  	[sflag:s16] =	ssyncadd.s32 $0xFFFFFFB0  }
0xb4: {  	_ =	swait.ge [sflag:s16], $0x50  }
0xb5: {  	[sflag:s16] =	ssyncset.done $0x0  }
0xb6: {  	[sflag:s16] =	ssyncadd.s32 $0xFFFFFFB0  }
0xb7: {  	_ =	swait.ge [sflag:s16], $0x50  }
0xb8: {  	[sflag:s16] =	ssyncset.done $0x0  }
0xb9: {  	[sflag:s16] =	ssyncadd.s32 $0xFFFFFFB0  }
0xba: {  	_ =	swait.ge [sflag:s16], $0x50  }
0xbb: {  	[sflag:s16] =	ssyncset.done $0x0  }
0xbc: {  	[sflag:s16] =	ssyncadd.s32 $0xFFFFFFB0  }
0xbd: {  	_ =	swait.ge [sflag:s16], $0x50  }
0xbe: {  	[sflag:s16] =	ssyncset.done $0x0  }
0xbf: {  	[sflag:s16] =	ssyncadd.s32 $0xFFFFFFB0  }
0xc0: {  	_ =	swait.ge [sflag:s16], $0x50  }
0xc1: {  	[sflag:s16] =	ssyncset.done $0x0  }
0xc2: {  	[sflag:s16] =	ssyncadd.s32 $0xFFFFFFB0  }
0xc3: {  	_ =	swait.ge [sflag:s16], $0x50  }
0xc4: {  	[sflag:s16] =	ssyncset.done $0x0  }
0xc5: {  	[sflag:s16] =	ssyncadd.s32 $0xFFFFFFB0  }
0xc6: {  	_ =	swait.ge [sflag:s16], $0x50  }
0xc7: {  	[sflag:s16] =	ssyncset.done $0x0  }
0xc8: {  	[sflag:s16] =	ssyncadd.s32 $0xFFFFFFB0  }
0xc9: {  	_ =	swait.ge [sflag:s16], $0x50  }
0xca: {  	[sflag:s16] =	ssyncset.done $0x0  }
0xcb: {  	[sflag:s16] =	ssyncadd.s32 $0xFFFFFFB0  }
0xcc: {  	_ =	swait.ge [sflag:s16], $0x50  }
0xcd: {  	[sflag:s16] =	ssyncset.done $0x0  }
0xce: {  	[sflag:s16] =	ssyncadd.s32 $0xFFFFFFB0  }
0xcf: {  	_ =	swait.ge [sflag:s16], $0x50  }
0xd0: {  	[sflag:s16] =	ssyncset.done $0x0  }
0xd1: {  	[sflag:s16] =	ssyncadd.s32 $0xFFFFFFB0  }
0xd2: {  	_ =	swait.ge [sflag:s16], $0x50  }
0xd3: {  	[sflag:s16] =	ssyncset.done $0x0  }
0xd4: {  	[sflag:s16] =	ssyncadd.s32 $0xFFFFFFB0  }
0xd5: {  	_ =	swait.ge [sflag:s16], $0x50  }
0xd6: {  	[sflag:s16] =	ssyncset.done $0x0  }
0xd7: {  	[sflag:s16] =	ssyncadd.s32 $0xFFFFFFB0  }
0xd8: {  	_ =	swait.ge [sflag:s16], $0x50  }
0xd9: {  	[sflag:s16] =	ssyncset.done $0x0  }
0xda: {  	[sflag:s16] =	ssyncadd.s32 $0xFFFFFFB0  }
0xdb: {  	_ =	swait.ge [sflag:s16], $0x50  }
0xdc: {  	[sflag:s16] =	ssyncset.done $0x0  }
0xdd: {  	[sflag:s16] =	ssyncadd.s32 $0xFFFFFFB0  }
0xde: {  	_ =	swait.ge [sflag:s16], $0x50  }
0xdf: {  	[sflag:s16] =	ssyncset.done $0x0  }
0xe0: {  	[sflag:s16] =	ssyncadd.s32 $0xFFFFFFB0  }
0xe1: {  	_ =	swait.ge [sflag:s16], $0x50  }
0xe2: {  	[sflag:s16] =	ssyncset.done $0x0  }
0xe3: {  	s18 =	sadd.s32 $0x1, s18;
	[sflag:s16] =	ssyncadd.s32 $0xFFFFFFB0  }
0xe4: {  	p0 =	sne.s32 s18, $0x5;
	_ =	swait.ge [sflag:s16], $0x50  }
.Ltmp1:
0xe5: {  	[sflag:s16] =	ssyncset.done $0x0;
	(pc) =	sbr.rel @p0 .LBB2_2-.Ltmp1, $4  }
0xe6: {  	[sflag:s16] =	ssyncadd.s32 $0xFFFFFFB0  }
0xe7: {  	_ =	swait.ge [sflag:s16], $0x50  }
0xe8: {  	[sflag:s16] =	ssyncset.done $0x0  }
0xe9: {  	[sflag:s16] =	ssyncadd.s32 $0xFFFFFFB0  }
0xea: {  	[bflag:$0x0] =	sbarrier.arrive $0xFFFF  }
0xeb: {  	s18 =	rddreg [dreg:$0xe]  }
0xec: {  	[hbm:s18], [sflag:s10] =	dma.local [spmem:s17], $0x2800  }
0xed: {  	_ =	swait.ge [sflag:s31], $0x2800  }
0xee: {  	s22 =	sshrl.u32 s12, $0x3;
	s19 =	simm.s32 $0x20;
	[sflag:s31] =	ssyncset.done $0x0  }
0xef: {  	s21 =	simm.s32 $0x10;
	s23 =	rddreg [dreg:$0x6];
	[sflag:s31] =	ssyncadd.s32 $0xFFFFD800  }
0xf0: {  	[hbm:s23@s19], [sflag:s10] =	dma.strided [spmem:s22@s21], $0x50, s14, $0x10   }
0xf1: {  	_ =	swait.ge [sflag:s31], $0x50  }
0xf2: {  	s4 =	sadd.s32 $0x1, s4;
	s24 =	rddreg [dreg:$0xf]  }
0xf3: {  	p0 =	sne.s32 s4, s24  }
.Ltmp2:
0xf4: {  	_ = 	snop;
	(pc) =	sbr.rel @p0 .LBB2_1-.Ltmp2, $3  }
0xf5: {  	_ =	sdelay $0x1  }
0xf6: {  	[sflag:s31] =	ssyncset.done $0x0  }
0xf7: {  	[sflag:s31] =	ssyncadd.s32 $0xFFFFFFB0  }
0xf8: {  	_ =	sfence.sel $0x180000  }
0xf9: {  	[bflag:$0x0] =	sbarrier.arrive $0xFFFF  }
0xfa: {  	_ =	strace $0x90000047  }
0xfb: {  	s0 =	stileid.u32;
	[bflag:$0x2] =	sbarrier.arrive $0xFFFF  }
0xfc: {  	p0 =	sne.s32 s0, $0x0;
	s0 =	rddreg [dreg:$0x4]  }
0xfd: {  	s0 =	sadd.s32 @!p0 $0x100000, s0  }
0xfe: {  	[sflag:s0] =	ssyncadd.tile.s32 @!p0 $0x1;
	_ =	shalt  }
.Lfunc_end2:
_tile_overlayer_lowered:
.L_overlay_start_2:
0xff: {  	(tag) =	ssettag $0x2  }
0x100: {  	s0 =	rddreg [dreg:$0x0];
	s2 =	stileid.u32  }
0x101: {  	s1 =	rddreg [dreg:$0x1];
	p0 =	sne.s32 s2, $0x0  }
0x102: {  	s3 =	rddreg [dreg:$0x2];
	[bflag:$0x3] =	sbarrier.arrive $0xFFFF;
	s2 =	simm.s32 @!p0 $0x1C04  }
0x103: {  	[timem:s3], [sflag:s2] =	dma.local @!p0 [hbm:s0], s1  }
0x104: {  	s0 =	simm.s32 @!p0 $0x4  }
0x105: {  	_ =	swait.ge @!p0 [sflag:s0], s1  }
0x106: {  	s1 =	ssub.s32 @!p0 $0x0, s1;
	[sflag:s0] =	ssyncset.done @!p0 $0x0  }
0x107: {  	[sflag:s0] =	ssyncadd.s32 @!p0 s1  }
0x108: {  	[bflag:$0x3] =	sbarrier.arrive $0xFFFF  }
0x109: {  	_ =	shalt  }

</sc_bundles>
